<compile_context>
chip_gen: v7x
topology: tpu7x:2x2x1
jax: 0.10.2.dev20260603
libtpu: 0.0.44.dev20260713+nightly
codegen_flags: <defaults>
</compile_context>

<pallas_src>
import functools

import jax
import jax.numpy as jnp
import numpy as np
from jax import lax
from jax.experimental import pallas as pl
from jax.experimental.pallas import tpu as pltpu
from jax.experimental.pallas import tpu_sc as plsc

N = 10000
E = 320000
NSF = 128
HID = 128
NV = 16
F = NV * 8

NC = 2
NSC = 16
NW = NC * NSC
EW = E // NW
ECH = 80
NCHUNK = EW // ECH

_SUB = np.array([1, 3, 3, 1])


def _build_cayley_np():
    blades = [0, 1, 2, 4, 3, 5, 6, 7]
    index = {b: i for i, b in enumerate(blades)}

    def reorder_sign(a, b):
        a = a >> 1
        s = 0
        while a:
            s += bin(a & b).count('1')
            a = a >> 1
        return -1.0 if (s % 2) else 1.0

    C = np.zeros((8, 8, 8), dtype=np.float32)
    for i, a in enumerate(blades):
        for k, b in enumerate(blades):
            C[i, index[a ^ b], k] += reorder_sign(a, b)
    return C


_CAY = _build_cayley_np()

_G_SUM = np.kron(np.eye(NV), np.ones((8, 1))).astype(np.float32)
_R_EXP = np.kron(np.eye(NV), np.ones((1, 8))).astype(np.float32)
_E_SEL = np.stack(
    [np.kron(np.eye(NV), ((np.arange(8) == i).astype(np.float32)[:, None]
                          * np.ones((1, 8), np.float32))) for i in range(8)])
_M_MIX = np.stack(
    [np.kron(np.eye(NV), _CAY[i].T).astype(np.float32) for i in range(8)])


def _mv_big(w):
    w8 = jnp.repeat(w, jnp.asarray(_SUB), axis=-1, total_repeat_length=8)
    wt = jnp.transpose(w8, (1, 0, 2))
    eye8 = jnp.eye(8, dtype=w.dtype)
    big = jnp.einsum('mni,ij->minj', wt, eye8)
    return big.reshape(w.shape[1] * 8, w.shape[0] * 8)


def _bias_flat(b):
    return jnp.zeros((b.shape[0], 8), b.dtype).at[:, 0].set(b).reshape(-1)



def _pre_body(s_ref, vf_ref, pos_ref, wsi_ref, wsj_ref, wbv_ref, wp_ref,
              b1_ref, ts_ref, tr_ref):
    s_blk = s_ref[...]
    posw = pos_ref[...] * wp_ref[...]
    pv = jnp.dot(vf_ref[...], wbv_ref[...], preferred_element_type=jnp.float32)
    a = jnp.dot(s_blk, wsi_ref[...], preferred_element_type=jnp.float32) + posw
    b = (jnp.dot(s_blk, wsj_ref[...], preferred_element_type=jnp.float32)
         - posw + b1_ref[...])

    def _rne16(x):
        u = lax.bitcast_convert_type(x, jnp.uint32)
        return (u + 0x7FFF + ((u >> 16) & 1)) >> 16

    pv_hi = _rne16(pv) << 16
    ts_ref[...] = lax.bitcast_convert_type(pv_hi | _rne16(a), jnp.int32)
    tr_ref[...] = lax.bitcast_convert_type(pv_hi | _rne16(b), jnp.int32)


def _edge_body(ts_ref, tr_ref, weg_ref, w2_ref, pw1_ref, wpr_ref, bias_ref,
               msg_ref, pm_ref):
    tsu = lax.bitcast_convert_type(ts_ref[...], jnp.uint32)
    tru = lax.bitcast_convert_type(tr_ref[...], jnp.uint32)
    a_s = lax.bitcast_convert_type(tsu << 16, jnp.float32)
    b_r = lax.bitcast_convert_type(tru << 16, jnp.float32)
    pv_s = lax.bitcast_convert_type(tsu & jnp.uint32(0xFFFF0000), jnp.float32)
    pv_r = lax.bitcast_convert_type(tru & jnp.uint32(0xFFFF0000), jnp.float32)
    bias = bias_ref[...]
    vij = pv_r - pv_s + bias[0:1, :]
    vsq = (vij * vij).astype(jnp.bfloat16)
    hpre = (a_s + b_r
            + jnp.dot(vsq, weg_ref[...], preferred_element_type=jnp.float32))
    h = jnp.maximum(hpre, 0.0).astype(jnp.bfloat16)
    msg = jnp.dot(h, w2_ref[...], preferred_element_type=jnp.float32) + bias[1:2, :]
    ph = jnp.maximum(
        jnp.dot(msg.astype(jnp.bfloat16), pw1_ref[...],
                preferred_element_type=jnp.float32) + bias[2:3, :], 0.0)
    pse = jnp.dot(ph.astype(jnp.bfloat16), wpr_ref[...],
                  preferred_element_type=jnp.float32) + bias[3:4, :]
    msg_ref[...] = msg
    pm_ref[...] = vij * pse


def _node_body(s_ref, vf_ref, msgp_ref, pmp_ref, cntp_ref,
               u1a_ref, u1b_ref, u2_ref, wls_ref, wrs_ref, wo1_ref, wo2_ref,
               g_ref, vec_ref, blrs_ref, sout_ref, vout_ref):
    s_blk = s_ref[...]
    vecs = vec_ref[...]
    blrs = blrs_ref[...]
    cnt = cntp_ref[0, :, :1] + cntp_ref[1, :, :1]
    sq = jnp.sqrt(cnt)
    ma = (msgp_ref[0] + msgp_ref[1]) / sq
    pma = (pmp_ref[0] + pmp_ref[1]) / sq
    uh = jnp.maximum(
        jnp.dot(s_blk, u1a_ref[...], preferred_element_type=jnp.float32)
        + jnp.dot(ma, u1b_ref[...], preferred_element_type=jnp.float32)
        + vecs[0:1, :], 0.0)
    sout_ref[...] = s_blk + jnp.dot(
        uh, u2_ref[...], preferred_element_type=jnp.float32) + vecs[1:2, :]
    lh = jnp.dot(pma, wls_ref[...], preferred_element_type=jnp.float32) + blrs[0:1, :]
    rh = jnp.dot(pma, wrs_ref[...], preferred_element_type=jnp.float32) + blrs[1:2, :]
    gp = lh[:, :F] * rh[:, :F]
    for i in range(1, 8):
        gp = gp + lh[:, i * F:(i + 1) * F] * rh[:, i * F:(i + 1) * F]
    vo = (jnp.dot(gp, wo1_ref[...], preferred_element_type=jnp.float32)
          + jnp.dot(pma, wo2_ref[...], preferred_element_type=jnp.float32)
          + vecs[2:3, :])
    ss = jnp.dot(vo * vo, g_ref[...], preferred_element_type=jnp.float32)
    nrm = jnp.sqrt(ss + 1e-8)
    mean = jnp.sum(nrm, axis=1, keepdims=True) * (1.0 / NV) + 1e-6
    vout_ref[...] = vecs[3:4, :] * vo / mean + vf_ref[...]



def _sc_mesh():
    return plsc.VectorSubcoreMesh(core_axis_name="c", subcore_axis_name="s",
                                  num_cores=NC, num_subcores=NSC)


def _gather_call(ts, tr, send, rec):
    @functools.partial(
        pl.kernel,
        out_type=(jax.ShapeDtypeStruct((E, NSF), jnp.int32),
                  jax.ShapeDtypeStruct((E, NSF), jnp.int32)),
        mesh=_sc_mesh(),
        scratch_types=[
            pltpu.VMEM((EW,), jnp.int32),
            pltpu.VMEM((EW,), jnp.int32),
            pltpu.VMEM((ECH, NSF), jnp.int32),
            pltpu.VMEM((ECH, NSF), jnp.int32),
            pltpu.VMEM((ECH, NSF), jnp.int32),
            pltpu.VMEM((ECH, NSF), jnp.int32),
            pltpu.SemaphoreType.DMA,
            pltpu.SemaphoreType.DMA,
        ],
    )
    def k(ts_hbm, tr_hbm, send_hbm, rec_hbm, os_hbm, or_hbm,
          slab_s, slab_r, bs0, br0, bs1, br1, sg, sw):
        wid = lax.axis_index("s") * NC + lax.axis_index("c")
        base = wid * EW
        pltpu.sync_copy(send_hbm.at[pl.ds(base, EW)], slab_s)
        pltpu.sync_copy(rec_hbm.at[pl.ds(base, EW)], slab_r)

        @pl.loop(0, NCHUNK // 2)
        def _(i):
            e0 = 2 * i * ECH
            e1 = e0 + ECH
            g0a = pltpu.async_copy(ts_hbm.at[slab_s.at[pl.ds(e0, ECH)]], bs0, sg)
            g0b = pltpu.async_copy(tr_hbm.at[slab_r.at[pl.ds(e0, ECH)]], br0, sg)
            g1a = pltpu.async_copy(ts_hbm.at[slab_s.at[pl.ds(e1, ECH)]], bs1, sg)
            g1b = pltpu.async_copy(tr_hbm.at[slab_r.at[pl.ds(e1, ECH)]], br1, sg)
            g0a.wait()
            g0b.wait()
            w0a = pltpu.async_copy(bs0, os_hbm.at[pl.ds(base + e0, ECH)], sw)
            w0b = pltpu.async_copy(br0, or_hbm.at[pl.ds(base + e0, ECH)], sw)
            g1a.wait()
            g1b.wait()
            w1a = pltpu.async_copy(bs1, os_hbm.at[pl.ds(base + e1, ECH)], sw)
            w1b = pltpu.async_copy(br1, or_hbm.at[pl.ds(base + e1, ECH)], sw)
            w0a.wait()
            w0b.wait()
            w1a.wait()
            w1b.wait()

        elast = (NCHUNK - 1) * ECH
        ga = pltpu.async_copy(ts_hbm.at[slab_s.at[pl.ds(elast, ECH)]], bs0, sg)
        gb = pltpu.async_copy(tr_hbm.at[slab_r.at[pl.ds(elast, ECH)]], br0, sg)
        ga.wait()
        gb.wait()
        pltpu.sync_copy(bs0, os_hbm.at[pl.ds(base + elast, ECH)])
        pltpu.sync_copy(br0, or_hbm.at[pl.ds(base + elast, ECH)])

    return k(ts, tr, send, rec)


_WB = 624


def _scatter_call(msg, pm, rec2, send2, zmsg, ones_c):
    @functools.partial(
        pl.kernel,
        out_type=(jax.ShapeDtypeStruct((NC * N, NSF), jnp.float32),
                  jax.ShapeDtypeStruct((NC * N, F), jnp.float32),
                  jax.ShapeDtypeStruct((NC * N, NSF), jnp.float32)),
        mesh=_sc_mesh(),
        scratch_types=[
            pltpu.VMEM_SHARED((N, NSF), jnp.float32),
            pltpu.VMEM((ECH, NSF), jnp.float32),
            pltpu.VMEM((ECH, NSF), jnp.float32),
            pltpu.VMEM((ECH, NSF), jnp.float32),
            pltpu.VMEM((1, ECH), jnp.int32),
            pltpu.VMEM((1, ECH), jnp.int32),
            pltpu.SemaphoreType.DMA,
            pltpu.SemaphoreType.DMA,
            pltpu.SemaphoreType.DMA,
        ],
    )
    def k(msg_hbm, pm_hbm, rec_hbm, send_hbm, zm_hbm, on_hbm,
          omsg_hbm, opm_hbm, ocnt_hbm, acc, buf0, buf1, ones_v,
          idx0, idx1, si, sl, sa):
        c = lax.axis_index("c")
        sid = lax.axis_index("s")
        cbase = (sid * NC + c) * NCHUNK
        r0 = sid * _WB
        tail = NSC * _WB
        ntail = N - tail

        pltpu.sync_copy(on_hbm, ones_v)

        def scatter_phase(src_hbm, out_hbm):
            @pl.when(sid == 0)
            def _():
                pltpu.sync_copy(zm_hbm, acc)

            plsc.subcore_barrier()

            @pl.loop(0, NCHUNK // 2)
            def _(i):
                c0 = cbase + 2 * i
                c1 = c0 + 1
                i0 = pltpu.async_copy(rec_hbm.at[pl.ds(c0, 1)], idx0, si)
                i1 = pltpu.async_copy(rec_hbm.at[pl.ds(c1, 1)], idx1, si)
                l0 = pltpu.async_copy(src_hbm.at[pl.ds(c0 * ECH, ECH)], buf0, sl)
                l1 = pltpu.async_copy(src_hbm.at[pl.ds(c1 * ECH, ECH)], buf1, sl)
                i0.wait()
                l0.wait()
                a0 = pltpu.async_copy(buf0, acc.at[idx0.at[0]], sa, add=True)
                i1.wait()
                l1.wait()
                a1 = pltpu.async_copy(buf1, acc.at[idx1.at[0]], sa, add=True)
                a0.wait()
                a1.wait()

            clast = cbase + NCHUNK - 1
            pltpu.sync_copy(rec_hbm.at[pl.ds(clast, 1)], idx0)
            pltpu.sync_copy(src_hbm.at[pl.ds(clast * ECH, ECH)], buf0)
            pltpu.sync_copy(buf0, acc.at[idx0.at[0]], add=True)

            plsc.subcore_barrier()
            pltpu.sync_copy(acc.at[pl.ds(r0, _WB)],
                            out_hbm.at[pl.ds(c * N + r0, _WB)])

            @pl.when(sid == NSC - 1)
            def _():
                pltpu.sync_copy(acc.at[pl.ds(tail, ntail)],
                                out_hbm.at[pl.ds(c * N + tail, ntail)])

            plsc.subcore_barrier()

        scatter_phase(msg_hbm, omsg_hbm)
        scatter_phase(pm_hbm, opm_hbm)

        @pl.when(sid == 0)
        def _():
            pltpu.sync_copy(zm_hbm, acc)

        plsc.subcore_barrier()

        @pl.loop(0, NCHUNK // 2)
        def _(i):
            c0 = cbase + 2 * i
            c1 = c0 + 1
            i0 = pltpu.async_copy(send_hbm.at[pl.ds(c0, 1)], idx0, si)
            i1 = pltpu.async_copy(send_hbm.at[pl.ds(c1, 1)], idx1, si)
            i0.wait()
            a0 = pltpu.async_copy(ones_v, acc.at[idx0.at[0]], sa, add=True)
            i1.wait()
            a1 = pltpu.async_copy(ones_v, acc.at[idx1.at[0]], sa, add=True)
            a0.wait()
            a1.wait()

        clast = cbase + NCHUNK - 1
        pltpu.sync_copy(send_hbm.at[pl.ds(clast, 1)], idx0)
        pltpu.sync_copy(ones_v, acc.at[idx0.at[0]], add=True)

        plsc.subcore_barrier()
        pltpu.sync_copy(acc.at[pl.ds(r0, _WB)], ocnt_hbm.at[pl.ds(c * N + r0, _WB)])

        @pl.when(sid == NSC - 1)
        def _():
            pltpu.sync_copy(acc.at[pl.ds(tail, ntail)],
                            ocnt_hbm.at[pl.ds(c * N + tail, ntail)])

    return k(msg, pm, rec2, send2, zmsg, ones_c)



BN = 2000
BE = 2560


def _full(shape):
    return pl.BlockSpec(shape, lambda i: tuple(0 for _ in shape))


def _pre_call(s, vf, pos, wsi, wsj, wbv, wp, b1):
    grid = (N // BN,)
    return pl.pallas_call(
        _pre_body,
        grid=grid,
        in_specs=[
            pl.BlockSpec((BN, NSF), lambda i: (i, 0)),
            pl.BlockSpec((BN, F), lambda i: (i, 0)),
            pl.BlockSpec((BN, 1), lambda i: (i, 0)),
            _full((NSF, NSF)), _full((F, F)), _full((F, F)),
            _full((1, NSF)), _full((1, NSF)),
        ],
        out_specs=[
            pl.BlockSpec((BN, NSF), lambda i: (i, 0)),
            pl.BlockSpec((BN, NSF), lambda i: (i, 0)),
        ],
        out_shape=[
            jax.ShapeDtypeStruct((N, NSF), jnp.int32),
            jax.ShapeDtypeStruct((N, NSF), jnp.int32),
        ],
    )(s, vf, pos, wsi, wsj, wbv, wp, b1)


def _edge_call(ts_e, tr_e, weg, w2, pw1, wpr, bias4):
    grid = (E // BE,)
    return pl.pallas_call(
        _edge_body,
        grid=grid,
        in_specs=[
            pl.BlockSpec((BE, NSF), lambda i: (i, 0)),
            pl.BlockSpec((BE, NSF), lambda i: (i, 0)),
            _full((NSF, NSF)), _full((NSF, NSF)), _full((NSF, NSF)),
            _full((NSF, NSF)), _full((4, NSF)),
        ],
        out_specs=[
            pl.BlockSpec((BE, NSF), lambda i: (i, 0)),
            pl.BlockSpec((BE, F), lambda i: (i, 0)),
        ],
        out_shape=[
            jax.ShapeDtypeStruct((E, NSF), jnp.float32),
            jax.ShapeDtypeStruct((E, F), jnp.float32),
        ],
        compiler_params=pltpu.CompilerParams(
            dimension_semantics=("arbitrary",)),
    )(ts_e, tr_e, weg, w2, pw1, wpr, bias4)


def _node_call(s, vf, msgp, pmp, cntp, u1a, u1b, u2, wls, wrs, wo1, wo2,
               g, vec4, blrs):
    grid = (N // BN,)
    return pl.pallas_call(
        _node_body,
        grid=grid,
        in_specs=[
            pl.BlockSpec((BN, NSF), lambda i: (i, 0)),
            pl.BlockSpec((BN, F), lambda i: (i, 0)),
            pl.BlockSpec((NC, BN, NSF), lambda i: (0, i, 0)),
            pl.BlockSpec((NC, BN, F), lambda i: (0, i, 0)),
            pl.BlockSpec((NC, BN, NSF), lambda i: (0, i, 0)),
            _full((NSF, NSF)), _full((NSF, NSF)), _full((NSF, NSF)),
            _full((NSF, 8 * F)), _full((NSF, 8 * F)),
            _full((F, F)), _full((F, F)),
            _full((F, NV)), _full((4, NSF)), _full((2, 8 * F)),
        ],
        out_specs=[
            pl.BlockSpec((BN, NSF), lambda i: (i, 0)),
            pl.BlockSpec((BN, F), lambda i: (i, 0)),
        ],
        out_shape=[
            jax.ShapeDtypeStruct((N, NSF), jnp.float32),
            jax.ShapeDtypeStruct((N, F), jnp.float32),
        ],
    )(s, vf, msgp, pmp, cntp, u1a, u1b, u2, wls, wrs, wo1, wo2, g, vec4, blrs)



def kernel(s, v, positions, edge_index, v_w, v_b, msg_w1, msg_b1, msg_w2,
           msg_b2, pos_w1, pos_b1, pos_w2, pos_b2, upd_w1, upd_b1, upd_w2,
           upd_b2, gp_left_w, gp_left_b, gp_right_w, gp_right_b, gp_out_w,
           gp_out_b, gp_norm_a):
    f32 = jnp.float32
    send = edge_index[0]
    rec = edge_index[1]
    vf = v.reshape(N, F)
    pos = positions.reshape(N, 1)

    wsi = msg_w1[:, :NSF].T
    wsj = msg_w1[:, NSF:2 * NSF].T
    we_t = msg_w1[:, 2 * NSF:2 * NSF + NV].T
    wp = msg_w1[:, 2 * NSF + NV].reshape(1, NSF)
    weg = jnp.asarray(_G_SUM) @ we_t
    wbv = _mv_big(v_w)
    bv = _bias_flat(v_b)
    wpr = pos_w2.T @ jnp.asarray(_R_EXP)
    bpr = pos_b2 @ jnp.asarray(_R_EXP)
    bias4 = jnp.stack([bv, msg_b2, pos_b1, bpr], axis=0)

    wbl = _mv_big(gp_left_w)
    bl = _bias_flat(gp_left_b)
    wbr = _mv_big(gp_right_w)
    br = _bias_flat(gp_right_b)
    esel = jnp.asarray(_E_SEL)
    mmix = jnp.asarray(_M_MIX)
    wls = jnp.einsum('pq,iqr->pir', wbl, esel).reshape(F, 8 * F)
    bls = jnp.einsum('q,iqr->ir', bl, esel).reshape(8 * F)
    wrs = jnp.einsum('pq,iqr->pir', wbr, mmix).reshape(F, 8 * F)
    brs = jnp.einsum('q,iqr->ir', br, mmix).reshape(8 * F)
    blrs = jnp.stack([bls, brs], axis=0)

    wbo = _mv_big(gp_out_w)
    wo1 = wbo[:F]
    wo2 = wbo[F:]
    bo = _bias_flat(gp_out_b)
    arep = jnp.repeat(gp_norm_a, 8)
    vec4 = jnp.stack([upd_b1, upd_b2, bo, arep], axis=0)
    u1a = upd_w1[:, :NSF].T
    u1b = upd_w1[:, NSF:].T
    u2 = upd_w2.T

    ts, tr = _pre_call(s, vf, pos, wsi, wsj, wbv, wp,
                       msg_b1.reshape(1, NSF))

    rec2 = rec.reshape(E // ECH, ECH)
    send2 = send.reshape(E // ECH, ECH)
    ts_e, tr_e = _gather_call(ts, tr, send, rec)

    bf16 = jnp.bfloat16
    msg_e, pm_e = _edge_call(ts_e, tr_e, weg.astype(bf16),
                             msg_w2.T.astype(bf16), pos_w1.T.astype(bf16),
                             wpr.astype(bf16), bias4)

    zmsg = jnp.zeros((N, NSF), f32)
    ones_c = jnp.ones((ECH, NSF), f32)
    msg_part, pm_part, cnt_part = _scatter_call(
        msg_e, pm_e, rec2, send2, zmsg, ones_c)

    s_out, v_out = _node_call(
        s, vf,
        msg_part.reshape(NC, N, NSF),
        pm_part.reshape(NC, N, F),
        cnt_part.reshape(NC, N, NSF),
        u1a, u1b, u2, wls, wrs, wo1, wo2,
        jnp.asarray(_G_SUM), vec4, blrs)

    return (s_out, v_out.reshape(N, NV, 8))

# --- scband reference (transcript-rebuilt; emitter-appended) ---
"""Pipeline reference for scband-egnn-c-block-40656160424003 (READ-ONLY COPY).

The authoritative reference and input builder live on the scoring server;
editing this copy changes nothing except your own understanding.
"""

import jax, jax.numpy as jnp
import numpy as np

N = 10000
E = 320000
NS = 128
HID = 128
NV = 16
EF = 16
SUB = np.array([1, 3, 3, 1])

def _build_cayley():
    blades = [0, 1, 2, 4, 3, 5, 6, 7]
    index = {b: i for i, b in enumerate(blades)}
    def reorder_sign(a, b):
        a = a >> 1
        s = 0
        while a:
            s += bin(a & b).count('1')
            a = a >> 1
        return -1.0 if (s % 2) else 1.0
    C = np.zeros((8, 8, 8), dtype=np.float32)
    for i, a in enumerate(blades):
        for k, b in enumerate(blades):
            C[i, index[a ^ b], k] += reorder_sign(a, b)
    return jnp.asarray(C)

CAYLEY = _build_cayley()

def geometric_product(a, b):
    return jnp.einsum('...i,ijk,...k->...j', a, CAYLEY, b)

def mv_linear(x, w, b=None):
    w8 = jnp.repeat(w, SUB, axis=-1, total_repeat_length=8)
    out = jnp.einsum('bmi,nmi->bni', x, w8)
    if b is not None:
        bias = jnp.zeros((w.shape[0], 8), x.dtype).at[:, 0].set(b)
        out = out + bias[None]
    return out

def mv_layernorm(x, a):
    norm = jnp.sqrt(jnp.sum(x * x, axis=-1, keepdims=True) + 1e-8)
    norm = jnp.mean(norm, axis=1, keepdims=True) + 1e-6
    return a[None, :, None] * x / norm

def _forward(s, v, positions, edge_index, v_w, v_b, msg_w1, msg_b1, msg_w2, msg_b2, pos_w1, pos_b1, pos_w2, pos_b2, upd_w1, upd_b1, upd_w2, upd_b2, gp_left_w, gp_left_b, gp_right_w, gp_right_b, gp_out_w, gp_out_b, gp_norm_a):
    send, rec = edge_index[0], edge_index[1]
    s_i = jnp.take(s, send, axis=0)
    s_j = jnp.take(s, rec, axis=0)
    v_i = jnp.take(v, send, axis=0)
    v_j = jnp.take(v, rec, axis=0)
    pos_i = jnp.take(positions, send, axis=0)
    pos_j = jnp.take(positions, rec, axis=0)
    v_ij = mv_linear(v_j - v_i, v_w, v_b)
    edge_attr = jnp.sum(v_ij * v_ij, axis=-1)
    minp = jnp.concatenate([s_i, s_j, edge_attr, (pos_i - pos_j)[:, None]], axis=-1)
    h = jax.nn.relu(minp @ msg_w1.T + msg_b1)
    message = h @ msg_w2.T + msg_b2
    ph = jax.nn.relu(message @ pos_w1.T + pos_b1)
    pos_scal = ph @ pos_w2.T + pos_b2
    pos_message = v_ij * pos_scal[..., None]
    n = s.shape[0]
    num_messages = jnp.bincount(send, length=n).astype(s.dtype)[:, None]
    sqrt_nm = jnp.sqrt(num_messages)
    message_aggr = jax.ops.segment_sum(message, rec, num_segments=n) / sqrt_nm
    pm_flat = pos_message.reshape(pos_message.shape[0], -1)
    pm_aggr = jax.ops.segment_sum(pm_flat, rec, num_segments=n) / sqrt_nm
    pos_message_aggr = pm_aggr.reshape(n, v.shape[1], 8)
    uin = jnp.concatenate([s, message_aggr], axis=-1)
    uh = jax.nn.relu(uin @ upd_w1.T + upd_b1)
    s_out = s + (uh @ upd_w2.T + upd_b2)
    vec_right = mv_linear(pos_message_aggr, gp_right_w, gp_right_b)
    vec_left = mv_linear(pos_message_aggr, gp_left_w, gp_left_b)
    vec_out = geometric_product(vec_left, vec_right)
    vec_out = jnp.concatenate([vec_out, pos_message_aggr], axis=1)
    vec_out = mv_linear(vec_out, gp_out_w, gp_out_b)
    vec_out = mv_layernorm(vec_out, gp_norm_a)
    v_out = vec_out + v
    return (s_out, v_out)

def setup_inputs(seed: int = 0):
    key = jax.random.key(seed)
    ks = jax.random.split(key, 20)
    def pw(k, shape, fan_in):
        return jax.random.normal(k, shape, jnp.float32) * (1.0 / np.sqrt(fan_in))
    d_in = 2 * NS + EF + 1
    inp = {}
    inp['s'] = jax.random.normal(ks[0], (N, NS), jnp.float32)
    inp['v'] = jax.random.normal(ks[1], (N, NV, 8), jnp.float32)
    inp['positions'] = jax.random.normal(ks[2], (N,), jnp.float32)
    inp['edge_index'] = jax.random.randint(ks[3], (2, E), 0, N, jnp.int32)
    inp['v_w'] = pw(ks[4], (NV, NV, 4), NV)
    inp['v_b'] = jnp.zeros((NV,), jnp.float32)
    inp['msg_w1'] = pw(ks[5], (HID, d_in), d_in)
    inp['msg_b1'] = jnp.zeros((HID,), jnp.float32)
    inp['msg_w2'] = pw(ks[6], (HID, HID), HID)
    inp['msg_b2'] = jnp.zeros((HID,), jnp.float32)
    inp['pos_w1'] = pw(ks[7], (HID, HID), HID)
    inp['pos_b1'] = jnp.zeros((HID,), jnp.float32)
    inp['pos_w2'] = pw(ks[8], (NV, HID), HID)
    inp['pos_b2'] = jnp.zeros((NV,), jnp.float32)
    inp['upd_w1'] = pw(ks[9], (HID, NS + HID), NS + HID)
    inp['upd_b1'] = jnp.zeros((HID,), jnp.float32)
    inp['upd_w2'] = pw(ks[10], (HID, HID), HID)
    inp['upd_b2'] = jnp.zeros((HID,), jnp.float32)
    inp['gp_left_w'] = pw(ks[11], (NV, NV, 4), NV)
    inp['gp_left_b'] = jnp.zeros((NV,), jnp.float32)
    inp['gp_right_w'] = pw(ks[12], (NV, NV, 4), NV)
    inp['gp_right_b'] = jnp.zeros((NV,), jnp.float32)
    inp['gp_out_w'] = pw(ks[13], (NV, 2 * NV, 4), 2 * NV)
    inp['gp_out_b'] = jnp.zeros((NV,), jnp.float32)
    inp['gp_norm_a'] = jnp.ones((NV,), jnp.float32)
    return inp

def reference(s, v, positions, edge_index, v_w, v_b, msg_w1, msg_b1, msg_w2, msg_b2, pos_w1, pos_b1, pos_w2, pos_b2, upd_w1, upd_b1, upd_w2, upd_b2, gp_left_w, gp_left_b, gp_right_w, gp_right_b, gp_out_w, gp_out_b, gp_norm_a):
    return _forward(s, v, positions, edge_index, v_w, v_b, msg_w1, msg_b1, msg_w2, msg_b2, pos_w1, pos_b1, pos_w2, pos_b2, upd_w1, upd_b1, upd_w2, upd_b2, gp_left_w, gp_left_b, gp_right_w, gp_right_b, gp_out_w, gp_out_b, gp_norm_a)

if __name__ == "__main__":
    import jax
    _d = setup_inputs()
    print(jax.jit(kernel)(*tuple(_d.values())))

</pallas_src>

<mosaic_0001>
#map = affine_map<(d0, d1) -> (0, 0)>
#map1 = affine_map<(d0, d1) -> (0)>
module attributes {stable_mosaic.version = 14 : i64} {
  func.func @k(%arg0: i32, %arg1: i32, %arg2: memref<10000x128xi32, #tpu.memory_space<hbm>>, %arg3: memref<10000x128xi32, #tpu.memory_space<hbm>>, %arg4: memref<320000xi32, #tpu.memory_space<hbm>>, %arg5: memref<320000xi32, #tpu.memory_space<hbm>>, %arg6: memref<320000x128xi32, #tpu.memory_space<hbm>>, %arg7: memref<320000x128xi32, #tpu.memory_space<hbm>>, %arg8: memref<10000xi32, #tpu.memory_space<vmem>>, %arg9: memref<10000xi32, #tpu.memory_space<vmem>>, %arg10: memref<80x128xi32, #tpu.memory_space<vmem>>, %arg11: memref<80x128xi32, #tpu.memory_space<vmem>>, %arg12: memref<80x128xi32, #tpu.memory_space<vmem>>, %arg13: memref<80x128xi32, #tpu.memory_space<vmem>>, %arg14: memref<!tpu.dma_semaphore, #tpu.memory_space<semaphore_mem>>, %arg15: memref<!tpu.dma_semaphore, #tpu.memory_space<semaphore_mem>>) attributes {dimension_semantics = [#tpu.dimension_semantics<core_parallel>, #tpu.dimension_semantics<subcore_parallel>], iteration_bounds = array<i64: 2, 16>, scalar_prefetch = 0 : i64, scratch_operands = 8 : i64, tpu.core_type = #tpu.core_type<sc_vector_subcore>, window_params = [{transform_indices = #map}, {transform_indices = #map}, {transform_indices = #map1}, {transform_indices = #map1}, {transform_indices = #map}, {transform_indices = #map}]} {
    %mul3A = arith.constant 2 : i32
    %mul3A_0 = arith.muli %arg1, %mul3A : i32
    %add3A = arith.addi %mul3A_0, %arg0 : i32
    %mul3A_1 = arith.constant 10000 : i32
    %mul3A_2 = arith.muli %add3A, %mul3A_1 : i32
    "tpu.region"() ({
      %run_scoped3A = tpu.sem_alloc : memref<!tpu.dma_semaphore, #tpu.memory_space<semaphore_mem>>
      %dma_start3A_29 = tpu.memref_slice %arg4[%mul3A_2] : memref<320000xi32, #tpu.memory_space<hbm>> -> memref<10000xi32, #tpu.memory_space<hbm>>
      %dma_start3A_30 = tpu.memref_slice %arg4[%mul3A_2] : memref<320000xi32, #tpu.memory_space<hbm>> -> memref<10000xi32, #tpu.memory_space<hbm>>
      tpu.enqueue_dma source(%dma_start3A_30 : memref<10000xi32, #tpu.memory_space<hbm>>) target(%arg8 : memref<10000xi32, #tpu.memory_space<vmem>>) target_semaphore(%run_scoped3A : memref<!tpu.dma_semaphore, #tpu.memory_space<semaphore_mem>>)
      %dma_wait3A_31 = tpu.memref_slice %arg4[%mul3A_2] : memref<320000xi32, #tpu.memory_space<hbm>> -> memref<10000xi32, #tpu.memory_space<hbm>>
      %dma_wait3A_32 = tpu.memref_slice %arg4[%mul3A_2] : memref<320000xi32, #tpu.memory_space<hbm>> -> memref<10000xi32, #tpu.memory_space<hbm>>
      tpu.wait_dma2 semaphore(%run_scoped3A : memref<!tpu.dma_semaphore, #tpu.memory_space<semaphore_mem>>) src(%dma_wait3A_32 : memref<10000xi32, #tpu.memory_space<hbm>>) dst(%arg8 : memref<10000xi32, #tpu.memory_space<vmem>>)
      tpu.yield
    }) : () -> ()
    "tpu.region"() ({
      %run_scoped3A = tpu.sem_alloc : memref<!tpu.dma_semaphore, #tpu.memory_space<semaphore_mem>>
      %dma_start3A_29 = tpu.memref_slice %arg5[%mul3A_2] : memref<320000xi32, #tpu.memory_space<hbm>> -> memref<10000xi32, #tpu.memory_space<hbm>>
      %dma_start3A_30 = tpu.memref_slice %arg5[%mul3A_2] : memref<320000xi32, #tpu.memory_space<hbm>> -> memref<10000xi32, #tpu.memory_space<hbm>>
      tpu.enqueue_dma source(%dma_start3A_30 : memref<10000xi32, #tpu.memory_space<hbm>>) target(%arg9 : memref<10000xi32, #tpu.memory_space<vmem>>) target_semaphore(%run_scoped3A : memref<!tpu.dma_semaphore, #tpu.memory_space<semaphore_mem>>)
      %dma_wait3A_31 = tpu.memref_slice %arg5[%mul3A_2] : memref<320000xi32, #tpu.memory_space<hbm>> -> memref<10000xi32, #tpu.memory_space<hbm>>
      %dma_wait3A_32 = tpu.memref_slice %arg5[%mul3A_2] : memref<320000xi32, #tpu.memory_space<hbm>> -> memref<10000xi32, #tpu.memory_space<hbm>>
      tpu.wait_dma2 semaphore(%run_scoped3A : memref<!tpu.dma_semaphore, #tpu.memory_space<semaphore_mem>>) src(%dma_wait3A_32 : memref<10000xi32, #tpu.memory_space<hbm>>) dst(%arg9 : memref<10000xi32, #tpu.memory_space<vmem>>)
      tpu.yield
    }) : () -> ()
    %scan3A = arith.constant 0 : i32
    %scan3A_3 = arith.constant 62 : i32
    %scan3A_4 = arith.addi %scan3A, %scan3A_3 : i32
    %scan3A_5 = arith.constant 1 : i32
    scf.for %scan3A_29 = %scan3A to %scan3A_4 step %scan3A_5  : i32 {
      %mul3A_30 = arith.constant 1 : i32
      %mul3A_31 = arith.muli %scan3A_29, %mul3A_30 : i32
      %add3A_32 = arith.constant 0 : i32
      %add3A_33 = arith.addi %add3A_32, %mul3A_31 : i32
      %mul3A_34 = arith.constant 2 : i32
      %mul3A_35 = arith.muli %mul3A_34, %add3A_33 : i32
      %mul3A_36 = arith.constant 80 : i32
      %mul3A_37 = arith.muli %mul3A_35, %mul3A_36 : i32
      %add3A_38 = arith.constant 80 : i32
      %add3A_39 = arith.addi %mul3A_37, %add3A_38 : i32
      %dma_start3A_40 = tpu.memref_slice %arg8[%mul3A_37] : memref<10000xi32, #tpu.memory_space<vmem>> -> memref<80xi32, #tpu.memory_space<vmem>>
      %dma_start3A_41 = arith.constant 0 : i32
      %dma_start3A_42 = arith.constant 0 : i32
      %dma_start3A_43 = tpu.memref_slice %arg2[%dma_start3A_41, %dma_start3A_42] : memref<10000x128xi32, #tpu.memory_space<hbm>> -> memref<10000x128xi32, #tpu.memory_space<hbm>>
      tpu.enqueue_indirect_dma source(%dma_start3A_43 : memref<10000x128xi32, #tpu.memory_space<hbm>>) target(%arg10 : memref<80x128xi32, #tpu.memory_space<vmem>>) offsets(%dma_start3A_40 : memref<80xi32, #tpu.memory_space<vmem>>) semaphore(%arg14 : memref<!tpu.dma_semaphore, #tpu.memory_space<semaphore_mem>>)
      %dma_start3A_44 = tpu.memref_slice %arg9[%mul3A_37] : memref<10000xi32, #tpu.memory_space<vmem>> -> memref<80xi32, #tpu.memory_space<vmem>>
      %dma_start3A_45 = arith.constant 0 : i32
      %dma_start3A_46 = arith.constant 0 : i32
      %dma_start3A_47 = tpu.memref_slice %arg3[%dma_start3A_45, %dma_start3A_46] : memref<10000x128xi32, #tpu.memory_space<hbm>> -> memref<10000x128xi32, #tpu.memory_space<hbm>>
      tpu.enqueue_indirect_dma source(%dma_start3A_47 : memref<10000x128xi32, #tpu.memory_space<hbm>>) target(%arg11 : memref<80x128xi32, #tpu.memory_space<vmem>>) offsets(%dma_start3A_44 : memref<80xi32, #tpu.memory_space<vmem>>) semaphore(%arg14 : memref<!tpu.dma_semaphore, #tpu.memory_space<semaphore_mem>>)
      %dma_start3A_48 = tpu.memref_slice %arg8[%add3A_39] : memref<10000xi32, #tpu.memory_space<vmem>> -> memref<80xi32, #tpu.memory_space<vmem>>
      %dma_start3A_49 = arith.constant 0 : i32
      %dma_start3A_50 = arith.constant 0 : i32
      %dma_start3A_51 = tpu.memref_slice %arg2[%dma_start3A_49, %dma_start3A_50] : memref<10000x128xi32, #tpu.memory_space<hbm>> -> memref<10000x128xi32, #tpu.memory_space<hbm>>
      tpu.enqueue_indirect_dma source(%dma_start3A_51 : memref<10000x128xi32, #tpu.memory_space<hbm>>) target(%arg12 : memref<80x128xi32, #tpu.memory_space<vmem>>) offsets(%dma_start3A_48 : memref<80xi32, #tpu.memory_space<vmem>>) semaphore(%arg14 : memref<!tpu.dma_semaphore, #tpu.memory_space<semaphore_mem>>)
      %dma_start3A_52 = tpu.memref_slice %arg9[%add3A_39] : memref<10000xi32, #tpu.memory_space<vmem>> -> memref<80xi32, #tpu.memory_space<vmem>>
      %dma_start3A_53 = arith.constant 0 : i32
      %dma_start3A_54 = arith.constant 0 : i32
      %dma_start3A_55 = tpu.memref_slice %arg3[%dma_start3A_53, %dma_start3A_54] : memref<10000x128xi32, #tpu.memory_space<hbm>> -> memref<10000x128xi32, #tpu.memory_space<hbm>>
      tpu.enqueue_indirect_dma source(%dma_start3A_55 : memref<10000x128xi32, #tpu.memory_space<hbm>>) target(%arg13 : memref<80x128xi32, #tpu.memory_space<vmem>>) offsets(%dma_start3A_52 : memref<80xi32, #tpu.memory_space<vmem>>) semaphore(%arg14 : memref<!tpu.dma_semaphore, #tpu.memory_space<semaphore_mem>>)
      %dma_wait3A_56 = tpu.memref_slice %arg8[%mul3A_37] : memref<10000xi32, #tpu.memory_space<vmem>> -> memref<80xi32, #tpu.memory_space<vmem>>
      %dma_wait3A_57 = arith.constant 0 : i32
      %dma_wait3A_58 = arith.constant 0 : i32
      %dma_wait3A_59 = tpu.memref_slice %arg2[%dma_wait3A_57, %dma_wait3A_58] : memref<10000x128xi32, #tpu.memory_space<hbm>> -> memref<10000x128xi32, #tpu.memory_space<hbm>>
      tpu.wait_indirect_dma semaphore(%arg14 : memref<!tpu.dma_semaphore, #tpu.memory_space<semaphore_mem>>) src(%dma_wait3A_59 : memref<10000x128xi32, #tpu.memory_space<hbm>>) dst(%arg10 : memref<80x128xi32, #tpu.memory_space<vmem>>)
      %dma_wait3A_60 = tpu.memref_slice %arg9[%mul3A_37] : memref<10000xi32, #tpu.memory_space<vmem>> -> memref<80xi32, #tpu.memory_space<vmem>>
      %dma_wait3A_61 = arith.constant 0 : i32
      %dma_wait3A_62 = arith.constant 0 : i32
      %dma_wait3A_63 = tpu.memref_slice %arg3[%dma_wait3A_61, %dma_wait3A_62] : memref<10000x128xi32, #tpu.memory_space<hbm>> -> memref<10000x128xi32, #tpu.memory_space<hbm>>
      tpu.wait_indirect_dma semaphore(%arg14 : memref<!tpu.dma_semaphore, #tpu.memory_space<semaphore_mem>>) src(%dma_wait3A_63 : memref<10000x128xi32, #tpu.memory_space<hbm>>) dst(%arg11 : memref<80x128xi32, #tpu.memory_space<vmem>>)
      %add3A_64 = arith.addi %mul3A_2, %mul3A_37 : i32
      %dma_start3A_65 = arith.constant 0 : i32
      %dma_start3A_66 = tpu.memref_slice %arg6[%add3A_64, %dma_start3A_65] : memref<320000x128xi32, #tpu.memory_space<hbm>> -> memref<80x128xi32, #tpu.memory_space<hbm>>
      %dma_start3A_67 = arith.constant 0 : i32
      %dma_start3A_68 = tpu.memref_slice %arg6[%add3A_64, %dma_start3A_67] : memref<320000x128xi32, #tpu.memory_space<hbm>> -> memref<80x128xi32, #tpu.memory_space<hbm>>
      tpu.enqueue_dma source(%arg10 : memref<80x128xi32, #tpu.memory_space<vmem>>) target(%dma_start3A_68 : memref<80x128xi32, #tpu.memory_space<hbm>>) target_semaphore(%arg15 : memref<!tpu.dma_semaphore, #tpu.memory_space<semaphore_mem>>)
      %add3A_69 = arith.addi %mul3A_2, %mul3A_37 : i32
      %dma_start3A_70 = arith.constant 0 : i32
      %dma_start3A_71 = tpu.memref_slice %arg7[%add3A_69, %dma_start3A_70] : memref<320000x128xi32, #tpu.memory_space<hbm>> -> memref<80x128xi32, #tpu.memory_space<hbm>>
      %dma_start3A_72 = arith.constant 0 : i32
      %dma_start3A_73 = tpu.memref_slice %arg7[%add3A_69, %dma_start3A_72] : memref<320000x128xi32, #tpu.memory_space<hbm>> -> memref<80x128xi32, #tpu.memory_space<hbm>>
      tpu.enqueue_dma source(%arg11 : memref<80x128xi32, #tpu.memory_space<vmem>>) target(%dma_start3A_73 : memref<80x128xi32, #tpu.memory_space<hbm>>) target_semaphore(%arg15 : memref<!tpu.dma_semaphore, #tpu.memory_space<semaphore_mem>>)
      %dma_wait3A_74 = tpu.memref_slice %arg8[%add3A_39] : memref<10000xi32, #tpu.memory_space<vmem>> -> memref<80xi32, #tpu.memory_space<vmem>>
      %dma_wait3A_75 = arith.constant 0 : i32
      %dma_wait3A_76 = arith.constant 0 : i32
      %dma_wait3A_77 = tpu.memref_slice %arg2[%dma_wait3A_75, %dma_wait3A_76] : memref<10000x128xi32, #tpu.memory_space<hbm>> -> memref<10000x128xi32, #tpu.memory_space<hbm>>
      tpu.wait_indirect_dma semaphore(%arg14 : memref<!tpu.dma_semaphore, #tpu.memory_space<semaphore_mem>>) src(%dma_wait3A_77 : memref<10000x128xi32, #tpu.memory_space<hbm>>) dst(%arg12 : memref<80x128xi32, #tpu.memory_space<vmem>>)
      %dma_wait3A_78 = tpu.memref_slice %arg9[%add3A_39] : memref<10000xi32, #tpu.memory_space<vmem>> -> memref<80xi32, #tpu.memory_space<vmem>>
      %dma_wait3A_79 = arith.constant 0 : i32
      %dma_wait3A_80 = arith.constant 0 : i32
      %dma_wait3A_81 = tpu.memref_slice %arg3[%dma_wait3A_79, %dma_wait3A_80] : memref<10000x128xi32, #tpu.memory_space<hbm>> -> memref<10000x128xi32, #tpu.memory_space<hbm>>
      tpu.wait_indirect_dma semaphore(%arg14 : memref<!tpu.dma_semaphore, #tpu.memory_space<semaphore_mem>>) src(%dma_wait3A_81 : memref<10000x128xi32, #tpu.memory_space<hbm>>) dst(%arg13 : memref<80x128xi32, #tpu.memory_space<vmem>>)
      %add3A_82 = arith.addi %mul3A_2, %add3A_39 : i32
      %dma_start3A_83 = arith.constant 0 : i32
      %dma_start3A_84 = tpu.memref_slice %arg6[%add3A_82, %dma_start3A_83] : memref<320000x128xi32, #tpu.memory_space<hbm>> -> memref<80x128xi32, #tpu.memory_space<hbm>>
      %dma_start3A_85 = arith.constant 0 : i32
      %dma_start3A_86 = tpu.memref_slice %arg6[%add3A_82, %dma_start3A_85] : memref<320000x128xi32, #tpu.memory_space<hbm>> -> memref<80x128xi32, #tpu.memory_space<hbm>>
      tpu.enqueue_dma source(%arg12 : memref<80x128xi32, #tpu.memory_space<vmem>>) target(%dma_start3A_86 : memref<80x128xi32, #tpu.memory_space<hbm>>) target_semaphore(%arg15 : memref<!tpu.dma_semaphore, #tpu.memory_space<semaphore_mem>>)
      %add3A_87 = arith.addi %mul3A_2, %add3A_39 : i32
      %dma_start3A_88 = arith.constant 0 : i32
      %dma_start3A_89 = tpu.memref_slice %arg7[%add3A_87, %dma_start3A_88] : memref<320000x128xi32, #tpu.memory_space<hbm>> -> memref<80x128xi32, #tpu.memory_space<hbm>>
      %dma_start3A_90 = arith.constant 0 : i32
      %dma_start3A_91 = tpu.memref_slice %arg7[%add3A_87, %dma_start3A_90] : memref<320000x128xi32, #tpu.memory_space<hbm>> -> memref<80x128xi32, #tpu.memory_space<hbm>>
      tpu.enqueue_dma source(%arg13 : memref<80x128xi32, #tpu.memory_space<vmem>>) target(%dma_start3A_91 : memref<80x128xi32, #tpu.memory_space<hbm>>) target_semaphore(%arg15 : memref<!tpu.dma_semaphore, #tpu.memory_space<semaphore_mem>>)
      %dma_wait3A_92 = arith.constant 0 : i32
      %dma_wait3A_93 = tpu.memref_slice %arg6[%add3A_64, %dma_wait3A_92] : memref<320000x128xi32, #tpu.memory_space<hbm>> -> memref<80x128xi32, #tpu.memory_space<hbm>>
      %dma_wait3A_94 = arith.constant 0 : i32
      %dma_wait3A_95 = tpu.memref_slice %arg6[%add3A_64, %dma_wait3A_94] : memref<320000x128xi32, #tpu.memory_space<hbm>> -> memref<80x128xi32, #tpu.memory_space<hbm>>
      tpu.wait_dma2 semaphore(%arg15 : memref<!tpu.dma_semaphore, #tpu.memory_space<semaphore_mem>>) src(%arg10 : memref<80x128xi32, #tpu.memory_space<vmem>>) dst(%dma_wait3A_95 : memref<80x128xi32, #tpu.memory_space<hbm>>)
      %dma_wait3A_96 = arith.constant 0 : i32
      %dma_wait3A_97 = tpu.memref_slice %arg7[%add3A_69, %dma_wait3A_96] : memref<320000x128xi32, #tpu.memory_space<hbm>> -> memref<80x128xi32, #tpu.memory_space<hbm>>
      %dma_wait3A_98 = arith.constant 0 : i32
      %dma_wait3A_99 = tpu.memref_slice %arg7[%add3A_69, %dma_wait3A_98] : memref<320000x128xi32, #tpu.memory_space<hbm>> -> memref<80x128xi32, #tpu.memory_space<hbm>>
      tpu.wait_dma2 semaphore(%arg15 : memref<!tpu.dma_semaphore, #tpu.memory_space<semaphore_mem>>) src(%arg11 : memref<80x128xi32, #tpu.memory_space<vmem>>) dst(%dma_wait3A_99 : memref<80x128xi32, #tpu.memory_space<hbm>>)
      %dma_wait3A_100 = arith.constant 0 : i32
      %dma_wait3A_101 = tpu.memref_slice %arg6[%add3A_82, %dma_wait3A_100] : memref<320000x128xi32, #tpu.memory_space<hbm>> -> memref<80x128xi32, #tpu.memory_space<hbm>>
      %dma_wait3A_102 = arith.constant 0 : i32
      %dma_wait3A_103 = tpu.memref_slice %arg6[%add3A_82, %dma_wait3A_102] : memref<320000x128xi32, #tpu.memory_space<hbm>> -> memref<80x128xi32, #tpu.memory_space<hbm>>
      tpu.wait_dma2 semaphore(%arg15 : memref<!tpu.dma_semaphore, #tpu.memory_space<semaphore_mem>>) src(%arg12 : memref<80x128xi32, #tpu.memory_space<vmem>>) dst(%dma_wait3A_103 : memref<80x128xi32, #tpu.memory_space<hbm>>)
      %dma_wait3A_104 = arith.constant 0 : i32
      %dma_wait3A_105 = tpu.memref_slice %arg7[%add3A_87, %dma_wait3A_104] : memref<320000x128xi32, #tpu.memory_space<hbm>> -> memref<80x128xi32, #tpu.memory_space<hbm>>
      %dma_wait3A_106 = arith.constant 0 : i32
      %dma_wait3A_107 = tpu.memref_slice %arg7[%add3A_87, %dma_wait3A_106] : memref<320000x128xi32, #tpu.memory_space<hbm>> -> memref<80x128xi32, #tpu.memory_space<hbm>>
      tpu.wait_dma2 semaphore(%arg15 : memref<!tpu.dma_semaphore, #tpu.memory_space<semaphore_mem>>) src(%arg13 : memref<80x128xi32, #tpu.memory_space<vmem>>) dst(%dma_wait3A_107 : memref<80x128xi32, #tpu.memory_space<hbm>>)
    }
    %scan3A_6 = arith.constant 62 : i32
    %dma_start3A = arith.constant 9920 : i32
    %dma_start3A_7 = tpu.memref_slice %arg8[%dma_start3A] : memref<10000xi32, #tpu.memory_space<vmem>> -> memref<80xi32, #tpu.memory_space<vmem>>
    %dma_start3A_8 = arith.constant 0 : i32
    %dma_start3A_9 = arith.constant 0 : i32
    %dma_start3A_10 = tpu.memref_slice %arg2[%dma_start3A_8, %dma_start3A_9] : memref<10000x128xi32, #tpu.memory_space<hbm>> -> memref<10000x128xi32, #tpu.memory_space<hbm>>
    tpu.enqueue_indirect_dma source(%dma_start3A_10 : memref<10000x128xi32, #tpu.memory_space<hbm>>) target(%arg10 : memref<80x128xi32, #tpu.memory_space<vmem>>) offsets(%dma_start3A_7 : memref<80xi32, #tpu.memory_space<vmem>>) semaphore(%arg14 : memref<!tpu.dma_semaphore, #tpu.memory_space<semaphore_mem>>)
    %dma_start3A_11 = arith.constant 9920 : i32
    %dma_start3A_12 = tpu.memref_slice %arg9[%dma_start3A_11] : memref<10000xi32, #tpu.memory_space<vmem>> -> memref<80xi32, #tpu.memory_space<vmem>>
    %dma_start3A_13 = arith.constant 0 : i32
    %dma_start3A_14 = arith.constant 0 : i32
    %dma_start3A_15 = tpu.memref_slice %arg3[%dma_start3A_13, %dma_start3A_14] : memref<10000x128xi32, #tpu.memory_space<hbm>> -> memref<10000x128xi32, #tpu.memory_space<hbm>>
    tpu.enqueue_indirect_dma source(%dma_start3A_15 : memref<10000x128xi32, #tpu.memory_space<hbm>>) target(%arg11 : memref<80x128xi32, #tpu.memory_space<vmem>>) offsets(%dma_start3A_12 : memref<80xi32, #tpu.memory_space<vmem>>) semaphore(%arg14 : memref<!tpu.dma_semaphore, #tpu.memory_space<semaphore_mem>>)
    %dma_wait3A = arith.constant 9920 : i32
    %dma_wait3A_16 = tpu.memref_slice %arg8[%dma_wait3A] : memref<10000xi32, #tpu.memory_space<vmem>> -> memref<80xi32, #tpu.memory_space<vmem>>
    %dma_wait3A_17 = arith.constant 0 : i32
    %dma_wait3A_18 = arith.constant 0 : i32
    %dma_wait3A_19 = tpu.memref_slice %arg2[%dma_wait3A_17, %dma_wait3A_18] : memref<10000x128xi32, #tpu.memory_space<hbm>> -> memref<10000x128xi32, #tpu.memory_space<hbm>>
    tpu.wait_indirect_dma semaphore(%arg14 : memref<!tpu.dma_semaphore, #tpu.memory_space<semaphore_mem>>) src(%dma_wait3A_19 : memref<10000x128xi32, #tpu.memory_space<hbm>>) dst(%arg10 : memref<80x128xi32, #tpu.memory_space<vmem>>)
    %dma_wait3A_20 = arith.constant 9920 : i32
    %dma_wait3A_21 = tpu.memref_slice %arg9[%dma_wait3A_20] : memref<10000xi32, #tpu.memory_space<vmem>> -> memref<80xi32, #tpu.memory_space<vmem>>
    %dma_wait3A_22 = arith.constant 0 : i32
    %dma_wait3A_23 = arith.constant 0 : i32
    %dma_wait3A_24 = tpu.memref_slice %arg3[%dma_wait3A_22, %dma_wait3A_23] : memref<10000x128xi32, #tpu.memory_space<hbm>> -> memref<10000x128xi32, #tpu.memory_space<hbm>>
    tpu.wait_indirect_dma semaphore(%arg14 : memref<!tpu.dma_semaphore, #tpu.memory_space<semaphore_mem>>) src(%dma_wait3A_24 : memref<10000x128xi32, #tpu.memory_space<hbm>>) dst(%arg11 : memref<80x128xi32, #tpu.memory_space<vmem>>)
    %add3A_25 = arith.constant 9920 : i32
    %add3A_26 = arith.addi %mul3A_2, %add3A_25 : i32
    "tpu.region"() ({
      %run_scoped3A = tpu.sem_alloc : memref<!tpu.dma_semaphore, #tpu.memory_space<semaphore_mem>>
      %dma_start3A_29 = arith.constant 0 : i32
      %dma_start3A_30 = tpu.memref_slice %arg6[%add3A_26, %dma_start3A_29] : memref<320000x128xi32, #tpu.memory_space<hbm>> -> memref<80x128xi32, #tpu.memory_space<hbm>>
      %dma_start3A_31 = arith.constant 0 : i32
      %dma_start3A_32 = tpu.memref_slice %arg6[%add3A_26, %dma_start3A_31] : memref<320000x128xi32, #tpu.memory_space<hbm>> -> memref<80x128xi32, #tpu.memory_space<hbm>>
      tpu.enqueue_dma source(%arg10 : memref<80x128xi32, #tpu.memory_space<vmem>>) target(%dma_start3A_32 : memref<80x128xi32, #tpu.memory_space<hbm>>) target_semaphore(%run_scoped3A : memref<!tpu.dma_semaphore, #tpu.memory_space<semaphore_mem>>)
      %dma_wait3A_33 = arith.constant 0 : i32
      %dma_wait3A_34 = tpu.memref_slice %arg6[%add3A_26, %dma_wait3A_33] : memref<320000x128xi32, #tpu.memory_space<hbm>> -> memref<80x128xi32, #tpu.memory_space<hbm>>
      %dma_wait3A_35 = arith.constant 0 : i32
      %dma_wait3A_36 = tpu.memref_slice %arg6[%add3A_26, %dma_wait3A_35] : memref<320000x128xi32, #tpu.memory_space<hbm>> -> memref<80x128xi32, #tpu.memory_space<hbm>>
      tpu.wait_dma2 semaphore(%run_scoped3A : memref<!tpu.dma_semaphore, #tpu.memory_space<semaphore_mem>>) src(%arg10 : memref<80x128xi32, #tpu.memory_space<vmem>>) dst(%dma_wait3A_36 : memref<80x128xi32, #tpu.memory_space<hbm>>)
      tpu.yield
    }) : () -> ()
    %add3A_27 = arith.constant 9920 : i32
    %add3A_28 = arith.addi %mul3A_2, %add3A_27 : i32
    "tpu.region"() ({
      %run_scoped3A = tpu.sem_alloc : memref<!tpu.dma_semaphore, #tpu.memory_space<semaphore_mem>>
      %dma_start3A_29 = arith.constant 0 : i32
      %dma_start3A_30 = tpu.memref_slice %arg7[%add3A_28, %dma_start3A_29] : memref<320000x128xi32, #tpu.memory_space<hbm>> -> memref<80x128xi32, #tpu.memory_space<hbm>>
      %dma_start3A_31 = arith.constant 0 : i32
      %dma_start3A_32 = tpu.memref_slice %arg7[%add3A_28, %dma_start3A_31] : memref<320000x128xi32, #tpu.memory_space<hbm>> -> memref<80x128xi32, #tpu.memory_space<hbm>>
      tpu.enqueue_dma source(%arg11 : memref<80x128xi32, #tpu.memory_space<vmem>>) target(%dma_start3A_32 : memref<80x128xi32, #tpu.memory_space<hbm>>) target_semaphore(%run_scoped3A : memref<!tpu.dma_semaphore, #tpu.memory_space<semaphore_mem>>)
      %dma_wait3A_33 = arith.constant 0 : i32
      %dma_wait3A_34 = tpu.memref_slice %arg7[%add3A_28, %dma_wait3A_33] : memref<320000x128xi32, #tpu.memory_space<hbm>> -> memref<80x128xi32, #tpu.memory_space<hbm>>
      %dma_wait3A_35 = arith.constant 0 : i32
      %dma_wait3A_36 = tpu.memref_slice %arg7[%add3A_28, %dma_wait3A_35] : memref<320000x128xi32, #tpu.memory_space<hbm>> -> memref<80x128xi32, #tpu.memory_space<hbm>>
      tpu.wait_dma2 semaphore(%run_scoped3A : memref<!tpu.dma_semaphore, #tpu.memory_space<semaphore_mem>>) src(%arg11 : memref<80x128xi32, #tpu.memory_space<vmem>>) dst(%dma_wait3A_36 : memref<80x128xi32, #tpu.memory_space<hbm>>)
      tpu.yield
    }) : () -> ()
    return
  }
}

#map = affine_map<(d0, d1) -> (0, 0)>
module attributes {stable_mosaic.version = 14 : i64} {
  func.func @k(%arg0: i32, %arg1: i32, %arg2: memref<320000x128xf32, #tpu.memory_space<hbm>>, %arg3: memref<320000x128xf32, #tpu.memory_space<hbm>>, %arg4: memref<4000x80xi32, #tpu.memory_space<hbm>>, %arg5: memref<4000x80xi32, #tpu.memory_space<hbm>>, %arg6: memref<10000x128xf32, #tpu.memory_space<hbm>>, %arg7: memref<80x128xf32, #tpu.memory_space<hbm>>, %arg8: memref<20000x128xf32, #tpu.memory_space<hbm>>, %arg9: memref<20000x128xf32, #tpu.memory_space<hbm>>, %arg10: memref<20000x128xf32, #tpu.memory_space<hbm>>, %arg11: memref<10000x128xf32, #tpu.memory_space<vmem_shared>>, %arg12: memref<80x128xf32, #tpu.memory_space<vmem>>, %arg13: memref<80x128xf32, #tpu.memory_space<vmem>>, %arg14: memref<80x128xf32, #tpu.memory_space<vmem>>, %arg15: memref<1x80xi32, #tpu.memory_space<vmem>>, %arg16: memref<1x80xi32, #tpu.memory_space<vmem>>, %arg17: memref<!tpu.dma_semaphore, #tpu.memory_space<semaphore_mem>>, %arg18: memref<!tpu.dma_semaphore, #tpu.memory_space<semaphore_mem>>, %arg19: memref<!tpu.dma_semaphore, #tpu.memory_space<semaphore_mem>>) attributes {dimension_semantics = [#tpu.dimension_semantics<core_parallel>, #tpu.dimension_semantics<subcore_parallel>], iteration_bounds = array<i64: 2, 16>, scalar_prefetch = 0 : i64, scratch_operands = 9 : i64, tpu.core_type = #tpu.core_type<sc_vector_subcore>, window_params = [{transform_indices = #map}, {transform_indices = #map}, {transform_indices = #map}, {transform_indices = #map}, {transform_indices = #map}, {transform_indices = #map}, {transform_indices = #map}, {transform_indices = #map}, {transform_indices = #map}]} {
    %mul3A = arith.constant 2 : i32
    %mul3A_0 = arith.muli %arg1, %mul3A : i32
    %add3A = arith.addi %mul3A_0, %arg0 : i32
    %mul3A_1 = arith.constant 125 : i32
    %mul3A_2 = arith.muli %add3A, %mul3A_1 : i32
    %mul3A_3 = arith.constant 624 : i32
    %mul3A_4 = arith.muli %arg1, %mul3A_3 : i32
    "tpu.region"() ({
      %run_scoped3A_79 = tpu.sem_alloc : memref<!tpu.dma_semaphore, #tpu.memory_space<semaphore_mem>>
      tpu.enqueue_dma source(%arg7 : memref<80x128xf32, #tpu.memory_space<hbm>>) target(%arg14 : memref<80x128xf32, #tpu.memory_space<vmem>>) target_semaphore(%run_scoped3A_79 : memref<!tpu.dma_semaphore, #tpu.memory_space<semaphore_mem>>)
      tpu.wait_dma2 semaphore(%run_scoped3A_79 : memref<!tpu.dma_semaphore, #tpu.memory_space<semaphore_mem>>) src(%arg7 : memref<80x128xf32, #tpu.memory_space<hbm>>) dst(%arg14 : memref<80x128xf32, #tpu.memory_space<vmem>>)
      tpu.yield
    }) : () -> ()
    %eq3A = arith.constant 0 : i32
    %eq3A_5 = arith.cmpi eq, %arg1, %eq3A : i32
    %convert_element_type3A = arith.extui %eq3A_5 : i1 to i32
    %cond3A = arith.constant 0 : i32
    %cond3A_6 = arith.cmpi ne, %convert_element_type3A, %cond3A : i32
    scf.if %cond3A_6 {
      "tpu.region"() ({
        %run_scoped3A_79 = tpu.sem_alloc : memref<!tpu.dma_semaphore, #tpu.memory_space<semaphore_mem>>
        tpu.enqueue_dma source(%arg6 : memref<10000x128xf32, #tpu.memory_space<hbm>>) target(%arg11 : memref<10000x128xf32, #tpu.memory_space<vmem_shared>>) target_semaphore(%run_scoped3A_79 : memref<!tpu.dma_semaphore, #tpu.memory_space<semaphore_mem>>)
        tpu.wait_dma2 semaphore(%run_scoped3A_79 : memref<!tpu.dma_semaphore, #tpu.memory_space<semaphore_mem>>) src(%arg6 : memref<10000x128xf32, #tpu.memory_space<hbm>>) dst(%arg11 : memref<10000x128xf32, #tpu.memory_space<vmem_shared>>)
        tpu.yield
      }) : () -> ()
    } else {
    }
    %barrier3A = arith.constant 0 : index
    tpu.barrier barrier_id(%barrier3A)
    %scan3A = arith.constant 0 : i32
    %scan3A_7 = arith.constant 62 : i32
    %scan3A_8 = arith.addi %scan3A, %scan3A_7 : i32
    %scan3A_9 = arith.constant 1 : i32
    scf.for %scan3A_79 = %scan3A to %scan3A_8 step %scan3A_9  : i32 {
      %mul3A_80 = arith.constant 1 : i32
      %mul3A_81 = arith.muli %scan3A_79, %mul3A_80 : i32
      %add3A_82 = arith.constant 0 : i32
      %add3A_83 = arith.addi %add3A_82, %mul3A_81 : i32
      %mul3A_84 = arith.constant 2 : i32
      %mul3A_85 = arith.muli %mul3A_84, %add3A_83 : i32
      %add3A_86 = arith.addi %mul3A_2, %mul3A_85 : i32
      %add3A_87 = arith.constant 1 : i32
      %add3A_88 = arith.addi %add3A_86, %add3A_87 : i32
      %dma_start3A = arith.constant 0 : i32
      %dma_start3A_89 = tpu.memref_slice %arg4[%add3A_86, %dma_start3A] : memref<4000x80xi32, #tpu.memory_space<hbm>> -> memref<1x80xi32, #tpu.memory_space<hbm>>
      %dma_start3A_90 = arith.constant 0 : i32
      %dma_start3A_91 = tpu.memref_slice %arg4[%add3A_86, %dma_start3A_90] : memref<4000x80xi32, #tpu.memory_space<hbm>> -> memref<1x80xi32, #tpu.memory_space<hbm>>
      tpu.enqueue_dma source(%dma_start3A_91 : memref<1x80xi32, #tpu.memory_space<hbm>>) target(%arg15 : memref<1x80xi32, #tpu.memory_space<vmem>>) target_semaphore(%arg17 : memref<!tpu.dma_semaphore, #tpu.memory_space<semaphore_mem>>)
      %dma_start3A_92 = arith.constant 0 : i32
      %dma_start3A_93 = tpu.memref_slice %arg4[%add3A_88, %dma_start3A_92] : memref<4000x80xi32, #tpu.memory_space<hbm>> -> memref<1x80xi32, #tpu.memory_space<hbm>>
      %dma_start3A_94 = arith.constant 0 : i32
      %dma_start3A_95 = tpu.memref_slice %arg4[%add3A_88, %dma_start3A_94] : memref<4000x80xi32, #tpu.memory_space<hbm>> -> memref<1x80xi32, #tpu.memory_space<hbm>>
      tpu.enqueue_dma source(%dma_start3A_95 : memref<1x80xi32, #tpu.memory_space<hbm>>) target(%arg16 : memref<1x80xi32, #tpu.memory_space<vmem>>) target_semaphore(%arg17 : memref<!tpu.dma_semaphore, #tpu.memory_space<semaphore_mem>>)
      %mul3A_96 = arith.constant 80 : i32
      %mul3A_97 = arith.muli %add3A_86, %mul3A_96 : i32
      %dma_start3A_98 = arith.constant 0 : i32
      %dma_start3A_99 = tpu.memref_slice %arg2[%mul3A_97, %dma_start3A_98] : memref<320000x128xf32, #tpu.memory_space<hbm>> -> memref<80x128xf32, #tpu.memory_space<hbm>>
      %dma_start3A_100 = arith.constant 0 : i32
      %dma_start3A_101 = tpu.memref_slice %arg2[%mul3A_97, %dma_start3A_100] : memref<320000x128xf32, #tpu.memory_space<hbm>> -> memref<80x128xf32, #tpu.memory_space<hbm>>
      tpu.enqueue_dma source(%dma_start3A_101 : memref<80x128xf32, #tpu.memory_space<hbm>>) target(%arg12 : memref<80x128xf32, #tpu.memory_space<vmem>>) target_semaphore(%arg18 : memref<!tpu.dma_semaphore, #tpu.memory_space<semaphore_mem>>)
      %mul3A_102 = arith.constant 80 : i32
      %mul3A_103 = arith.muli %add3A_88, %mul3A_102 : i32
      %dma_start3A_104 = arith.constant 0 : i32
      %dma_start3A_105 = tpu.memref_slice %arg2[%mul3A_103, %dma_start3A_104] : memref<320000x128xf32, #tpu.memory_space<hbm>> -> memref<80x128xf32, #tpu.memory_space<hbm>>
      %dma_start3A_106 = arith.constant 0 : i32
      %dma_start3A_107 = tpu.memref_slice %arg2[%mul3A_103, %dma_start3A_106] : memref<320000x128xf32, #tpu.memory_space<hbm>> -> memref<80x128xf32, #tpu.memory_space<hbm>>
      tpu.enqueue_dma source(%dma_start3A_107 : memref<80x128xf32, #tpu.memory_space<hbm>>) target(%arg13 : memref<80x128xf32, #tpu.memory_space<vmem>>) target_semaphore(%arg18 : memref<!tpu.dma_semaphore, #tpu.memory_space<semaphore_mem>>)
      %dma_wait3A = arith.constant 0 : i32
      %dma_wait3A_108 = tpu.memref_slice %arg4[%add3A_86, %dma_wait3A] : memref<4000x80xi32, #tpu.memory_space<hbm>> -> memref<1x80xi32, #tpu.memory_space<hbm>>
      %dma_wait3A_109 = arith.constant 0 : i32
      %dma_wait3A_110 = tpu.memref_slice %arg4[%add3A_86, %dma_wait3A_109] : memref<4000x80xi32, #tpu.memory_space<hbm>> -> memref<1x80xi32, #tpu.memory_space<hbm>>
      tpu.wait_dma2 semaphore(%arg17 : memref<!tpu.dma_semaphore, #tpu.memory_space<semaphore_mem>>) src(%dma_wait3A_110 : memref<1x80xi32, #tpu.memory_space<hbm>>) dst(%arg15 : memref<1x80xi32, #tpu.memory_space<vmem>>)
      %dma_wait3A_111 = arith.constant 0 : i32
      %dma_wait3A_112 = tpu.memref_slice %arg2[%mul3A_97, %dma_wait3A_111] : memref<320000x128xf32, #tpu.memory_space<hbm>> -> memref<80x128xf32, #tpu.memory_space<hbm>>
      %dma_wait3A_113 = arith.constant 0 : i32
      %dma_wait3A_114 = tpu.memref_slice %arg2[%mul3A_97, %dma_wait3A_113] : memref<320000x128xf32, #tpu.memory_space<hbm>> -> memref<80x128xf32, #tpu.memory_space<hbm>>
      tpu.wait_dma2 semaphore(%arg18 : memref<!tpu.dma_semaphore, #tpu.memory_space<semaphore_mem>>) src(%dma_wait3A_114 : memref<80x128xf32, #tpu.memory_space<hbm>>) dst(%arg12 : memref<80x128xf32, #tpu.memory_space<vmem>>)
      %dma_start3A_115 = arith.constant 0 : i32
      %dma_start3A_116 = arith.constant 0 : i32
      %dma_start3A_117 = tpu.memref_slice %arg15[%dma_start3A_115, %dma_start3A_116] : memref<1x80xi32, #tpu.memory_space<vmem>> -> memref<1x80xi32, #tpu.memory_space<vmem>>
      %dma_start3A_118 = tpu.memref_squeeze %dma_start3A_117 : memref<1x80xi32, #tpu.memory_space<vmem>> -> memref<80xi32, #tpu.memory_space<vmem>>
      %dma_start3A_119 = arith.constant 0 : i32
      %dma_start3A_120 = arith.constant 0 : i32
      %dma_start3A_121 = tpu.memref_slice %arg11[%dma_start3A_119, %dma_start3A_120] : memref<10000x128xf32, #tpu.memory_space<vmem_shared>> -> memref<10000x128xf32, #tpu.memory_space<vmem_shared>>
      tpu.enqueue_indirect_dma source(%arg12 : memref<80x128xf32, #tpu.memory_space<vmem>>) target(%dma_start3A_121 : memref<10000x128xf32, #tpu.memory_space<vmem_shared>>) offsets(%dma_start3A_118 : memref<80xi32, #tpu.memory_space<vmem>>) semaphore(%arg19 : memref<!tpu.dma_semaphore, #tpu.memory_space<semaphore_mem>>) {add = true}
      %dma_wait3A_122 = arith.constant 0 : i32
      %dma_wait3A_123 = tpu.memref_slice %arg4[%add3A_88, %dma_wait3A_122] : memref<4000x80xi32, #tpu.memory_space<hbm>> -> memref<1x80xi32, #tpu.memory_space<hbm>>
      %dma_wait3A_124 = arith.constant 0 : i32
      %dma_wait3A_125 = tpu.memref_slice %arg4[%add3A_88, %dma_wait3A_124] : memref<4000x80xi32, #tpu.memory_space<hbm>> -> memref<1x80xi32, #tpu.memory_space<hbm>>
      tpu.wait_dma2 semaphore(%arg17 : memref<!tpu.dma_semaphore, #tpu.memory_space<semaphore_mem>>) src(%dma_wait3A_125 : memref<1x80xi32, #tpu.memory_space<hbm>>) dst(%arg16 : memref<1x80xi32, #tpu.memory_space<vmem>>)
      %dma_wait3A_126 = arith.constant 0 : i32
      %dma_wait3A_127 = tpu.memref_slice %arg2[%mul3A_103, %dma_wait3A_126] : memref<320000x128xf32, #tpu.memory_space<hbm>> -> memref<80x128xf32, #tpu.memory_space<hbm>>
      %dma_wait3A_128 = arith.constant 0 : i32
      %dma_wait3A_129 = tpu.memref_slice %arg2[%mul3A_103, %dma_wait3A_128] : memref<320000x128xf32, #tpu.memory_space<hbm>> -> memref<80x128xf32, #tpu.memory_space<hbm>>
      tpu.wait_dma2 semaphore(%arg18 : memref<!tpu.dma_semaphore, #tpu.memory_space<semaphore_mem>>) src(%dma_wait3A_129 : memref<80x128xf32, #tpu.memory_space<hbm>>) dst(%arg13 : memref<80x128xf32, #tpu.memory_space<vmem>>)
      %dma_start3A_130 = arith.constant 0 : i32
      %dma_start3A_131 = arith.constant 0 : i32
      %dma_start3A_132 = tpu.memref_slice %arg16[%dma_start3A_130, %dma_start3A_131] : memref<1x80xi32, #tpu.memory_space<vmem>> -> memref<1x80xi32, #tpu.memory_space<vmem>>
      %dma_start3A_133 = tpu.memref_squeeze %dma_start3A_132 : memref<1x80xi32, #tpu.memory_space<vmem>> -> memref<80xi32, #tpu.memory_space<vmem>>
      %dma_start3A_134 = arith.constant 0 : i32
      %dma_start3A_135 = arith.constant 0 : i32
      %dma_start3A_136 = tpu.memref_slice %arg11[%dma_start3A_134, %dma_start3A_135] : memref<10000x128xf32, #tpu.memory_space<vmem_shared>> -> memref<10000x128xf32, #tpu.memory_space<vmem_shared>>
      tpu.enqueue_indirect_dma source(%arg13 : memref<80x128xf32, #tpu.memory_space<vmem>>) target(%dma_start3A_136 : memref<10000x128xf32, #tpu.memory_space<vmem_shared>>) offsets(%dma_start3A_133 : memref<80xi32, #tpu.memory_space<vmem>>) semaphore(%arg19 : memref<!tpu.dma_semaphore, #tpu.memory_space<semaphore_mem>>) {add = true}
      %dma_wait3A_137 = arith.constant 0 : i32
      %dma_wait3A_138 = arith.constant 0 : i32
      %dma_wait3A_139 = tpu.memref_slice %arg15[%dma_wait3A_137, %dma_wait3A_138] : memref<1x80xi32, #tpu.memory_space<vmem>> -> memref<1x80xi32, #tpu.memory_space<vmem>>
      %dma_wait3A_140 = tpu.memref_squeeze %dma_wait3A_139 : memref<1x80xi32, #tpu.memory_space<vmem>> -> memref<80xi32, #tpu.memory_space<vmem>>
      %dma_wait3A_141 = arith.constant 0 : i32
      %dma_wait3A_142 = arith.constant 0 : i32
      %dma_wait3A_143 = tpu.memref_slice %arg11[%dma_wait3A_141, %dma_wait3A_142] : memref<10000x128xf32, #tpu.memory_space<vmem_shared>> -> memref<10000x128xf32, #tpu.memory_space<vmem_shared>>
      tpu.wait_indirect_dma semaphore(%arg19 : memref<!tpu.dma_semaphore, #tpu.memory_space<semaphore_mem>>) src(%arg12 : memref<80x128xf32, #tpu.memory_space<vmem>>) dst(%dma_wait3A_143 : memref<10000x128xf32, #tpu.memory_space<vmem_shared>>)
      %dma_wait3A_144 = arith.constant 0 : i32
      %dma_wait3A_145 = arith.constant 0 : i32
      %dma_wait3A_146 = tpu.memref_slice %arg16[%dma_wait3A_144, %dma_wait3A_145] : memref<1x80xi32, #tpu.memory_space<vmem>> -> memref<1x80xi32, #tpu.memory_space<vmem>>
      %dma_wait3A_147 = tpu.memref_squeeze %dma_wait3A_146 : memref<1x80xi32, #tpu.memory_space<vmem>> -> memref<80xi32, #tpu.memory_space<vmem>>
      %dma_wait3A_148 = arith.constant 0 : i32
      %dma_wait3A_149 = arith.constant 0 : i32
      %dma_wait3A_150 = tpu.memref_slice %arg11[%dma_wait3A_148, %dma_wait3A_149] : memref<10000x128xf32, #tpu.memory_space<vmem_shared>> -> memref<10000x128xf32, #tpu.memory_space<vmem_shared>>
      tpu.wait_indirect_dma semaphore(%arg19 : memref<!tpu.dma_semaphore, #tpu.memory_space<semaphore_mem>>) src(%arg13 : memref<80x128xf32, #tpu.memory_space<vmem>>) dst(%dma_wait3A_150 : memref<10000x128xf32, #tpu.memory_space<vmem_shared>>)
    }
    %scan3A_10 = arith.constant 62 : i32
    %add3A_11 = arith.constant 125 : i32
    %add3A_12 = arith.addi %mul3A_2, %add3A_11 : i32
    %sub3A = arith.constant 1 : i32
    %sub3A_13 = arith.subi %add3A_12, %sub3A : i32
    "tpu.region"() ({
      %run_scoped3A_79 = tpu.sem_alloc : memref<!tpu.dma_semaphore, #tpu.memory_space<semaphore_mem>>
      %dma_start3A = arith.constant 0 : i32
      %dma_start3A_80 = tpu.memref_slice %arg4[%sub3A_13, %dma_start3A] : memref<4000x80xi32, #tpu.memory_space<hbm>> -> memref<1x80xi32, #tpu.memory_space<hbm>>
      %dma_start3A_81 = arith.constant 0 : i32
      %dma_start3A_82 = tpu.memref_slice %arg4[%sub3A_13, %dma_start3A_81] : memref<4000x80xi32, #tpu.memory_space<hbm>> -> memref<1x80xi32, #tpu.memory_space<hbm>>
      tpu.enqueue_dma source(%dma_start3A_82 : memref<1x80xi32, #tpu.memory_space<hbm>>) target(%arg15 : memref<1x80xi32, #tpu.memory_space<vmem>>) target_semaphore(%run_scoped3A_79 : memref<!tpu.dma_semaphore, #tpu.memory_space<semaphore_mem>>)
      %dma_wait3A = arith.constant 0 : i32
      %dma_wait3A_83 = tpu.memref_slice %arg4[%sub3A_13, %dma_wait3A] : memref<4000x80xi32, #tpu.memory_space<hbm>> -> memref<1x80xi32, #tpu.memory_space<hbm>>
      %dma_wait3A_84 = arith.constant 0 : i32
      %dma_wait3A_85 = tpu.memref_slice %arg4[%sub3A_13, %dma_wait3A_84] : memref<4000x80xi32, #tpu.memory_space<hbm>> -> memref<1x80xi32, #tpu.memory_space<hbm>>
      tpu.wait_dma2 semaphore(%run_scoped3A_79 : memref<!tpu.dma_semaphore, #tpu.memory_space<semaphore_mem>>) src(%dma_wait3A_85 : memref<1x80xi32, #tpu.memory_space<hbm>>) dst(%arg15 : memref<1x80xi32, #tpu.memory_space<vmem>>)
      tpu.yield
    }) : () -> ()
    %mul3A_14 = arith.constant 80 : i32
    %mul3A_15 = arith.muli %sub3A_13, %mul3A_14 : i32
    "tpu.region"() ({
      %run_scoped3A_79 = tpu.sem_alloc : memref<!tpu.dma_semaphore, #tpu.memory_space<semaphore_mem>>
      %dma_start3A = arith.constant 0 : i32
      %dma_start3A_80 = tpu.memref_slice %arg2[%mul3A_15, %dma_start3A] : memref<320000x128xf32, #tpu.memory_space<hbm>> -> memref<80x128xf32, #tpu.memory_space<hbm>>
      %dma_start3A_81 = arith.constant 0 : i32
      %dma_start3A_82 = tpu.memref_slice %arg2[%mul3A_15, %dma_start3A_81] : memref<320000x128xf32, #tpu.memory_space<hbm>> -> memref<80x128xf32, #tpu.memory_space<hbm>>
      tpu.enqueue_dma source(%dma_start3A_82 : memref<80x128xf32, #tpu.memory_space<hbm>>) target(%arg12 : memref<80x128xf32, #tpu.memory_space<vmem>>) target_semaphore(%run_scoped3A_79 : memref<!tpu.dma_semaphore, #tpu.memory_space<semaphore_mem>>)
      %dma_wait3A = arith.constant 0 : i32
      %dma_wait3A_83 = tpu.memref_slice %arg2[%mul3A_15, %dma_wait3A] : memref<320000x128xf32, #tpu.memory_space<hbm>> -> memref<80x128xf32, #tpu.memory_space<hbm>>
      %dma_wait3A_84 = arith.constant 0 : i32
      %dma_wait3A_85 = tpu.memref_slice %arg2[%mul3A_15, %dma_wait3A_84] : memref<320000x128xf32, #tpu.memory_space<hbm>> -> memref<80x128xf32, #tpu.memory_space<hbm>>
      tpu.wait_dma2 semaphore(%run_scoped3A_79 : memref<!tpu.dma_semaphore, #tpu.memory_space<semaphore_mem>>) src(%dma_wait3A_85 : memref<80x128xf32, #tpu.memory_space<hbm>>) dst(%arg12 : memref<80x128xf32, #tpu.memory_space<vmem>>)
      tpu.yield
    }) : () -> ()
    %run_scoped3A = arith.constant 0 : i32
    "tpu.region"() ({
      %run_scoped3A_79 = tpu.sem_alloc : memref<!tpu.dma_semaphore, #tpu.memory_space<semaphore_mem>>
      %dma_start3A = arith.constant 0 : i32
      %dma_start3A_80 = tpu.memref_slice %arg15[%run_scoped3A, %dma_start3A] : memref<1x80xi32, #tpu.memory_space<vmem>> -> memref<1x80xi32, #tpu.memory_space<vmem>>
      %dma_start3A_81 = tpu.memref_squeeze %dma_start3A_80 : memref<1x80xi32, #tpu.memory_space<vmem>> -> memref<80xi32, #tpu.memory_space<vmem>>
      %dma_start3A_82 = arith.constant 0 : i32
      %dma_start3A_83 = arith.constant 0 : i32
      %dma_start3A_84 = tpu.memref_slice %arg11[%dma_start3A_82, %dma_start3A_83] : memref<10000x128xf32, #tpu.memory_space<vmem_shared>> -> memref<10000x128xf32, #tpu.memory_space<vmem_shared>>
      tpu.enqueue_indirect_dma source(%arg12 : memref<80x128xf32, #tpu.memory_space<vmem>>) target(%dma_start3A_84 : memref<10000x128xf32, #tpu.memory_space<vmem_shared>>) offsets(%dma_start3A_81 : memref<80xi32, #tpu.memory_space<vmem>>) semaphore(%run_scoped3A_79 : memref<!tpu.dma_semaphore, #tpu.memory_space<semaphore_mem>>) {add = true}
      %dma_wait3A = arith.constant 0 : i32
      %dma_wait3A_85 = tpu.memref_slice %arg15[%run_scoped3A, %dma_wait3A] : memref<1x80xi32, #tpu.memory_space<vmem>> -> memref<1x80xi32, #tpu.memory_space<vmem>>
      %dma_wait3A_86 = tpu.memref_squeeze %dma_wait3A_85 : memref<1x80xi32, #tpu.memory_space<vmem>> -> memref<80xi32, #tpu.memory_space<vmem>>
      %dma_wait3A_87 = arith.constant 0 : i32
      %dma_wait3A_88 = arith.constant 0 : i32
      %dma_wait3A_89 = tpu.memref_slice %arg11[%dma_wait3A_87, %dma_wait3A_88] : memref<10000x128xf32, #tpu.memory_space<vmem_shared>> -> memref<10000x128xf32, #tpu.memory_space<vmem_shared>>
      tpu.wait_indirect_dma semaphore(%run_scoped3A_79 : memref<!tpu.dma_semaphore, #tpu.memory_space<semaphore_mem>>) src(%arg12 : memref<80x128xf32, #tpu.memory_space<vmem>>) dst(%dma_wait3A_89 : memref<10000x128xf32, #tpu.memory_space<vmem_shared>>)
      tpu.yield
    }) : () -> ()
    %barrier3A_16 = arith.constant 0 : index
    tpu.barrier barrier_id(%barrier3A_16)
    %mul3A_17 = arith.constant 10000 : i32
    %mul3A_18 = arith.muli %arg0, %mul3A_17 : i32
    %add3A_19 = arith.addi %mul3A_18, %mul3A_4 : i32
    "tpu.region"() ({
      %run_scoped3A_79 = tpu.sem_alloc : memref<!tpu.dma_semaphore, #tpu.memory_space<semaphore_mem>>
      %dma_start3A = arith.constant 0 : i32
      %dma_start3A_80 = tpu.memref_slice %arg8[%add3A_19, %dma_start3A] : memref<20000x128xf32, #tpu.memory_space<hbm>> -> memref<624x128xf32, #tpu.memory_space<hbm>>
      %dma_start3A_81 = arith.constant 0 : i32
      %dma_start3A_82 = tpu.memref_slice %arg11[%mul3A_4, %dma_start3A_81] : memref<10000x128xf32, #tpu.memory_space<vmem_shared>> -> memref<624x128xf32, #tpu.memory_space<vmem_shared>>
      tpu.enqueue_dma source(%dma_start3A_82 : memref<624x128xf32, #tpu.memory_space<vmem_shared>>) target(%dma_start3A_80 : memref<624x128xf32, #tpu.memory_space<hbm>>) target_semaphore(%run_scoped3A_79 : memref<!tpu.dma_semaphore, #tpu.memory_space<semaphore_mem>>)
      %dma_wait3A = arith.constant 0 : i32
      %dma_wait3A_83 = tpu.memref_slice %arg8[%add3A_19, %dma_wait3A] : memref<20000x128xf32, #tpu.memory_space<hbm>> -> memref<624x128xf32, #tpu.memory_space<hbm>>
      %dma_wait3A_84 = arith.constant 0 : i32
      %dma_wait3A_85 = tpu.memref_slice %arg11[%mul3A_4, %dma_wait3A_84] : memref<10000x128xf32, #tpu.memory_space<vmem_shared>> -> memref<624x128xf32, #tpu.memory_space<vmem_shared>>
      tpu.wait_dma2 semaphore(%run_scoped3A_79 : memref<!tpu.dma_semaphore, #tpu.memory_space<semaphore_mem>>) src(%dma_wait3A_85 : memref<624x128xf32, #tpu.memory_space<vmem_shared>>) dst(%dma_wait3A_83 : memref<624x128xf32, #tpu.memory_space<hbm>>)
      tpu.yield
    }) : () -> ()
    %eq3A_20 = arith.constant 15 : i32
    %eq3A_21 = arith.cmpi eq, %arg1, %eq3A_20 : i32
    %convert_element_type3A_22 = arith.extui %eq3A_21 : i1 to i32
    %cond3A_23 = arith.constant 0 : i32
    %cond3A_24 = arith.cmpi ne, %convert_element_type3A_22, %cond3A_23 : i32
    scf.if %cond3A_24 {
      %mul3A_79 = arith.constant 10000 : i32
      %mul3A_80 = arith.muli %arg0, %mul3A_79 : i32
      %add3A_81 = arith.constant 9984 : i32
      %add3A_82 = arith.addi %mul3A_80, %add3A_81 : i32
      "tpu.region"() ({
        %run_scoped3A_83 = tpu.sem_alloc : memref<!tpu.dma_semaphore, #tpu.memory_space<semaphore_mem>>
        %dma_start3A = arith.constant 0 : i32
        %dma_start3A_84 = tpu.memref_slice %arg8[%add3A_82, %dma_start3A] : memref<20000x128xf32, #tpu.memory_space<hbm>> -> memref<16x128xf32, #tpu.memory_space<hbm>>
        %dma_start3A_85 = arith.constant 9984 : i32
        %dma_start3A_86 = arith.constant 0 : i32
        %dma_start3A_87 = tpu.memref_slice %arg11[%dma_start3A_85, %dma_start3A_86] : memref<10000x128xf32, #tpu.memory_space<vmem_shared>> -> memref<16x128xf32, #tpu.memory_space<vmem_shared>>
        tpu.enqueue_dma source(%dma_start3A_87 : memref<16x128xf32, #tpu.memory_space<vmem_shared>>) target(%dma_start3A_84 : memref<16x128xf32, #tpu.memory_space<hbm>>) target_semaphore(%run_scoped3A_83 : memref<!tpu.dma_semaphore, #tpu.memory_space<semaphore_mem>>)
        %dma_wait3A = arith.constant 0 : i32
        %dma_wait3A_88 = tpu.memref_slice %arg8[%add3A_82, %dma_wait3A] : memref<20000x128xf32, #tpu.memory_space<hbm>> -> memref<16x128xf32, #tpu.memory_space<hbm>>
        %dma_wait3A_89 = arith.constant 9984 : i32
        %dma_wait3A_90 = arith.constant 0 : i32
        %dma_wait3A_91 = tpu.memref_slice %arg11[%dma_wait3A_89, %dma_wait3A_90] : memref<10000x128xf32, #tpu.memory_space<vmem_shared>> -> memref<16x128xf32, #tpu.memory_space<vmem_shared>>
        tpu.wait_dma2 semaphore(%run_scoped3A_83 : memref<!tpu.dma_semaphore, #tpu.memory_space<semaphore_mem>>) src(%dma_wait3A_91 : memref<16x128xf32, #tpu.memory_space<vmem_shared>>) dst(%dma_wait3A_88 : memref<16x128xf32, #tpu.memory_space<hbm>>)
        tpu.yield
      }) : () -> ()
    } else {
    }
    %barrier3A_25 = arith.constant 0 : index
    tpu.barrier barrier_id(%barrier3A_25)
    %eq3A_26 = arith.constant 0 : i32
    %eq3A_27 = arith.cmpi eq, %arg1, %eq3A_26 : i32
    %convert_element_type3A_28 = arith.extui %eq3A_27 : i1 to i32
    %cond3A_29 = arith.constant 0 : i32
    %cond3A_30 = arith.cmpi ne, %convert_element_type3A_28, %cond3A_29 : i32
    scf.if %cond3A_30 {
      "tpu.region"() ({
        %run_scoped3A_79 = tpu.sem_alloc : memref<!tpu.dma_semaphore, #tpu.memory_space<semaphore_mem>>
        tpu.enqueue_dma source(%arg6 : memref<10000x128xf32, #tpu.memory_space<hbm>>) target(%arg11 : memref<10000x128xf32, #tpu.memory_space<vmem_shared>>) target_semaphore(%run_scoped3A_79 : memref<!tpu.dma_semaphore, #tpu.memory_space<semaphore_mem>>)
        tpu.wait_dma2 semaphore(%run_scoped3A_79 : memref<!tpu.dma_semaphore, #tpu.memory_space<semaphore_mem>>) src(%arg6 : memref<10000x128xf32, #tpu.memory_space<hbm>>) dst(%arg11 : memref<10000x128xf32, #tpu.memory_space<vmem_shared>>)
        tpu.yield
      }) : () -> ()
    } else {
    }
    %barrier3A_31 = arith.constant 0 : index
    tpu.barrier barrier_id(%barrier3A_31)
    %scan3A_32 = arith.constant 0 : i32
    %scan3A_33 = arith.constant 62 : i32
    %scan3A_34 = arith.addi %scan3A_32, %scan3A_33 : i32
    %scan3A_35 = arith.constant 1 : i32
    scf.for %scan3A_79 = %scan3A_32 to %scan3A_34 step %scan3A_35  : i32 {
      %mul3A_80 = arith.constant 1 : i32
      %mul3A_81 = arith.muli %scan3A_79, %mul3A_80 : i32
      %add3A_82 = arith.constant 0 : i32
      %add3A_83 = arith.addi %add3A_82, %mul3A_81 : i32
      %mul3A_84 = arith.constant 2 : i32
      %mul3A_85 = arith.muli %mul3A_84, %add3A_83 : i32
      %add3A_86 = arith.addi %mul3A_2, %mul3A_85 : i32
      %add3A_87 = arith.constant 1 : i32
      %add3A_88 = arith.addi %add3A_86, %add3A_87 : i32
      %dma_start3A = arith.constant 0 : i32
      %dma_start3A_89 = tpu.memref_slice %arg4[%add3A_86, %dma_start3A] : memref<4000x80xi32, #tpu.memory_space<hbm>> -> memref<1x80xi32, #tpu.memory_space<hbm>>
      %dma_start3A_90 = arith.constant 0 : i32
      %dma_start3A_91 = tpu.memref_slice %arg4[%add3A_86, %dma_start3A_90] : memref<4000x80xi32, #tpu.memory_space<hbm>> -> memref<1x80xi32, #tpu.memory_space<hbm>>
      tpu.enqueue_dma source(%dma_start3A_91 : memref<1x80xi32, #tpu.memory_space<hbm>>) target(%arg15 : memref<1x80xi32, #tpu.memory_space<vmem>>) target_semaphore(%arg17 : memref<!tpu.dma_semaphore, #tpu.memory_space<semaphore_mem>>)
      %dma_start3A_92 = arith.constant 0 : i32
      %dma_start3A_93 = tpu.memref_slice %arg4[%add3A_88, %dma_start3A_92] : memref<4000x80xi32, #tpu.memory_space<hbm>> -> memref<1x80xi32, #tpu.memory_space<hbm>>
      %dma_start3A_94 = arith.constant 0 : i32
      %dma_start3A_95 = tpu.memref_slice %arg4[%add3A_88, %dma_start3A_94] : memref<4000x80xi32, #tpu.memory_space<hbm>> -> memref<1x80xi32, #tpu.memory_space<hbm>>
      tpu.enqueue_dma source(%dma_start3A_95 : memref<1x80xi32, #tpu.memory_space<hbm>>) target(%arg16 : memref<1x80xi32, #tpu.memory_space<vmem>>) target_semaphore(%arg17 : memref<!tpu.dma_semaphore, #tpu.memory_space<semaphore_mem>>)
      %mul3A_96 = arith.constant 80 : i32
      %mul3A_97 = arith.muli %add3A_86, %mul3A_96 : i32
      %dma_start3A_98 = arith.constant 0 : i32
      %dma_start3A_99 = tpu.memref_slice %arg3[%mul3A_97, %dma_start3A_98] : memref<320000x128xf32, #tpu.memory_space<hbm>> -> memref<80x128xf32, #tpu.memory_space<hbm>>
      %dma_start3A_100 = arith.constant 0 : i32
      %dma_start3A_101 = tpu.memref_slice %arg3[%mul3A_97, %dma_start3A_100] : memref<320000x128xf32, #tpu.memory_space<hbm>> -> memref<80x128xf32, #tpu.memory_space<hbm>>
      tpu.enqueue_dma source(%dma_start3A_101 : memref<80x128xf32, #tpu.memory_space<hbm>>) target(%arg12 : memref<80x128xf32, #tpu.memory_space<vmem>>) target_semaphore(%arg18 : memref<!tpu.dma_semaphore, #tpu.memory_space<semaphore_mem>>)
      %mul3A_102 = arith.constant 80 : i32
      %mul3A_103 = arith.muli %add3A_88, %mul3A_102 : i32
      %dma_start3A_104 = arith.constant 0 : i32
      %dma_start3A_105 = tpu.memref_slice %arg3[%mul3A_103, %dma_start3A_104] : memref<320000x128xf32, #tpu.memory_space<hbm>> -> memref<80x128xf32, #tpu.memory_space<hbm>>
      %dma_start3A_106 = arith.constant 0 : i32
      %dma_start3A_107 = tpu.memref_slice %arg3[%mul3A_103, %dma_start3A_106] : memref<320000x128xf32, #tpu.memory_space<hbm>> -> memref<80x128xf32, #tpu.memory_space<hbm>>
      tpu.enqueue_dma source(%dma_start3A_107 : memref<80x128xf32, #tpu.memory_space<hbm>>) target(%arg13 : memref<80x128xf32, #tpu.memory_space<vmem>>) target_semaphore(%arg18 : memref<!tpu.dma_semaphore, #tpu.memory_space<semaphore_mem>>)
      %dma_wait3A = arith.constant 0 : i32
      %dma_wait3A_108 = tpu.memref_slice %arg4[%add3A_86, %dma_wait3A] : memref<4000x80xi32, #tpu.memory_space<hbm>> -> memref<1x80xi32, #tpu.memory_space<hbm>>
      %dma_wait3A_109 = arith.constant 0 : i32
      %dma_wait3A_110 = tpu.memref_slice %arg4[%add3A_86, %dma_wait3A_109] : memref<4000x80xi32, #tpu.memory_space<hbm>> -> memref<1x80xi32, #tpu.memory_space<hbm>>
      tpu.wait_dma2 semaphore(%arg17 : memref<!tpu.dma_semaphore, #tpu.memory_space<semaphore_mem>>) src(%dma_wait3A_110 : memref<1x80xi32, #tpu.memory_space<hbm>>) dst(%arg15 : memref<1x80xi32, #tpu.memory_space<vmem>>)
      %dma_wait3A_111 = arith.constant 0 : i32
      %dma_wait3A_112 = tpu.memref_slice %arg3[%mul3A_97, %dma_wait3A_111] : memref<320000x128xf32, #tpu.memory_space<hbm>> -> memref<80x128xf32, #tpu.memory_space<hbm>>
      %dma_wait3A_113 = arith.constant 0 : i32
      %dma_wait3A_114 = tpu.memref_slice %arg3[%mul3A_97, %dma_wait3A_113] : memref<320000x128xf32, #tpu.memory_space<hbm>> -> memref<80x128xf32, #tpu.memory_space<hbm>>
      tpu.wait_dma2 semaphore(%arg18 : memref<!tpu.dma_semaphore, #tpu.memory_space<semaphore_mem>>) src(%dma_wait3A_114 : memref<80x128xf32, #tpu.memory_space<hbm>>) dst(%arg12 : memref<80x128xf32, #tpu.memory_space<vmem>>)
      %dma_start3A_115 = arith.constant 0 : i32
      %dma_start3A_116 = arith.constant 0 : i32
      %dma_start3A_117 = tpu.memref_slice %arg15[%dma_start3A_115, %dma_start3A_116] : memref<1x80xi32, #tpu.memory_space<vmem>> -> memref<1x80xi32, #tpu.memory_space<vmem>>
      %dma_start3A_118 = tpu.memref_squeeze %dma_start3A_117 : memref<1x80xi32, #tpu.memory_space<vmem>> -> memref<80xi32, #tpu.memory_space<vmem>>
      %dma_start3A_119 = arith.constant 0 : i32
      %dma_start3A_120 = arith.constant 0 : i32
      %dma_start3A_121 = tpu.memref_slice %arg11[%dma_start3A_119, %dma_start3A_120] : memref<10000x128xf32, #tpu.memory_space<vmem_shared>> -> memref<10000x128xf32, #tpu.memory_space<vmem_shared>>
      tpu.enqueue_indirect_dma source(%arg12 : memref<80x128xf32, #tpu.memory_space<vmem>>) target(%dma_start3A_121 : memref<10000x128xf32, #tpu.memory_space<vmem_shared>>) offsets(%dma_start3A_118 : memref<80xi32, #tpu.memory_space<vmem>>) semaphore(%arg19 : memref<!tpu.dma_semaphore, #tpu.memory_space<semaphore_mem>>) {add = true}
      %dma_wait3A_122 = arith.constant 0 : i32
      %dma_wait3A_123 = tpu.memref_slice %arg4[%add3A_88, %dma_wait3A_122] : memref<4000x80xi32, #tpu.memory_space<hbm>> -> memref<1x80xi32, #tpu.memory_space<hbm>>
      %dma_wait3A_124 = arith.constant 0 : i32
      %dma_wait3A_125 = tpu.memref_slice %arg4[%add3A_88, %dma_wait3A_124] : memref<4000x80xi32, #tpu.memory_space<hbm>> -> memref<1x80xi32, #tpu.memory_space<hbm>>
      tpu.wait_dma2 semaphore(%arg17 : memref<!tpu.dma_semaphore, #tpu.memory_space<semaphore_mem>>) src(%dma_wait3A_125 : memref<1x80xi32, #tpu.memory_space<hbm>>) dst(%arg16 : memref<1x80xi32, #tpu.memory_space<vmem>>)
      %dma_wait3A_126 = arith.constant 0 : i32
      %dma_wait3A_127 = tpu.memref_slice %arg3[%mul3A_103, %dma_wait3A_126] : memref<320000x128xf32, #tpu.memory_space<hbm>> -> memref<80x128xf32, #tpu.memory_space<hbm>>
      %dma_wait3A_128 = arith.constant 0 : i32
      %dma_wait3A_129 = tpu.memref_slice %arg3[%mul3A_103, %dma_wait3A_128] : memref<320000x128xf32, #tpu.memory_space<hbm>> -> memref<80x128xf32, #tpu.memory_space<hbm>>
      tpu.wait_dma2 semaphore(%arg18 : memref<!tpu.dma_semaphore, #tpu.memory_space<semaphore_mem>>) src(%dma_wait3A_129 : memref<80x128xf32, #tpu.memory_space<hbm>>) dst(%arg13 : memref<80x128xf32, #tpu.memory_space<vmem>>)
      %dma_start3A_130 = arith.constant 0 : i32
      %dma_start3A_131 = arith.constant 0 : i32
      %dma_start3A_132 = tpu.memref_slice %arg16[%dma_start3A_130, %dma_start3A_131] : memref<1x80xi32, #tpu.memory_space<vmem>> -> memref<1x80xi32, #tpu.memory_space<vmem>>
      %dma_start3A_133 = tpu.memref_squeeze %dma_start3A_132 : memref<1x80xi32, #tpu.memory_space<vmem>> -> memref<80xi32, #tpu.memory_space<vmem>>
      %dma_start3A_134 = arith.constant 0 : i32
      %dma_start3A_135 = arith.constant 0 : i32
      %dma_start3A_136 = tpu.memref_slice %arg11[%dma_start3A_134, %dma_start3A_135] : memref<10000x128xf32, #tpu.memory_space<vmem_shared>> -> memref<10000x128xf32, #tpu.memory_space<vmem_shared>>
      tpu.enqueue_indirect_dma source(%arg13 : memref<80x128xf32, #tpu.memory_space<vmem>>) target(%dma_start3A_136 : memref<10000x128xf32, #tpu.memory_space<vmem_shared>>) offsets(%dma_start3A_133 : memref<80xi32, #tpu.memory_space<vmem>>) semaphore(%arg19 : memref<!tpu.dma_semaphore, #tpu.memory_space<semaphore_mem>>) {add = true}
      %dma_wait3A_137 = arith.constant 0 : i32
      %dma_wait3A_138 = arith.constant 0 : i32
      %dma_wait3A_139 = tpu.memref_slice %arg15[%dma_wait3A_137, %dma_wait3A_138] : memref<1x80xi32, #tpu.memory_space<vmem>> -> memref<1x80xi32, #tpu.memory_space<vmem>>
      %dma_wait3A_140 = tpu.memref_squeeze %dma_wait3A_139 : memref<1x80xi32, #tpu.memory_space<vmem>> -> memref<80xi32, #tpu.memory_space<vmem>>
      %dma_wait3A_141 = arith.constant 0 : i32
      %dma_wait3A_142 = arith.constant 0 : i32
      %dma_wait3A_143 = tpu.memref_slice %arg11[%dma_wait3A_141, %dma_wait3A_142] : memref<10000x128xf32, #tpu.memory_space<vmem_shared>> -> memref<10000x128xf32, #tpu.memory_space<vmem_shared>>
      tpu.wait_indirect_dma semaphore(%arg19 : memref<!tpu.dma_semaphore, #tpu.memory_space<semaphore_mem>>) src(%arg12 : memref<80x128xf32, #tpu.memory_space<vmem>>) dst(%dma_wait3A_143 : memref<10000x128xf32, #tpu.memory_space<vmem_shared>>)
      %dma_wait3A_144 = arith.constant 0 : i32
      %dma_wait3A_145 = arith.constant 0 : i32
      %dma_wait3A_146 = tpu.memref_slice %arg16[%dma_wait3A_144, %dma_wait3A_145] : memref<1x80xi32, #tpu.memory_space<vmem>> -> memref<1x80xi32, #tpu.memory_space<vmem>>
      %dma_wait3A_147 = tpu.memref_squeeze %dma_wait3A_146 : memref<1x80xi32, #tpu.memory_space<vmem>> -> memref<80xi32, #tpu.memory_space<vmem>>
      %dma_wait3A_148 = arith.constant 0 : i32
      %dma_wait3A_149 = arith.constant 0 : i32
      %dma_wait3A_150 = tpu.memref_slice %arg11[%dma_wait3A_148, %dma_wait3A_149] : memref<10000x128xf32, #tpu.memory_space<vmem_shared>> -> memref<10000x128xf32, #tpu.memory_space<vmem_shared>>
      tpu.wait_indirect_dma semaphore(%arg19 : memref<!tpu.dma_semaphore, #tpu.memory_space<semaphore_mem>>) src(%arg13 : memref<80x128xf32, #tpu.memory_space<vmem>>) dst(%dma_wait3A_150 : memref<10000x128xf32, #tpu.memory_space<vmem_shared>>)
    }
    %scan3A_36 = arith.constant 62 : i32
    %add3A_37 = arith.constant 125 : i32
    %add3A_38 = arith.addi %mul3A_2, %add3A_37 : i32
    %sub3A_39 = arith.constant 1 : i32
    %sub3A_40 = arith.subi %add3A_38, %sub3A_39 : i32
    "tpu.region"() ({
      %run_scoped3A_79 = tpu.sem_alloc : memref<!tpu.dma_semaphore, #tpu.memory_space<semaphore_mem>>
      %dma_start3A = arith.constant 0 : i32
      %dma_start3A_80 = tpu.memref_slice %arg4[%sub3A_40, %dma_start3A] : memref<4000x80xi32, #tpu.memory_space<hbm>> -> memref<1x80xi32, #tpu.memory_space<hbm>>
      %dma_start3A_81 = arith.constant 0 : i32
      %dma_start3A_82 = tpu.memref_slice %arg4[%sub3A_40, %dma_start3A_81] : memref<4000x80xi32, #tpu.memory_space<hbm>> -> memref<1x80xi32, #tpu.memory_space<hbm>>
      tpu.enqueue_dma source(%dma_start3A_82 : memref<1x80xi32, #tpu.memory_space<hbm>>) target(%arg15 : memref<1x80xi32, #tpu.memory_space<vmem>>) target_semaphore(%run_scoped3A_79 : memref<!tpu.dma_semaphore, #tpu.memory_space<semaphore_mem>>)
      %dma_wait3A = arith.constant 0 : i32
      %dma_wait3A_83 = tpu.memref_slice %arg4[%sub3A_40, %dma_wait3A] : memref<4000x80xi32, #tpu.memory_space<hbm>> -> memref<1x80xi32, #tpu.memory_space<hbm>>
      %dma_wait3A_84 = arith.constant 0 : i32
      %dma_wait3A_85 = tpu.memref_slice %arg4[%sub3A_40, %dma_wait3A_84] : memref<4000x80xi32, #tpu.memory_space<hbm>> -> memref<1x80xi32, #tpu.memory_space<hbm>>
      tpu.wait_dma2 semaphore(%run_scoped3A_79 : memref<!tpu.dma_semaphore, #tpu.memory_space<semaphore_mem>>) src(%dma_wait3A_85 : memref<1x80xi32, #tpu.memory_space<hbm>>) dst(%arg15 : memref<1x80xi32, #tpu.memory_space<vmem>>)
      tpu.yield
    }) : () -> ()
    %mul3A_41 = arith.constant 80 : i32
    %mul3A_42 = arith.muli %sub3A_40, %mul3A_41 : i32
    "tpu.region"() ({
      %run_scoped3A_79 = tpu.sem_alloc : memref<!tpu.dma_semaphore, #tpu.memory_space<semaphore_mem>>
      %dma_start3A = arith.constant 0 : i32
      %dma_start3A_80 = tpu.memref_slice %arg3[%mul3A_42, %dma_start3A] : memref<320000x128xf32, #tpu.memory_space<hbm>> -> memref<80x128xf32, #tpu.memory_space<hbm>>
      %dma_start3A_81 = arith.constant 0 : i32
      %dma_start3A_82 = tpu.memref_slice %arg3[%mul3A_42, %dma_start3A_81] : memref<320000x128xf32, #tpu.memory_space<hbm>> -> memref<80x128xf32, #tpu.memory_space<hbm>>
      tpu.enqueue_dma source(%dma_start3A_82 : memref<80x128xf32, #tpu.memory_space<hbm>>) target(%arg12 : memref<80x128xf32, #tpu.memory_space<vmem>>) target_semaphore(%run_scoped3A_79 : memref<!tpu.dma_semaphore, #tpu.memory_space<semaphore_mem>>)
      %dma_wait3A = arith.constant 0 : i32
      %dma_wait3A_83 = tpu.memref_slice %arg3[%mul3A_42, %dma_wait3A] : memref<320000x128xf32, #tpu.memory_space<hbm>> -> memref<80x128xf32, #tpu.memory_space<hbm>>
      %dma_wait3A_84 = arith.constant 0 : i32
      %dma_wait3A_85 = tpu.memref_slice %arg3[%mul3A_42, %dma_wait3A_84] : memref<320000x128xf32, #tpu.memory_space<hbm>> -> memref<80x128xf32, #tpu.memory_space<hbm>>
      tpu.wait_dma2 semaphore(%run_scoped3A_79 : memref<!tpu.dma_semaphore, #tpu.memory_space<semaphore_mem>>) src(%dma_wait3A_85 : memref<80x128xf32, #tpu.memory_space<hbm>>) dst(%arg12 : memref<80x128xf32, #tpu.memory_space<vmem>>)
      tpu.yield
    }) : () -> ()
    %run_scoped3A_43 = arith.constant 0 : i32
    "tpu.region"() ({
      %run_scoped3A_79 = tpu.sem_alloc : memref<!tpu.dma_semaphore, #tpu.memory_space<semaphore_mem>>
      %dma_start3A = arith.constant 0 : i32
      %dma_start3A_80 = tpu.memref_slice %arg15[%run_scoped3A_43, %dma_start3A] : memref<1x80xi32, #tpu.memory_space<vmem>> -> memref<1x80xi32, #tpu.memory_space<vmem>>
      %dma_start3A_81 = tpu.memref_squeeze %dma_start3A_80 : memref<1x80xi32, #tpu.memory_space<vmem>> -> memref<80xi32, #tpu.memory_space<vmem>>
      %dma_start3A_82 = arith.constant 0 : i32
      %dma_start3A_83 = arith.constant 0 : i32
      %dma_start3A_84 = tpu.memref_slice %arg11[%dma_start3A_82, %dma_start3A_83] : memref<10000x128xf32, #tpu.memory_space<vmem_shared>> -> memref<10000x128xf32, #tpu.memory_space<vmem_shared>>
      tpu.enqueue_indirect_dma source(%arg12 : memref<80x128xf32, #tpu.memory_space<vmem>>) target(%dma_start3A_84 : memref<10000x128xf32, #tpu.memory_space<vmem_shared>>) offsets(%dma_start3A_81 : memref<80xi32, #tpu.memory_space<vmem>>) semaphore(%run_scoped3A_79 : memref<!tpu.dma_semaphore, #tpu.memory_space<semaphore_mem>>) {add = true}
      %dma_wait3A = arith.constant 0 : i32
      %dma_wait3A_85 = tpu.memref_slice %arg15[%run_scoped3A_43, %dma_wait3A] : memref<1x80xi32, #tpu.memory_space<vmem>> -> memref<1x80xi32, #tpu.memory_space<vmem>>
      %dma_wait3A_86 = tpu.memref_squeeze %dma_wait3A_85 : memref<1x80xi32, #tpu.memory_space<vmem>> -> memref<80xi32, #tpu.memory_space<vmem>>
      %dma_wait3A_87 = arith.constant 0 : i32
      %dma_wait3A_88 = arith.constant 0 : i32
      %dma_wait3A_89 = tpu.memref_slice %arg11[%dma_wait3A_87, %dma_wait3A_88] : memref<10000x128xf32, #tpu.memory_space<vmem_shared>> -> memref<10000x128xf32, #tpu.memory_space<vmem_shared>>
      tpu.wait_indirect_dma semaphore(%run_scoped3A_79 : memref<!tpu.dma_semaphore, #tpu.memory_space<semaphore_mem>>) src(%arg12 : memref<80x128xf32, #tpu.memory_space<vmem>>) dst(%dma_wait3A_89 : memref<10000x128xf32, #tpu.memory_space<vmem_shared>>)
      tpu.yield
    }) : () -> ()
    %barrier3A_44 = arith.constant 0 : index
    tpu.barrier barrier_id(%barrier3A_44)
    %mul3A_45 = arith.constant 10000 : i32
    %mul3A_46 = arith.muli %arg0, %mul3A_45 : i32
    %add3A_47 = arith.addi %mul3A_46, %mul3A_4 : i32
    "tpu.region"() ({
      %run_scoped3A_79 = tpu.sem_alloc : memref<!tpu.dma_semaphore, #tpu.memory_space<semaphore_mem>>
      %dma_start3A = arith.constant 0 : i32
      %dma_start3A_80 = tpu.memref_slice %arg9[%add3A_47, %dma_start3A] : memref<20000x128xf32, #tpu.memory_space<hbm>> -> memref<624x128xf32, #tpu.memory_space<hbm>>
      %dma_start3A_81 = arith.constant 0 : i32
      %dma_start3A_82 = tpu.memref_slice %arg11[%mul3A_4, %dma_start3A_81] : memref<10000x128xf32, #tpu.memory_space<vmem_shared>> -> memref<624x128xf32, #tpu.memory_space<vmem_shared>>
      tpu.enqueue_dma source(%dma_start3A_82 : memref<624x128xf32, #tpu.memory_space<vmem_shared>>) target(%dma_start3A_80 : memref<624x128xf32, #tpu.memory_space<hbm>>) target_semaphore(%run_scoped3A_79 : memref<!tpu.dma_semaphore, #tpu.memory_space<semaphore_mem>>)
      %dma_wait3A = arith.constant 0 : i32
      %dma_wait3A_83 = tpu.memref_slice %arg9[%add3A_47, %dma_wait3A] : memref<20000x128xf32, #tpu.memory_space<hbm>> -> memref<624x128xf32, #tpu.memory_space<hbm>>
      %dma_wait3A_84 = arith.constant 0 : i32
      %dma_wait3A_85 = tpu.memref_slice %arg11[%mul3A_4, %dma_wait3A_84] : memref<10000x128xf32, #tpu.memory_space<vmem_shared>> -> memref<624x128xf32, #tpu.memory_space<vmem_shared>>
      tpu.wait_dma2 semaphore(%run_scoped3A_79 : memref<!tpu.dma_semaphore, #tpu.memory_space<semaphore_mem>>) src(%dma_wait3A_85 : memref<624x128xf32, #tpu.memory_space<vmem_shared>>) dst(%dma_wait3A_83 : memref<624x128xf32, #tpu.memory_space<hbm>>)
      tpu.yield
    }) : () -> ()
    %eq3A_48 = arith.constant 15 : i32
    %eq3A_49 = arith.cmpi eq, %arg1, %eq3A_48 : i32
    %convert_element_type3A_50 = arith.extui %eq3A_49 : i1 to i32
    %cond3A_51 = arith.constant 0 : i32
    %cond3A_52 = arith.cmpi ne, %convert_element_type3A_50, %cond3A_51 : i32
    scf.if %cond3A_52 {
      %mul3A_79 = arith.constant 10000 : i32
      %mul3A_80 = arith.muli %arg0, %mul3A_79 : i32
      %add3A_81 = arith.constant 9984 : i32
      %add3A_82 = arith.addi %mul3A_80, %add3A_81 : i32
      "tpu.region"() ({
        %run_scoped3A_83 = tpu.sem_alloc : memref<!tpu.dma_semaphore, #tpu.memory_space<semaphore_mem>>
        %dma_start3A = arith.constant 0 : i32
        %dma_start3A_84 = tpu.memref_slice %arg9[%add3A_82, %dma_start3A] : memref<20000x128xf32, #tpu.memory_space<hbm>> -> memref<16x128xf32, #tpu.memory_space<hbm>>
        %dma_start3A_85 = arith.constant 9984 : i32
        %dma_start3A_86 = arith.constant 0 : i32
        %dma_start3A_87 = tpu.memref_slice %arg11[%dma_start3A_85, %dma_start3A_86] : memref<10000x128xf32, #tpu.memory_space<vmem_shared>> -> memref<16x128xf32, #tpu.memory_space<vmem_shared>>
        tpu.enqueue_dma source(%dma_start3A_87 : memref<16x128xf32, #tpu.memory_space<vmem_shared>>) target(%dma_start3A_84 : memref<16x128xf32, #tpu.memory_space<hbm>>) target_semaphore(%run_scoped3A_83 : memref<!tpu.dma_semaphore, #tpu.memory_space<semaphore_mem>>)
        %dma_wait3A = arith.constant 0 : i32
        %dma_wait3A_88 = tpu.memref_slice %arg9[%add3A_82, %dma_wait3A] : memref<20000x128xf32, #tpu.memory_space<hbm>> -> memref<16x128xf32, #tpu.memory_space<hbm>>
        %dma_wait3A_89 = arith.constant 9984 : i32
        %dma_wait3A_90 = arith.constant 0 : i32
        %dma_wait3A_91 = tpu.memref_slice %arg11[%dma_wait3A_89, %dma_wait3A_90] : memref<10000x128xf32, #tpu.memory_space<vmem_shared>> -> memref<16x128xf32, #tpu.memory_space<vmem_shared>>
        tpu.wait_dma2 semaphore(%run_scoped3A_83 : memref<!tpu.dma_semaphore, #tpu.memory_space<semaphore_mem>>) src(%dma_wait3A_91 : memref<16x128xf32, #tpu.memory_space<vmem_shared>>) dst(%dma_wait3A_88 : memref<16x128xf32, #tpu.memory_space<hbm>>)
        tpu.yield
      }) : () -> ()
    } else {
    }
    %barrier3A_53 = arith.constant 0 : index
    tpu.barrier barrier_id(%barrier3A_53)
    %eq3A_54 = arith.constant 0 : i32
    %eq3A_55 = arith.cmpi eq, %arg1, %eq3A_54 : i32
    %convert_element_type3A_56 = arith.extui %eq3A_55 : i1 to i32
    %cond3A_57 = arith.constant 0 : i32
    %cond3A_58 = arith.cmpi ne, %convert_element_type3A_56, %cond3A_57 : i32
    scf.if %cond3A_58 {
      "tpu.region"() ({
        %run_scoped3A_79 = tpu.sem_alloc : memref<!tpu.dma_semaphore, #tpu.memory_space<semaphore_mem>>
        tpu.enqueue_dma source(%arg6 : memref<10000x128xf32, #tpu.memory_space<hbm>>) target(%arg11 : memref<10000x128xf32, #tpu.memory_space<vmem_shared>>) target_semaphore(%run_scoped3A_79 : memref<!tpu.dma_semaphore, #tpu.memory_space<semaphore_mem>>)
        tpu.wait_dma2 semaphore(%run_scoped3A_79 : memref<!tpu.dma_semaphore, #tpu.memory_space<semaphore_mem>>) src(%arg6 : memref<10000x128xf32, #tpu.memory_space<hbm>>) dst(%arg11 : memref<10000x128xf32, #tpu.memory_space<vmem_shared>>)
        tpu.yield
      }) : () -> ()
    } else {
    }
    %barrier3A_59 = arith.constant 0 : index
    tpu.barrier barrier_id(%barrier3A_59)
    %scan3A_60 = arith.constant 0 : i32
    %scan3A_61 = arith.constant 62 : i32
    %scan3A_62 = arith.addi %scan3A_60, %scan3A_61 : i32
    %scan3A_63 = arith.constant 1 : i32
    scf.for %scan3A_79 = %scan3A_60 to %scan3A_62 step %scan3A_63  : i32 {
      %mul3A_80 = arith.constant 1 : i32
      %mul3A_81 = arith.muli %scan3A_79, %mul3A_80 : i32
      %add3A_82 = arith.constant 0 : i32
      %add3A_83 = arith.addi %add3A_82, %mul3A_81 : i32
      %mul3A_84 = arith.constant 2 : i32
      %mul3A_85 = arith.muli %mul3A_84, %add3A_83 : i32
      %add3A_86 = arith.addi %mul3A_2, %mul3A_85 : i32
      %add3A_87 = arith.constant 1 : i32
      %add3A_88 = arith.addi %add3A_86, %add3A_87 : i32
      %dma_start3A = arith.constant 0 : i32
      %dma_start3A_89 = tpu.memref_slice %arg5[%add3A_86, %dma_start3A] : memref<4000x80xi32, #tpu.memory_space<hbm>> -> memref<1x80xi32, #tpu.memory_space<hbm>>
      %dma_start3A_90 = arith.constant 0 : i32
      %dma_start3A_91 = tpu.memref_slice %arg5[%add3A_86, %dma_start3A_90] : memref<4000x80xi32, #tpu.memory_space<hbm>> -> memref<1x80xi32, #tpu.memory_space<hbm>>
      tpu.enqueue_dma source(%dma_start3A_91 : memref<1x80xi32, #tpu.memory_space<hbm>>) target(%arg15 : memref<1x80xi32, #tpu.memory_space<vmem>>) target_semaphore(%arg17 : memref<!tpu.dma_semaphore, #tpu.memory_space<semaphore_mem>>)
      %dma_start3A_92 = arith.constant 0 : i32
      %dma_start3A_93 = tpu.memref_slice %arg5[%add3A_88, %dma_start3A_92] : memref<4000x80xi32, #tpu.memory_space<hbm>> -> memref<1x80xi32, #tpu.memory_space<hbm>>
      %dma_start3A_94 = arith.constant 0 : i32
      %dma_start3A_95 = tpu.memref_slice %arg5[%add3A_88, %dma_start3A_94] : memref<4000x80xi32, #tpu.memory_space<hbm>> -> memref<1x80xi32, #tpu.memory_space<hbm>>
      tpu.enqueue_dma source(%dma_start3A_95 : memref<1x80xi32, #tpu.memory_space<hbm>>) target(%arg16 : memref<1x80xi32, #tpu.memory_space<vmem>>) target_semaphore(%arg17 : memref<!tpu.dma_semaphore, #tpu.memory_space<semaphore_mem>>)
      %dma_wait3A = arith.constant 0 : i32
      %dma_wait3A_96 = tpu.memref_slice %arg5[%add3A_86, %dma_wait3A] : memref<4000x80xi32, #tpu.memory_space<hbm>> -> memref<1x80xi32, #tpu.memory_space<hbm>>
      %dma_wait3A_97 = arith.constant 0 : i32
      %dma_wait3A_98 = tpu.memref_slice %arg5[%add3A_86, %dma_wait3A_97] : memref<4000x80xi32, #tpu.memory_space<hbm>> -> memref<1x80xi32, #tpu.memory_space<hbm>>
      tpu.wait_dma2 semaphore(%arg17 : memref<!tpu.dma_semaphore, #tpu.memory_space<semaphore_mem>>) src(%dma_wait3A_98 : memref<1x80xi32, #tpu.memory_space<hbm>>) dst(%arg15 : memref<1x80xi32, #tpu.memory_space<vmem>>)
      %dma_start3A_99 = arith.constant 0 : i32
      %dma_start3A_100 = arith.constant 0 : i32
      %dma_start3A_101 = tpu.memref_slice %arg15[%dma_start3A_99, %dma_start3A_100] : memref<1x80xi32, #tpu.memory_space<vmem>> -> memref<1x80xi32, #tpu.memory_space<vmem>>
      %dma_start3A_102 = tpu.memref_squeeze %dma_start3A_101 : memref<1x80xi32, #tpu.memory_space<vmem>> -> memref<80xi32, #tpu.memory_space<vmem>>
      %dma_start3A_103 = arith.constant 0 : i32
      %dma_start3A_104 = arith.constant 0 : i32
      %dma_start3A_105 = tpu.memref_slice %arg11[%dma_start3A_103, %dma_start3A_104] : memref<10000x128xf32, #tpu.memory_space<vmem_shared>> -> memref<10000x128xf32, #tpu.memory_space<vmem_shared>>
      tpu.enqueue_indirect_dma source(%arg14 : memref<80x128xf32, #tpu.memory_space<vmem>>) target(%dma_start3A_105 : memref<10000x128xf32, #tpu.memory_space<vmem_shared>>) offsets(%dma_start3A_102 : memref<80xi32, #tpu.memory_space<vmem>>) semaphore(%arg19 : memref<!tpu.dma_semaphore, #tpu.memory_space<semaphore_mem>>) {add = true}
      %dma_wait3A_106 = arith.constant 0 : i32
      %dma_wait3A_107 = tpu.memref_slice %arg5[%add3A_88, %dma_wait3A_106] : memref<4000x80xi32, #tpu.memory_space<hbm>> -> memref<1x80xi32, #tpu.memory_space<hbm>>
      %dma_wait3A_108 = arith.constant 0 : i32
      %dma_wait3A_109 = tpu.memref_slice %arg5[%add3A_88, %dma_wait3A_108] : memref<4000x80xi32, #tpu.memory_space<hbm>> -> memref<1x80xi32, #tpu.memory_space<hbm>>
      tpu.wait_dma2 semaphore(%arg17 : memref<!tpu.dma_semaphore, #tpu.memory_space<semaphore_mem>>) src(%dma_wait3A_109 : memref<1x80xi32, #tpu.memory_space<hbm>>) dst(%arg16 : memref<1x80xi32, #tpu.memory_space<vmem>>)
      %dma_start3A_110 = arith.constant 0 : i32
      %dma_start3A_111 = arith.constant 0 : i32
      %dma_start3A_112 = tpu.memref_slice %arg16[%dma_start3A_110, %dma_start3A_111] : memref<1x80xi32, #tpu.memory_space<vmem>> -> memref<1x80xi32, #tpu.memory_space<vmem>>
      %dma_start3A_113 = tpu.memref_squeeze %dma_start3A_112 : memref<1x80xi32, #tpu.memory_space<vmem>> -> memref<80xi32, #tpu.memory_space<vmem>>
      %dma_start3A_114 = arith.constant 0 : i32
      %dma_start3A_115 = arith.constant 0 : i32
      %dma_start3A_116 = tpu.memref_slice %arg11[%dma_start3A_114, %dma_start3A_115] : memref<10000x128xf32, #tpu.memory_space<vmem_shared>> -> memref<10000x128xf32, #tpu.memory_space<vmem_shared>>
      tpu.enqueue_indirect_dma source(%arg14 : memref<80x128xf32, #tpu.memory_space<vmem>>) target(%dma_start3A_116 : memref<10000x128xf32, #tpu.memory_space<vmem_shared>>) offsets(%dma_start3A_113 : memref<80xi32, #tpu.memory_space<vmem>>) semaphore(%arg19 : memref<!tpu.dma_semaphore, #tpu.memory_space<semaphore_mem>>) {add = true}
      %dma_wait3A_117 = arith.constant 0 : i32
      %dma_wait3A_118 = arith.constant 0 : i32
      %dma_wait3A_119 = tpu.memref_slice %arg15[%dma_wait3A_117, %dma_wait3A_118] : memref<1x80xi32, #tpu.memory_space<vmem>> -> memref<1x80xi32, #tpu.memory_space<vmem>>
      %dma_wait3A_120 = tpu.memref_squeeze %dma_wait3A_119 : memref<1x80xi32, #tpu.memory_space<vmem>> -> memref<80xi32, #tpu.memory_space<vmem>>
      %dma_wait3A_121 = arith.constant 0 : i32
      %dma_wait3A_122 = arith.constant 0 : i32
      %dma_wait3A_123 = tpu.memref_slice %arg11[%dma_wait3A_121, %dma_wait3A_122] : memref<10000x128xf32, #tpu.memory_space<vmem_shared>> -> memref<10000x128xf32, #tpu.memory_space<vmem_shared>>
      tpu.wait_indirect_dma semaphore(%arg19 : memref<!tpu.dma_semaphore, #tpu.memory_space<semaphore_mem>>) src(%arg14 : memref<80x128xf32, #tpu.memory_space<vmem>>) dst(%dma_wait3A_123 : memref<10000x128xf32, #tpu.memory_space<vmem_shared>>)
      %dma_wait3A_124 = arith.constant 0 : i32
      %dma_wait3A_125 = arith.constant 0 : i32
      %dma_wait3A_126 = tpu.memref_slice %arg16[%dma_wait3A_124, %dma_wait3A_125] : memref<1x80xi32, #tpu.memory_space<vmem>> -> memref<1x80xi32, #tpu.memory_space<vmem>>
      %dma_wait3A_127 = tpu.memref_squeeze %dma_wait3A_126 : memref<1x80xi32, #tpu.memory_space<vmem>> -> memref<80xi32, #tpu.memory_space<vmem>>
      %dma_wait3A_128 = arith.constant 0 : i32
      %dma_wait3A_129 = arith.constant 0 : i32
      %dma_wait3A_130 = tpu.memref_slice %arg11[%dma_wait3A_128, %dma_wait3A_129] : memref<10000x128xf32, #tpu.memory_space<vmem_shared>> -> memref<10000x128xf32, #tpu.memory_space<vmem_shared>>
      tpu.wait_indirect_dma semaphore(%arg19 : memref<!tpu.dma_semaphore, #tpu.memory_space<semaphore_mem>>) src(%arg14 : memref<80x128xf32, #tpu.memory_space<vmem>>) dst(%dma_wait3A_130 : memref<10000x128xf32, #tpu.memory_space<vmem_shared>>)
    }
    %scan3A_64 = arith.constant 62 : i32
    %add3A_65 = arith.constant 125 : i32
    %add3A_66 = arith.addi %mul3A_2, %add3A_65 : i32
    %sub3A_67 = arith.constant 1 : i32
    %sub3A_68 = arith.subi %add3A_66, %sub3A_67 : i32
    "tpu.region"() ({
      %run_scoped3A_79 = tpu.sem_alloc : memref<!tpu.dma_semaphore, #tpu.memory_space<semaphore_mem>>
      %dma_start3A = arith.constant 0 : i32
      %dma_start3A_80 = tpu.memref_slice %arg5[%sub3A_68, %dma_start3A] : memref<4000x80xi32, #tpu.memory_space<hbm>> -> memref<1x80xi32, #tpu.memory_space<hbm>>
      %dma_start3A_81 = arith.constant 0 : i32
      %dma_start3A_82 = tpu.memref_slice %arg5[%sub3A_68, %dma_start3A_81] : memref<4000x80xi32, #tpu.memory_space<hbm>> -> memref<1x80xi32, #tpu.memory_space<hbm>>
      tpu.enqueue_dma source(%dma_start3A_82 : memref<1x80xi32, #tpu.memory_space<hbm>>) target(%arg15 : memref<1x80xi32, #tpu.memory_space<vmem>>) target_semaphore(%run_scoped3A_79 : memref<!tpu.dma_semaphore, #tpu.memory_space<semaphore_mem>>)
      %dma_wait3A = arith.constant 0 : i32
      %dma_wait3A_83 = tpu.memref_slice %arg5[%sub3A_68, %dma_wait3A] : memref<4000x80xi32, #tpu.memory_space<hbm>> -> memref<1x80xi32, #tpu.memory_space<hbm>>
      %dma_wait3A_84 = arith.constant 0 : i32
      %dma_wait3A_85 = tpu.memref_slice %arg5[%sub3A_68, %dma_wait3A_84] : memref<4000x80xi32, #tpu.memory_space<hbm>> -> memref<1x80xi32, #tpu.memory_space<hbm>>
      tpu.wait_dma2 semaphore(%run_scoped3A_79 : memref<!tpu.dma_semaphore, #tpu.memory_space<semaphore_mem>>) src(%dma_wait3A_85 : memref<1x80xi32, #tpu.memory_space<hbm>>) dst(%arg15 : memref<1x80xi32, #tpu.memory_space<vmem>>)
      tpu.yield
    }) : () -> ()
    %run_scoped3A_69 = arith.constant 0 : i32
    "tpu.region"() ({
      %run_scoped3A_79 = tpu.sem_alloc : memref<!tpu.dma_semaphore, #tpu.memory_space<semaphore_mem>>
      %dma_start3A = arith.constant 0 : i32
      %dma_start3A_80 = tpu.memref_slice %arg15[%run_scoped3A_69, %dma_start3A] : memref<1x80xi32, #tpu.memory_space<vmem>> -> memref<1x80xi32, #tpu.memory_space<vmem>>
      %dma_start3A_81 = tpu.memref_squeeze %dma_start3A_80 : memref<1x80xi32, #tpu.memory_space<vmem>> -> memref<80xi32, #tpu.memory_space<vmem>>
      %dma_start3A_82 = arith.constant 0 : i32
      %dma_start3A_83 = arith.constant 0 : i32
      %dma_start3A_84 = tpu.memref_slice %arg11[%dma_start3A_82, %dma_start3A_83] : memref<10000x128xf32, #tpu.memory_space<vmem_shared>> -> memref<10000x128xf32, #tpu.memory_space<vmem_shared>>
      tpu.enqueue_indirect_dma source(%arg14 : memref<80x128xf32, #tpu.memory_space<vmem>>) target(%dma_start3A_84 : memref<10000x128xf32, #tpu.memory_space<vmem_shared>>) offsets(%dma_start3A_81 : memref<80xi32, #tpu.memory_space<vmem>>) semaphore(%run_scoped3A_79 : memref<!tpu.dma_semaphore, #tpu.memory_space<semaphore_mem>>) {add = true}
      %dma_wait3A = arith.constant 0 : i32
      %dma_wait3A_85 = tpu.memref_slice %arg15[%run_scoped3A_69, %dma_wait3A] : memref<1x80xi32, #tpu.memory_space<vmem>> -> memref<1x80xi32, #tpu.memory_space<vmem>>
      %dma_wait3A_86 = tpu.memref_squeeze %dma_wait3A_85 : memref<1x80xi32, #tpu.memory_space<vmem>> -> memref<80xi32, #tpu.memory_space<vmem>>
      %dma_wait3A_87 = arith.constant 0 : i32
      %dma_wait3A_88 = arith.constant 0 : i32
      %dma_wait3A_89 = tpu.memref_slice %arg11[%dma_wait3A_87, %dma_wait3A_88] : memref<10000x128xf32, #tpu.memory_space<vmem_shared>> -> memref<10000x128xf32, #tpu.memory_space<vmem_shared>>
      tpu.wait_indirect_dma semaphore(%run_scoped3A_79 : memref<!tpu.dma_semaphore, #tpu.memory_space<semaphore_mem>>) src(%arg14 : memref<80x128xf32, #tpu.memory_space<vmem>>) dst(%dma_wait3A_89 : memref<10000x128xf32, #tpu.memory_space<vmem_shared>>)
      tpu.yield
    }) : () -> ()
    %barrier3A_70 = arith.constant 0 : index
    tpu.barrier barrier_id(%barrier3A_70)
    %mul3A_71 = arith.constant 10000 : i32
    %mul3A_72 = arith.muli %arg0, %mul3A_71 : i32
    %add3A_73 = arith.addi %mul3A_72, %mul3A_4 : i32
    "tpu.region"() ({
      %run_scoped3A_79 = tpu.sem_alloc : memref<!tpu.dma_semaphore, #tpu.memory_space<semaphore_mem>>
      %dma_start3A = arith.constant 0 : i32
      %dma_start3A_80 = tpu.memref_slice %arg10[%add3A_73, %dma_start3A] : memref<20000x128xf32, #tpu.memory_space<hbm>> -> memref<624x128xf32, #tpu.memory_space<hbm>>
      %dma_start3A_81 = arith.constant 0 : i32
      %dma_start3A_82 = tpu.memref_slice %arg11[%mul3A_4, %dma_start3A_81] : memref<10000x128xf32, #tpu.memory_space<vmem_shared>> -> memref<624x128xf32, #tpu.memory_space<vmem_shared>>
      tpu.enqueue_dma source(%dma_start3A_82 : memref<624x128xf32, #tpu.memory_space<vmem_shared>>) target(%dma_start3A_80 : memref<624x128xf32, #tpu.memory_space<hbm>>) target_semaphore(%run_scoped3A_79 : memref<!tpu.dma_semaphore, #tpu.memory_space<semaphore_mem>>)
      %dma_wait3A = arith.constant 0 : i32
      %dma_wait3A_83 = tpu.memref_slice %arg10[%add3A_73, %dma_wait3A] : memref<20000x128xf32, #tpu.memory_space<hbm>> -> memref<624x128xf32, #tpu.memory_space<hbm>>
      %dma_wait3A_84 = arith.constant 0 : i32
      %dma_wait3A_85 = tpu.memref_slice %arg11[%mul3A_4, %dma_wait3A_84] : memref<10000x128xf32, #tpu.memory_space<vmem_shared>> -> memref<624x128xf32, #tpu.memory_space<vmem_shared>>
      tpu.wait_dma2 semaphore(%run_scoped3A_79 : memref<!tpu.dma_semaphore, #tpu.memory_space<semaphore_mem>>) src(%dma_wait3A_85 : memref<624x128xf32, #tpu.memory_space<vmem_shared>>) dst(%dma_wait3A_83 : memref<624x128xf32, #tpu.memory_space<hbm>>)
      tpu.yield
    }) : () -> ()
    %eq3A_74 = arith.constant 15 : i32
    %eq3A_75 = arith.cmpi eq, %arg1, %eq3A_74 : i32
    %convert_element_type3A_76 = arith.extui %eq3A_75 : i1 to i32
    %cond3A_77 = arith.constant 0 : i32
    %cond3A_78 = arith.cmpi ne, %convert_element_type3A_76, %cond3A_77 : i32
    scf.if %cond3A_78 {
      %mul3A_79 = arith.constant 10000 : i32
      %mul3A_80 = arith.muli %arg0, %mul3A_79 : i32
      %add3A_81 = arith.constant 9984 : i32
      %add3A_82 = arith.addi %mul3A_80, %add3A_81 : i32
      "tpu.region"() ({
        %run_scoped3A_83 = tpu.sem_alloc : memref<!tpu.dma_semaphore, #tpu.memory_space<semaphore_mem>>
        %dma_start3A = arith.constant 0 : i32
        %dma_start3A_84 = tpu.memref_slice %arg10[%add3A_82, %dma_start3A] : memref<20000x128xf32, #tpu.memory_space<hbm>> -> memref<16x128xf32, #tpu.memory_space<hbm>>
        %dma_start3A_85 = arith.constant 9984 : i32
        %dma_start3A_86 = arith.constant 0 : i32
        %dma_start3A_87 = tpu.memref_slice %arg11[%dma_start3A_85, %dma_start3A_86] : memref<10000x128xf32, #tpu.memory_space<vmem_shared>> -> memref<16x128xf32, #tpu.memory_space<vmem_shared>>
        tpu.enqueue_dma source(%dma_start3A_87 : memref<16x128xf32, #tpu.memory_space<vmem_shared>>) target(%dma_start3A_84 : memref<16x128xf32, #tpu.memory_space<hbm>>) target_semaphore(%run_scoped3A_83 : memref<!tpu.dma_semaphore, #tpu.memory_space<semaphore_mem>>)
        %dma_wait3A = arith.constant 0 : i32
        %dma_wait3A_88 = tpu.memref_slice %arg10[%add3A_82, %dma_wait3A] : memref<20000x128xf32, #tpu.memory_space<hbm>> -> memref<16x128xf32, #tpu.memory_space<hbm>>
        %dma_wait3A_89 = arith.constant 9984 : i32
        %dma_wait3A_90 = arith.constant 0 : i32
        %dma_wait3A_91 = tpu.memref_slice %arg11[%dma_wait3A_89, %dma_wait3A_90] : memref<10000x128xf32, #tpu.memory_space<vmem_shared>> -> memref<16x128xf32, #tpu.memory_space<vmem_shared>>
        tpu.wait_dma2 semaphore(%run_scoped3A_83 : memref<!tpu.dma_semaphore, #tpu.memory_space<semaphore_mem>>) src(%dma_wait3A_91 : memref<16x128xf32, #tpu.memory_space<vmem_shared>>) dst(%dma_wait3A_88 : memref<16x128xf32, #tpu.memory_space<hbm>>)
        tpu.yield
      }) : () -> ()
    } else {
    }
    return
  }
}

module attributes {stable_mosaic.version = 14 : i64} {
  func.func @_pre_body(%arg0: i32, %arg1: memref<2000x128xf32, #tpu.memory_space<vmem>>, %arg2: memref<2000x128xf32, #tpu.memory_space<vmem>>, %arg3: memref<2000x1xf32, #tpu.memory_space<vmem>>, %arg4: memref<128x128xf32, #tpu.memory_space<vmem>>, %arg5: memref<128x128xf32, #tpu.memory_space<vmem>>, %arg6: memref<128x128xf32, #tpu.memory_space<vmem>>, %arg7: memref<1x128xf32, #tpu.memory_space<vmem>>, %arg8: memref<1x128xf32, #tpu.memory_space<vmem>>, %arg9: memref<2000x128xi32, #tpu.memory_space<vmem>>, %arg10: memref<2000x128xi32, #tpu.memory_space<vmem>>) attributes {dimension_semantics = [#tpu.dimension_semantics<arbitrary>], iteration_bounds = array<i64: 5>, scalar_prefetch = 0 : i64, scratch_operands = 0 : i64, tpu.core_type = #tpu.core_type<tc>, window_params = [{transform_indices = @transform_0, window_bounds = array<i64: 2000, 128>}, {transform_indices = @transform_1, window_bounds = array<i64: 2000, 128>}, {transform_indices = @transform_2, window_bounds = array<i64: 2000, 1>}, {pipeline_mode = #tpu.pipeline_mode<synchronous>, transform_indices = @transform_3, window_bounds = array<i64: 128, 128>}, {pipeline_mode = #tpu.pipeline_mode<synchronous>, transform_indices = @transform_4, window_bounds = array<i64: 128, 128>}, {pipeline_mode = #tpu.pipeline_mode<synchronous>, transform_indices = @transform_5, window_bounds = array<i64: 128, 128>}, {pipeline_mode = #tpu.pipeline_mode<synchronous>, transform_indices = @transform_6, window_bounds = array<i64: 1, 128>}, {pipeline_mode = #tpu.pipeline_mode<synchronous>, transform_indices = @transform_7, window_bounds = array<i64: 1, 128>}, {transform_indices = @transform_8, window_bounds = array<i64: 2000, 128>}, {transform_indices = @transform_9, window_bounds = array<i64: 2000, 128>}]} {
    %get3A = arith.constant 0 : index
    %get3A_0 = arith.constant 0 : index
    %get3A_1 = vector.load %arg1[%get3A, %get3A_0] : memref<2000x128xf32, #tpu.memory_space<vmem>>, vector<2000x128xf32>
    %get3A_2 = arith.constant 0 : index
    %get3A_3 = arith.constant 0 : index
    %get3A_4 = vector.load %arg3[%get3A_2, %get3A_3] : memref<2000x1xf32, #tpu.memory_space<vmem>>, vector<2000x1xf32>
    %get3A_5 = arith.constant 0 : index
    %get3A_6 = arith.constant 0 : index
    %get3A_7 = vector.load %arg7[%get3A_5, %get3A_6] : memref<1x128xf32, #tpu.memory_space<vmem>>, vector<1x128xf32>
    %mul3A = vector.broadcast %get3A_4 : vector<2000x1xf32> to vector<2000x128xf32>
    %mul3A_8 = vector.broadcast %get3A_7 : vector<1x128xf32> to vector<2000x128xf32>
    %mul3A_9 = arith.mulf %mul3A, %mul3A_8 : vector<2000x128xf32>
    %get3A_10 = arith.constant 0 : index
    %get3A_11 = arith.constant 0 : index
    %get3A_12 = vector.load %arg2[%get3A_10, %get3A_11] : memref<2000x128xf32, #tpu.memory_space<vmem>>, vector<2000x128xf32>
    %get3A_13 = arith.constant 0 : index
    %get3A_14 = arith.constant 0 : index
    %get3A_15 = vector.load %arg6[%get3A_13, %get3A_14] : memref<128x128xf32, #tpu.memory_space<vmem>>, vector<128x128xf32>
    %dot_general3A = arith.constant dense<0.000000e+00> : vector<2000x128xf32>
    %dot_general3A_16 = tpu.matmul %get3A_12, %get3A_15, %dot_general3A {dimension_numbers = #tpu.dot_dimension_numbers<[1], [0], [0], [1], [0, 0, 1, 1], [], []>, transpose_lhs_hint = false} : vector<2000x128xf32>, vector<128x128xf32>, vector<2000x128xf32> -> vector<2000x128xf32>
    %get3A_17 = arith.constant 0 : index
    %get3A_18 = arith.constant 0 : index
    %get3A_19 = vector.load %arg4[%get3A_17, %get3A_18] : memref<128x128xf32, #tpu.memory_space<vmem>>, vector<128x128xf32>
    %dot_general3A_20 = arith.constant dense<0.000000e+00> : vector<2000x128xf32>
    %dot_general3A_21 = tpu.matmul %get3A_1, %get3A_19, %dot_general3A_20 {dimension_numbers = #tpu.dot_dimension_numbers<[1], [0], [0], [1], [0, 0, 1, 1], [], []>, transpose_lhs_hint = false} : vector<2000x128xf32>, vector<128x128xf32>, vector<2000x128xf32> -> vector<2000x128xf32>
    %add3A = arith.addf %dot_general3A_21, %mul3A_9 : vector<2000x128xf32>
    %get3A_22 = arith.constant 0 : index
    %get3A_23 = arith.constant 0 : index
    %get3A_24 = vector.load %arg5[%get3A_22, %get3A_23] : memref<128x128xf32, #tpu.memory_space<vmem>>, vector<128x128xf32>
    %dot_general3A_25 = arith.constant dense<0.000000e+00> : vector<2000x128xf32>
    %dot_general3A_26 = tpu.matmul %get3A_1, %get3A_24, %dot_general3A_25 {dimension_numbers = #tpu.dot_dimension_numbers<[1], [0], [0], [1], [0, 0, 1, 1], [], []>, transpose_lhs_hint = false} : vector<2000x128xf32>, vector<128x128xf32>, vector<2000x128xf32> -> vector<2000x128xf32>
    %sub3A = arith.subf %dot_general3A_26, %mul3A_9 : vector<2000x128xf32>
    %get3A_27 = arith.constant 0 : index
    %get3A_28 = arith.constant 0 : index
    %get3A_29 = vector.load %arg8[%get3A_27, %get3A_28] : memref<1x128xf32, #tpu.memory_space<vmem>>, vector<1x128xf32>
    %add3A_30 = vector.broadcast %get3A_29 : vector<1x128xf32> to vector<2000x128xf32>
    %add3A_31 = arith.addf %sub3A, %add3A_30 : vector<2000x128xf32>
    %bitcast_convert_type3A = tpu.bitcast %dot_general3A_16 : vector<2000x128xf32> -> vector<2000x128xi32>
    %add3A_32 = arith.constant 32767 : i32
    %add3A_33 = vector.broadcast %add3A_32 : i32 to vector<2000x128xi32>
    %add3A_34 = arith.addi %bitcast_convert_type3A, %add3A_33 : vector<2000x128xi32>
    %shift_right_logical3A = arith.constant 16 : i32
    %shift_right_logical3A_35 = vector.broadcast %shift_right_logical3A : i32 to vector<2000x128xi32>
    %shift_right_logical3A_36 = arith.shrui %bitcast_convert_type3A, %shift_right_logical3A_35 : vector<2000x128xi32>
    %and3A = arith.constant 1 : i32
    %and3A_37 = vector.broadcast %and3A : i32 to vector<2000x128xi32>
    %and3A_38 = arith.andi %shift_right_logical3A_36, %and3A_37 : vector<2000x128xi32>
    %add3A_39 = arith.addi %add3A_34, %and3A_38 : vector<2000x128xi32>
    %shift_right_logical3A_40 = arith.constant 16 : i32
    %shift_right_logical3A_41 = vector.broadcast %shift_right_logical3A_40 : i32 to vector<2000x128xi32>
    %shift_right_logical3A_42 = arith.shrui %add3A_39, %shift_right_logical3A_41 : vector<2000x128xi32>
    %shift_left3A = arith.constant 16 : i32
    %shift_left3A_43 = vector.broadcast %shift_left3A : i32 to vector<2000x128xi32>
    %shift_left3A_44 = arith.shli %shift_right_logical3A_42, %shift_left3A_43 : vector<2000x128xi32>
    %bitcast_convert_type3A_45 = tpu.bitcast %add3A : vector<2000x128xf32> -> vector<2000x128xi32>
    %add3A_46 = arith.constant 32767 : i32
    %add3A_47 = vector.broadcast %add3A_46 : i32 to vector<2000x128xi32>
    %add3A_48 = arith.addi %bitcast_convert_type3A_45, %add3A_47 : vector<2000x128xi32>
    %shift_right_logical3A_49 = arith.constant 16 : i32
    %shift_right_logical3A_50 = vector.broadcast %shift_right_logical3A_49 : i32 to vector<2000x128xi32>
    %shift_right_logical3A_51 = arith.shrui %bitcast_convert_type3A_45, %shift_right_logical3A_50 : vector<2000x128xi32>
    %and3A_52 = arith.constant 1 : i32
    %and3A_53 = vector.broadcast %and3A_52 : i32 to vector<2000x128xi32>
    %and3A_54 = arith.andi %shift_right_logical3A_51, %and3A_53 : vector<2000x128xi32>
    %add3A_55 = arith.addi %add3A_48, %and3A_54 : vector<2000x128xi32>
    %shift_right_logical3A_56 = arith.constant 16 : i32
    %shift_right_logical3A_57 = vector.broadcast %shift_right_logical3A_56 : i32 to vector<2000x128xi32>
    %shift_right_logical3A_58 = arith.shrui %add3A_55, %shift_right_logical3A_57 : vector<2000x128xi32>
    %or3A = arith.ori %shift_left3A_44, %shift_right_logical3A_58 : vector<2000x128xi32>
    %bitcast_convert_type3A_59 = tpu.bitcast %or3A : vector<2000x128xi32> -> vector<2000x128xi32>
    %swap3A = arith.constant 0 : index
    %swap3A_60 = arith.constant 0 : index
    %swap3A_61 = vector.load %arg9[%swap3A, %swap3A_60] : memref<2000x128xi32, #tpu.memory_space<vmem>>, vector<2000x128xi32>
    tpu.vector_store %arg9[%swap3A, %swap3A_60], %bitcast_convert_type3A_59 {strides = array<i32>} : memref<2000x128xi32, #tpu.memory_space<vmem>>, vector<2000x128xi32>,
    %bitcast_convert_type3A_62 = tpu.bitcast %add3A_31 : vector<2000x128xf32> -> vector<2000x128xi32>
    %add3A_63 = arith.constant 32767 : i32
    %add3A_64 = vector.broadcast %add3A_63 : i32 to vector<2000x128xi32>
    %add3A_65 = arith.addi %bitcast_convert_type3A_62, %add3A_64 : vector<2000x128xi32>
    %shift_right_logical3A_66 = arith.constant 16 : i32
    %shift_right_logical3A_67 = vector.broadcast %shift_right_logical3A_66 : i32 to vector<2000x128xi32>
    %shift_right_logical3A_68 = arith.shrui %bitcast_convert_type3A_62, %shift_right_logical3A_67 : vector<2000x128xi32>
    %and3A_69 = arith.constant 1 : i32
    %and3A_70 = vector.broadcast %and3A_69 : i32 to vector<2000x128xi32>
    %and3A_71 = arith.andi %shift_right_logical3A_68, %and3A_70 : vector<2000x128xi32>
    %add3A_72 = arith.addi %add3A_65, %and3A_71 : vector<2000x128xi32>
    %shift_right_logical3A_73 = arith.constant 16 : i32
    %shift_right_logical3A_74 = vector.broadcast %shift_right_logical3A_73 : i32 to vector<2000x128xi32>
    %shift_right_logical3A_75 = arith.shrui %add3A_72, %shift_right_logical3A_74 : vector<2000x128xi32>
    %or3A_76 = arith.ori %shift_left3A_44, %shift_right_logical3A_75 : vector<2000x128xi32>
    %bitcast_convert_type3A_77 = tpu.bitcast %or3A_76 : vector<2000x128xi32> -> vector<2000x128xi32>
    %swap3A_78 = arith.constant 0 : index
    %swap3A_79 = arith.constant 0 : index
    %swap3A_80 = vector.load %arg10[%swap3A_78, %swap3A_79] : memref<2000x128xi32, #tpu.memory_space<vmem>>, vector<2000x128xi32>
    tpu.vector_store %arg10[%swap3A_78, %swap3A_79], %bitcast_convert_type3A_77 {strides = array<i32>} : memref<2000x128xi32, #tpu.memory_space<vmem>>, vector<2000x128xi32>,
    return
  }
  func.func @transform_0(%arg0: i32) -> (i32, i32) {
    %c0_i32 = arith.constant 0 : i32
    %c0_i32_0 = arith.constant 0 : i32
    return %arg0, %c0_i32 : i32, i32
  }
  func.func @transform_1(%arg0: i32) -> (i32, i32) {
    %c0_i32 = arith.constant 0 : i32
    %c0_i32_0 = arith.constant 0 : i32
    return %arg0, %c0_i32 : i32, i32
  }
  func.func @transform_2(%arg0: i32) -> (i32, i32) {
    %c0_i32 = arith.constant 0 : i32
    %c0_i32_0 = arith.constant 0 : i32
    return %arg0, %c0_i32 : i32, i32
  }
  func.func @transform_3(%arg0: i32) -> (i32, i32) {
    %c0_i32 = arith.constant 0 : i32
    %c0_i32_0 = arith.constant 0 : i32
    %c0_i32_1 = arith.constant 0 : i32
    return %c0_i32, %c0_i32_0 : i32, i32
  }
  func.func @transform_4(%arg0: i32) -> (i32, i32) {
    %c0_i32 = arith.constant 0 : i32
    %c0_i32_0 = arith.constant 0 : i32
    %c0_i32_1 = arith.constant 0 : i32
    return %c0_i32, %c0_i32_0 : i32, i32
  }
  func.func @transform_5(%arg0: i32) -> (i32, i32) {
    %c0_i32 = arith.constant 0 : i32
    %c0_i32_0 = arith.constant 0 : i32
    %c0_i32_1 = arith.constant 0 : i32
    return %c0_i32, %c0_i32_0 : i32, i32
  }
  func.func @transform_6(%arg0: i32) -> (i32, i32) {
    %c0_i32 = arith.constant 0 : i32
    %c0_i32_0 = arith.constant 0 : i32
    %c0_i32_1 = arith.constant 0 : i32
    return %c0_i32, %c0_i32_0 : i32, i32
  }
  func.func @transform_7(%arg0: i32) -> (i32, i32) {
    %c0_i32 = arith.constant 0 : i32
    %c0_i32_0 = arith.constant 0 : i32
    %c0_i32_1 = arith.constant 0 : i32
    return %c0_i32, %c0_i32_0 : i32, i32
  }
  func.func @transform_8(%arg0: i32) -> (i32, i32) {
    %c0_i32 = arith.constant 0 : i32
    %c0_i32_0 = arith.constant 0 : i32
    return %arg0, %c0_i32 : i32, i32
  }
  func.func @transform_9(%arg0: i32) -> (i32, i32) {
    %c0_i32 = arith.constant 0 : i32
    %c0_i32_0 = arith.constant 0 : i32
    return %arg0, %c0_i32 : i32, i32
  }
}

module attributes {stable_mosaic.version = 14 : i64} {
  func.func @_edge_body(%arg0: i32, %arg1: memref<2560x128xi32, #tpu.memory_space<vmem>>, %arg2: memref<2560x128xi32, #tpu.memory_space<vmem>>, %arg3: memref<128x128xbf16, #tpu.memory_space<vmem>>, %arg4: memref<128x128xbf16, #tpu.memory_space<vmem>>, %arg5: memref<128x128xbf16, #tpu.memory_space<vmem>>, %arg6: memref<128x128xbf16, #tpu.memory_space<vmem>>, %arg7: memref<4x128xf32, #tpu.memory_space<vmem>>, %arg8: memref<2560x128xf32, #tpu.memory_space<vmem>>, %arg9: memref<2560x128xf32, #tpu.memory_space<vmem>>) attributes {dimension_semantics = [#tpu.dimension_semantics<arbitrary>], iteration_bounds = array<i64: 125>, scalar_prefetch = 0 : i64, scratch_operands = 0 : i64, tpu.core_type = #tpu.core_type<tc>, window_params = [{transform_indices = @transform_0, window_bounds = array<i64: 2560, 128>}, {transform_indices = @transform_1, window_bounds = array<i64: 2560, 128>}, {pipeline_mode = #tpu.pipeline_mode<synchronous>, transform_indices = @transform_2, window_bounds = array<i64: 128, 128>}, {pipeline_mode = #tpu.pipeline_mode<synchronous>, transform_indices = @transform_3, window_bounds = array<i64: 128, 128>}, {pipeline_mode = #tpu.pipeline_mode<synchronous>, transform_indices = @transform_4, window_bounds = array<i64: 128, 128>}, {pipeline_mode = #tpu.pipeline_mode<synchronous>, transform_indices = @transform_5, window_bounds = array<i64: 128, 128>}, {pipeline_mode = #tpu.pipeline_mode<synchronous>, transform_indices = @transform_6, window_bounds = array<i64: 4, 128>}, {transform_indices = @transform_7, window_bounds = array<i64: 2560, 128>}, {transform_indices = @transform_8, window_bounds = array<i64: 2560, 128>}]} {
    %get3A = arith.constant 0 : index
    %get3A_0 = arith.constant 0 : index
    %get3A_1 = vector.load %arg1[%get3A, %get3A_0] : memref<2560x128xi32, #tpu.memory_space<vmem>>, vector<2560x128xi32>
    %bitcast_convert_type3A = tpu.bitcast %get3A_1 : vector<2560x128xi32> -> vector<2560x128xi32>
    %get3A_2 = arith.constant 0 : index
    %get3A_3 = arith.constant 0 : index
    %get3A_4 = vector.load %arg2[%get3A_2, %get3A_3] : memref<2560x128xi32, #tpu.memory_space<vmem>>, vector<2560x128xi32>
    %bitcast_convert_type3A_5 = tpu.bitcast %get3A_4 : vector<2560x128xi32> -> vector<2560x128xi32>
    %shift_left3A = arith.constant 16 : i32
    %shift_left3A_6 = vector.broadcast %shift_left3A : i32 to vector<2560x128xi32>
    %shift_left3A_7 = arith.shli %bitcast_convert_type3A, %shift_left3A_6 : vector<2560x128xi32>
    %bitcast_convert_type3A_8 = tpu.bitcast %shift_left3A_7 : vector<2560x128xi32> -> vector<2560x128xf32>
    %shift_left3A_9 = arith.constant 16 : i32
    %shift_left3A_10 = vector.broadcast %shift_left3A_9 : i32 to vector<2560x128xi32>
    %shift_left3A_11 = arith.shli %bitcast_convert_type3A_5, %shift_left3A_10 : vector<2560x128xi32>
    %bitcast_convert_type3A_12 = tpu.bitcast %shift_left3A_11 : vector<2560x128xi32> -> vector<2560x128xf32>
    %and3A = arith.constant -65536 : i32
    %and3A_13 = vector.broadcast %and3A : i32 to vector<2560x128xi32>
    %and3A_14 = arith.andi %bitcast_convert_type3A, %and3A_13 : vector<2560x128xi32>
    %bitcast_convert_type3A_15 = tpu.bitcast %and3A_14 : vector<2560x128xi32> -> vector<2560x128xf32>
    %and3A_16 = arith.constant -65536 : i32
    %and3A_17 = vector.broadcast %and3A_16 : i32 to vector<2560x128xi32>
    %and3A_18 = arith.andi %bitcast_convert_type3A_5, %and3A_17 : vector<2560x128xi32>
    %bitcast_convert_type3A_19 = tpu.bitcast %and3A_18 : vector<2560x128xi32> -> vector<2560x128xf32>
    %get3A_20 = arith.constant 0 : index
    %get3A_21 = arith.constant 0 : index
    %get3A_22 = vector.load %arg7[%get3A_20, %get3A_21] : memref<4x128xf32, #tpu.memory_space<vmem>>, vector<4x128xf32>
    %sub3A = arith.subf %bitcast_convert_type3A_19, %bitcast_convert_type3A_15 : vector<2560x128xf32>
    %slice3A = vector.extract_strided_slice %get3A_22 {offsets = [0, 0], sizes = [1, 128], strides = [1, 1]} : vector<4x128xf32> to vector<1x128xf32>
    %add3A = vector.broadcast %slice3A : vector<1x128xf32> to vector<2560x128xf32>
    %add3A_23 = arith.addf %sub3A, %add3A : vector<2560x128xf32>
    %mul3A = arith.mulf %add3A_23, %add3A_23 : vector<2560x128xf32>
    %convert_element_type3A = arith.truncf %mul3A : vector<2560x128xf32> to vector<2560x128xbf16>
    %add3A_24 = arith.addf %bitcast_convert_type3A_8, %bitcast_convert_type3A_12 : vector<2560x128xf32>
    %get3A_25 = arith.constant 0 : index
    %get3A_26 = arith.constant 0 : index
    %get3A_27 = vector.load %arg3[%get3A_25, %get3A_26] : memref<128x128xbf16, #tpu.memory_space<vmem>>, vector<128x128xbf16>
    %dot_general3A = arith.constant dense<0.000000e+00> : vector<2560x128xf32>
    %dot_general3A_28 = tpu.matmul %convert_element_type3A, %get3A_27, %dot_general3A {dimension_numbers = #tpu.dot_dimension_numbers<[1], [0], [0], [1], [0, 0, 1, 1], [], []>, transpose_lhs_hint = false} : vector<2560x128xbf16>, vector<128x128xbf16>, vector<2560x128xf32> -> vector<2560x128xf32>
    %add3A_29 = arith.addf %add3A_24, %dot_general3A_28 : vector<2560x128xf32>
    %max3A = arith.constant 0.000000e+00 : f32
    %max3A_30 = vector.broadcast %max3A : f32 to vector<2560x128xf32>
    %max3A_31 = arith.maximumf %add3A_29, %max3A_30 : vector<2560x128xf32>
    %convert_element_type3A_32 = arith.truncf %max3A_31 : vector<2560x128xf32> to vector<2560x128xbf16>
    %get3A_33 = arith.constant 0 : index
    %get3A_34 = arith.constant 0 : index
    %get3A_35 = vector.load %arg4[%get3A_33, %get3A_34] : memref<128x128xbf16, #tpu.memory_space<vmem>>, vector<128x128xbf16>
    %dot_general3A_36 = arith.constant dense<0.000000e+00> : vector<2560x128xf32>
    %dot_general3A_37 = tpu.matmul %convert_element_type3A_32, %get3A_35, %dot_general3A_36 {dimension_numbers = #tpu.dot_dimension_numbers<[1], [0], [0], [1], [0, 0, 1, 1], [], []>, transpose_lhs_hint = false} : vector<2560x128xbf16>, vector<128x128xbf16>, vector<2560x128xf32> -> vector<2560x128xf32>
    %slice3A_38 = vector.extract_strided_slice %get3A_22 {offsets = [1, 0], sizes = [1, 128], strides = [1, 1]} : vector<4x128xf32> to vector<1x128xf32>
    %add3A_39 = vector.broadcast %slice3A_38 : vector<1x128xf32> to vector<2560x128xf32>
    %add3A_40 = arith.addf %dot_general3A_37, %add3A_39 : vector<2560x128xf32>
    %convert_element_type3A_41 = arith.truncf %add3A_40 : vector<2560x128xf32> to vector<2560x128xbf16>
    %get3A_42 = arith.constant 0 : index
    %get3A_43 = arith.constant 0 : index
    %get3A_44 = vector.load %arg5[%get3A_42, %get3A_43] : memref<128x128xbf16, #tpu.memory_space<vmem>>, vector<128x128xbf16>
    %dot_general3A_45 = arith.constant dense<0.000000e+00> : vector<2560x128xf32>
    %dot_general3A_46 = tpu.matmul %convert_element_type3A_41, %get3A_44, %dot_general3A_45 {dimension_numbers = #tpu.dot_dimension_numbers<[1], [0], [0], [1], [0, 0, 1, 1], [], []>, transpose_lhs_hint = false} : vector<2560x128xbf16>, vector<128x128xbf16>, vector<2560x128xf32> -> vector<2560x128xf32>
    %slice3A_47 = vector.extract_strided_slice %get3A_22 {offsets = [2, 0], sizes = [1, 128], strides = [1, 1]} : vector<4x128xf32> to vector<1x128xf32>
    %add3A_48 = vector.broadcast %slice3A_47 : vector<1x128xf32> to vector<2560x128xf32>
    %add3A_49 = arith.addf %dot_general3A_46, %add3A_48 : vector<2560x128xf32>
    %max3A_50 = arith.constant 0.000000e+00 : f32
    %max3A_51 = vector.broadcast %max3A_50 : f32 to vector<2560x128xf32>
    %max3A_52 = arith.maximumf %add3A_49, %max3A_51 : vector<2560x128xf32>
    %convert_element_type3A_53 = arith.truncf %max3A_52 : vector<2560x128xf32> to vector<2560x128xbf16>
    %get3A_54 = arith.constant 0 : index
    %get3A_55 = arith.constant 0 : index
    %get3A_56 = vector.load %arg6[%get3A_54, %get3A_55] : memref<128x128xbf16, #tpu.memory_space<vmem>>, vector<128x128xbf16>
    %dot_general3A_57 = arith.constant dense<0.000000e+00> : vector<2560x128xf32>
    %dot_general3A_58 = tpu.matmul %convert_element_type3A_53, %get3A_56, %dot_general3A_57 {dimension_numbers = #tpu.dot_dimension_numbers<[1], [0], [0], [1], [0, 0, 1, 1], [], []>, transpose_lhs_hint = false} : vector<2560x128xbf16>, vector<128x128xbf16>, vector<2560x128xf32> -> vector<2560x128xf32>
    %slice3A_59 = vector.extract_strided_slice %get3A_22 {offsets = [3, 0], sizes = [1, 128], strides = [1, 1]} : vector<4x128xf32> to vector<1x128xf32>
    %add3A_60 = vector.broadcast %slice3A_59 : vector<1x128xf32> to vector<2560x128xf32>
    %add3A_61 = arith.addf %dot_general3A_58, %add3A_60 : vector<2560x128xf32>
    %swap3A = arith.constant 0 : index
    %swap3A_62 = arith.constant 0 : index
    %swap3A_63 = vector.load %arg8[%swap3A, %swap3A_62] : memref<2560x128xf32, #tpu.memory_space<vmem>>, vector<2560x128xf32>
    tpu.vector_store %arg8[%swap3A, %swap3A_62], %add3A_40 {strides = array<i32>} : memref<2560x128xf32, #tpu.memory_space<vmem>>, vector<2560x128xf32>,
    %mul3A_64 = arith.mulf %add3A_23, %add3A_61 : vector<2560x128xf32>
    %swap3A_65 = arith.constant 0 : index
    %swap3A_66 = arith.constant 0 : index
    %swap3A_67 = vector.load %arg9[%swap3A_65, %swap3A_66] : memref<2560x128xf32, #tpu.memory_space<vmem>>, vector<2560x128xf32>
    tpu.vector_store %arg9[%swap3A_65, %swap3A_66], %mul3A_64 {strides = array<i32>} : memref<2560x128xf32, #tpu.memory_space<vmem>>, vector<2560x128xf32>,
    return
  }
  func.func @transform_0(%arg0: i32) -> (i32, i32) {
    %c0_i32 = arith.constant 0 : i32
    %c0_i32_0 = arith.constant 0 : i32
    return %arg0, %c0_i32 : i32, i32
  }
  func.func @transform_1(%arg0: i32) -> (i32, i32) {
    %c0_i32 = arith.constant 0 : i32
    %c0_i32_0 = arith.constant 0 : i32
    return %arg0, %c0_i32 : i32, i32
  }
  func.func @transform_2(%arg0: i32) -> (i32, i32) {
    %c0_i32 = arith.constant 0 : i32
    %c0_i32_0 = arith.constant 0 : i32
    %c0_i32_1 = arith.constant 0 : i32
    return %c0_i32, %c0_i32_0 : i32, i32
  }
  func.func @transform_3(%arg0: i32) -> (i32, i32) {
    %c0_i32 = arith.constant 0 : i32
    %c0_i32_0 = arith.constant 0 : i32
    %c0_i32_1 = arith.constant 0 : i32
    return %c0_i32, %c0_i32_0 : i32, i32
  }
  func.func @transform_4(%arg0: i32) -> (i32, i32) {
    %c0_i32 = arith.constant 0 : i32
    %c0_i32_0 = arith.constant 0 : i32
    %c0_i32_1 = arith.constant 0 : i32
    return %c0_i32, %c0_i32_0 : i32, i32
  }
  func.func @transform_5(%arg0: i32) -> (i32, i32) {
    %c0_i32 = arith.constant 0 : i32
    %c0_i32_0 = arith.constant 0 : i32
    %c0_i32_1 = arith.constant 0 : i32
    return %c0_i32, %c0_i32_0 : i32, i32
  }
  func.func @transform_6(%arg0: i32) -> (i32, i32) {
    %c0_i32 = arith.constant 0 : i32
    %c0_i32_0 = arith.constant 0 : i32
    %c0_i32_1 = arith.constant 0 : i32
    return %c0_i32, %c0_i32_0 : i32, i32
  }
  func.func @transform_7(%arg0: i32) -> (i32, i32) {
    %c0_i32 = arith.constant 0 : i32
    %c0_i32_0 = arith.constant 0 : i32
    return %arg0, %c0_i32 : i32, i32
  }
  func.func @transform_8(%arg0: i32) -> (i32, i32) {
    %c0_i32 = arith.constant 0 : i32
    %c0_i32_0 = arith.constant 0 : i32
    return %arg0, %c0_i32 : i32, i32
  }
}

module attributes {stable_mosaic.version = 14 : i64} {
  func.func @_node_body(%arg0: i32, %arg1: memref<2000x128xf32, #tpu.memory_space<vmem>>, %arg2: memref<2000x128xf32, #tpu.memory_space<vmem>>, %arg3: memref<2x2000x128xf32, #tpu.memory_space<vmem>>, %arg4: memref<2x2000x128xf32, #tpu.memory_space<vmem>>, %arg5: memref<2x2000x128xf32, #tpu.memory_space<vmem>>, %arg6: memref<128x128xf32, #tpu.memory_space<vmem>>, %arg7: memref<128x128xf32, #tpu.memory_space<vmem>>, %arg8: memref<128x128xf32, #tpu.memory_space<vmem>>, %arg9: memref<128x1024xf32, #tpu.memory_space<vmem>>, %arg10: memref<128x1024xf32, #tpu.memory_space<vmem>>, %arg11: memref<128x128xf32, #tpu.memory_space<vmem>>, %arg12: memref<128x128xf32, #tpu.memory_space<vmem>>, %arg13: memref<128x16xf32, #tpu.memory_space<vmem>>, %arg14: memref<4x128xf32, #tpu.memory_space<vmem>>, %arg15: memref<2x1024xf32, #tpu.memory_space<vmem>>, %arg16: memref<2000x128xf32, #tpu.memory_space<vmem>>, %arg17: memref<2000x128xf32, #tpu.memory_space<vmem>>) attributes {dimension_semantics = [#tpu.dimension_semantics<arbitrary>], iteration_bounds = array<i64: 5>, scalar_prefetch = 0 : i64, scratch_operands = 0 : i64, tpu.core_type = #tpu.core_type<tc>, window_params = [{transform_indices = @transform_0, window_bounds = array<i64: 2000, 128>}, {transform_indices = @transform_1, window_bounds = array<i64: 2000, 128>}, {transform_indices = @transform_2, window_bounds = array<i64: 2, 2000, 128>}, {transform_indices = @transform_3, window_bounds = array<i64: 2, 2000, 128>}, {transform_indices = @transform_4, window_bounds = array<i64: 2, 2000, 128>}, {pipeline_mode = #tpu.pipeline_mode<synchronous>, transform_indices = @transform_5, window_bounds = array<i64: 128, 128>}, {pipeline_mode = #tpu.pipeline_mode<synchronous>, transform_indices = @transform_6, window_bounds = array<i64: 128, 128>}, {pipeline_mode = #tpu.pipeline_mode<synchronous>, transform_indices = @transform_7, window_bounds = array<i64: 128, 128>}, {pipeline_mode = #tpu.pipeline_mode<synchronous>, transform_indices = @transform_8, window_bounds = array<i64: 128, 1024>}, {pipeline_mode = #tpu.pipeline_mode<synchronous>, transform_indices = @transform_9, window_bounds = array<i64: 128, 1024>}, {pipeline_mode = #tpu.pipeline_mode<synchronous>, transform_indices = @transform_10, window_bounds = array<i64: 128, 128>}, {pipeline_mode = #tpu.pipeline_mode<synchronous>, transform_indices = @transform_11, window_bounds = array<i64: 128, 128>}, {pipeline_mode = #tpu.pipeline_mode<synchronous>, transform_indices = @transform_12, window_bounds = array<i64: 128, 16>}, {pipeline_mode = #tpu.pipeline_mode<synchronous>, transform_indices = @transform_13, window_bounds = array<i64: 4, 128>}, {pipeline_mode = #tpu.pipeline_mode<synchronous>, transform_indices = @transform_14, window_bounds = array<i64: 2, 1024>}, {transform_indices = @transform_15, window_bounds = array<i64: 2000, 128>}, {transform_indices = @transform_16, window_bounds = array<i64: 2000, 128>}]} {
    %get3A = arith.constant 0 : index
    %get3A_0 = arith.constant 0 : index
    %get3A_1 = vector.load %arg1[%get3A, %get3A_0] : memref<2000x128xf32, #tpu.memory_space<vmem>>, vector<2000x128xf32>
    %get3A_2 = arith.constant 0 : index
    %get3A_3 = arith.constant 0 : index
    %get3A_4 = vector.load %arg14[%get3A_2, %get3A_3] : memref<4x128xf32, #tpu.memory_space<vmem>>, vector<4x128xf32>
    %get3A_5 = arith.constant 0 : index
    %get3A_6 = arith.constant 0 : index
    %get3A_7 = vector.load %arg15[%get3A_5, %get3A_6] : memref<2x1024xf32, #tpu.memory_space<vmem>>, vector<2x1024xf32>
    %get3A_8 = arith.constant 0 : index
    %get3A_9 = arith.constant 0 : index
    %get3A_10 = arith.constant 0 : index
    %get3A_11 = vector.load %arg5[%get3A_8, %get3A_9, %get3A_10] : memref<2x2000x128xf32, #tpu.memory_space<vmem>>, vector<1x2000x1xf32>
    %get3A_12 = vector.shape_cast %get3A_11 : vector<1x2000x1xf32> to vector<2000x1xf32>
    %get3A_13 = arith.constant 1 : index
    %get3A_14 = arith.constant 0 : index
    %get3A_15 = arith.constant 0 : index
    %get3A_16 = vector.load %arg5[%get3A_13, %get3A_14, %get3A_15] : memref<2x2000x128xf32, #tpu.memory_space<vmem>>, vector<1x2000x1xf32>
    %get3A_17 = vector.shape_cast %get3A_16 : vector<1x2000x1xf32> to vector<2000x1xf32>
    %add3A = arith.addf %get3A_12, %get3A_17 : vector<2000x1xf32>
    %sqrt3A = math.sqrt %add3A : vector<2000x1xf32>
    %get3A_18 = arith.constant 0 : index
    %get3A_19 = arith.constant 0 : index
    %get3A_20 = arith.constant 0 : index
    %get3A_21 = vector.load %arg3[%get3A_18, %get3A_19, %get3A_20] : memref<2x2000x128xf32, #tpu.memory_space<vmem>>, vector<1x2000x128xf32>
    %get3A_22 = vector.shape_cast %get3A_21 : vector<1x2000x128xf32> to vector<2000x128xf32>
    %get3A_23 = arith.constant 1 : index
    %get3A_24 = arith.constant 0 : index
    %get3A_25 = arith.constant 0 : index
    %get3A_26 = vector.load %arg3[%get3A_23, %get3A_24, %get3A_25] : memref<2x2000x128xf32, #tpu.memory_space<vmem>>, vector<1x2000x128xf32>
    %get3A_27 = vector.shape_cast %get3A_26 : vector<1x2000x128xf32> to vector<2000x128xf32>
    %add3A_28 = arith.addf %get3A_22, %get3A_27 : vector<2000x128xf32>
    %div3A = vector.broadcast %sqrt3A : vector<2000x1xf32> to vector<2000x128xf32>
    %div3A_29 = arith.divf %add3A_28, %div3A : vector<2000x128xf32>
    %get3A_30 = arith.constant 0 : index
    %get3A_31 = arith.constant 0 : index
    %get3A_32 = arith.constant 0 : index
    %get3A_33 = vector.load %arg4[%get3A_30, %get3A_31, %get3A_32] : memref<2x2000x128xf32, #tpu.memory_space<vmem>>, vector<1x2000x128xf32>
    %get3A_34 = vector.shape_cast %get3A_33 : vector<1x2000x128xf32> to vector<2000x128xf32>
    %get3A_35 = arith.constant 1 : index
    %get3A_36 = arith.constant 0 : index
    %get3A_37 = arith.constant 0 : index
    %get3A_38 = vector.load %arg4[%get3A_35, %get3A_36, %get3A_37] : memref<2x2000x128xf32, #tpu.memory_space<vmem>>, vector<1x2000x128xf32>
    %get3A_39 = vector.shape_cast %get3A_38 : vector<1x2000x128xf32> to vector<2000x128xf32>
    %add3A_40 = arith.addf %get3A_34, %get3A_39 : vector<2000x128xf32>
    %div3A_41 = vector.broadcast %sqrt3A : vector<2000x1xf32> to vector<2000x128xf32>
    %div3A_42 = arith.divf %add3A_40, %div3A_41 : vector<2000x128xf32>
    %get3A_43 = arith.constant 0 : index
    %get3A_44 = arith.constant 0 : index
    %get3A_45 = vector.load %arg6[%get3A_43, %get3A_44] : memref<128x128xf32, #tpu.memory_space<vmem>>, vector<128x128xf32>
    %dot_general3A = arith.constant dense<0.000000e+00> : vector<2000x128xf32>
    %dot_general3A_46 = tpu.matmul %get3A_1, %get3A_45, %dot_general3A {dimension_numbers = #tpu.dot_dimension_numbers<[1], [0], [0], [1], [0, 0, 1, 1], [], []>, transpose_lhs_hint = false} : vector<2000x128xf32>, vector<128x128xf32>, vector<2000x128xf32> -> vector<2000x128xf32>
    %get3A_47 = arith.constant 0 : index
    %get3A_48 = arith.constant 0 : index
    %get3A_49 = vector.load %arg7[%get3A_47, %get3A_48] : memref<128x128xf32, #tpu.memory_space<vmem>>, vector<128x128xf32>
    %dot_general3A_50 = arith.constant dense<0.000000e+00> : vector<2000x128xf32>
    %dot_general3A_51 = tpu.matmul %div3A_29, %get3A_49, %dot_general3A_50 {dimension_numbers = #tpu.dot_dimension_numbers<[1], [0], [0], [1], [0, 0, 1, 1], [], []>, transpose_lhs_hint = false} : vector<2000x128xf32>, vector<128x128xf32>, vector<2000x128xf32> -> vector<2000x128xf32>
    %add3A_52 = arith.addf %dot_general3A_46, %dot_general3A_51 : vector<2000x128xf32>
    %slice3A = vector.extract_strided_slice %get3A_4 {offsets = [0, 0], sizes = [1, 128], strides = [1, 1]} : vector<4x128xf32> to vector<1x128xf32>
    %add3A_53 = vector.broadcast %slice3A : vector<1x128xf32> to vector<2000x128xf32>
    %add3A_54 = arith.addf %add3A_52, %add3A_53 : vector<2000x128xf32>
    %max3A = arith.constant 0.000000e+00 : f32
    %max3A_55 = vector.broadcast %max3A : f32 to vector<2000x128xf32>
    %max3A_56 = arith.maximumf %add3A_54, %max3A_55 : vector<2000x128xf32>
    %get3A_57 = arith.constant 0 : index
    %get3A_58 = arith.constant 0 : index
    %get3A_59 = vector.load %arg8[%get3A_57, %get3A_58] : memref<128x128xf32, #tpu.memory_space<vmem>>, vector<128x128xf32>
    %dot_general3A_60 = arith.constant dense<0.000000e+00> : vector<2000x128xf32>
    %dot_general3A_61 = tpu.matmul %max3A_56, %get3A_59, %dot_general3A_60 {dimension_numbers = #tpu.dot_dimension_numbers<[1], [0], [0], [1], [0, 0, 1, 1], [], []>, transpose_lhs_hint = false} : vector<2000x128xf32>, vector<128x128xf32>, vector<2000x128xf32> -> vector<2000x128xf32>
    %add3A_62 = arith.addf %get3A_1, %dot_general3A_61 : vector<2000x128xf32>
    %slice3A_63 = vector.extract_strided_slice %get3A_4 {offsets = [1, 0], sizes = [1, 128], strides = [1, 1]} : vector<4x128xf32> to vector<1x128xf32>
    %add3A_64 = vector.broadcast %slice3A_63 : vector<1x128xf32> to vector<2000x128xf32>
    %add3A_65 = arith.addf %add3A_62, %add3A_64 : vector<2000x128xf32>
    %swap3A = arith.constant 0 : index
    %swap3A_66 = arith.constant 0 : index
    %swap3A_67 = vector.load %arg16[%swap3A, %swap3A_66] : memref<2000x128xf32, #tpu.memory_space<vmem>>, vector<2000x128xf32>
    tpu.vector_store %arg16[%swap3A, %swap3A_66], %add3A_65 {strides = array<i32>} : memref<2000x128xf32, #tpu.memory_space<vmem>>, vector<2000x128xf32>,
    %get3A_68 = arith.constant 0 : index
    %get3A_69 = arith.constant 0 : index
    %get3A_70 = vector.load %arg9[%get3A_68, %get3A_69] : memref<128x1024xf32, #tpu.memory_space<vmem>>, vector<128x1024xf32>
    %dot_general3A_71 = arith.constant dense<0.000000e+00> : vector<2000x1024xf32>
    %dot_general3A_72 = tpu.matmul %div3A_42, %get3A_70, %dot_general3A_71 {dimension_numbers = #tpu.dot_dimension_numbers<[1], [0], [0], [1], [0, 0, 1, 1], [], []>, transpose_lhs_hint = false} : vector<2000x128xf32>, vector<128x1024xf32>, vector<2000x1024xf32> -> vector<2000x1024xf32>
    %slice3A_73 = vector.extract_strided_slice %get3A_7 {offsets = [0, 0], sizes = [1, 1024], strides = [1, 1]} : vector<2x1024xf32> to vector<1x1024xf32>
    %add3A_74 = vector.broadcast %slice3A_73 : vector<1x1024xf32> to vector<2000x1024xf32>
    %add3A_75 = arith.addf %dot_general3A_72, %add3A_74 : vector<2000x1024xf32>
    %get3A_76 = arith.constant 0 : index
    %get3A_77 = arith.constant 0 : index
    %get3A_78 = vector.load %arg10[%get3A_76, %get3A_77] : memref<128x1024xf32, #tpu.memory_space<vmem>>, vector<128x1024xf32>
    %dot_general3A_79 = arith.constant dense<0.000000e+00> : vector<2000x1024xf32>
    %dot_general3A_80 = tpu.matmul %div3A_42, %get3A_78, %dot_general3A_79 {dimension_numbers = #tpu.dot_dimension_numbers<[1], [0], [0], [1], [0, 0, 1, 1], [], []>, transpose_lhs_hint = false} : vector<2000x128xf32>, vector<128x1024xf32>, vector<2000x1024xf32> -> vector<2000x1024xf32>
    %slice3A_81 = vector.extract_strided_slice %get3A_7 {offsets = [1, 0], sizes = [1, 1024], strides = [1, 1]} : vector<2x1024xf32> to vector<1x1024xf32>
    %add3A_82 = vector.broadcast %slice3A_81 : vector<1x1024xf32> to vector<2000x1024xf32>
    %add3A_83 = arith.addf %dot_general3A_80, %add3A_82 : vector<2000x1024xf32>
    %slice3A_84 = vector.extract_strided_slice %add3A_75 {offsets = [0, 0], sizes = [2000, 128], strides = [1, 1]} : vector<2000x1024xf32> to vector<2000x128xf32>
    %slice3A_85 = vector.extract_strided_slice %add3A_83 {offsets = [0, 0], sizes = [2000, 128], strides = [1, 1]} : vector<2000x1024xf32> to vector<2000x128xf32>
    %mul3A = arith.mulf %slice3A_84, %slice3A_85 : vector<2000x128xf32>
    %slice3A_86 = vector.extract_strided_slice %add3A_75 {offsets = [0, 128], sizes = [2000, 128], strides = [1, 1]} : vector<2000x1024xf32> to vector<2000x128xf32>
    %slice3A_87 = vector.extract_strided_slice %add3A_83 {offsets = [0, 128], sizes = [2000, 128], strides = [1, 1]} : vector<2000x1024xf32> to vector<2000x128xf32>
    %mul3A_88 = arith.mulf %slice3A_86, %slice3A_87 : vector<2000x128xf32>
    %add3A_89 = arith.addf %mul3A, %mul3A_88 : vector<2000x128xf32>
    %slice3A_90 = vector.extract_strided_slice %add3A_75 {offsets = [0, 256], sizes = [2000, 128], strides = [1, 1]} : vector<2000x1024xf32> to vector<2000x128xf32>
    %slice3A_91 = vector.extract_strided_slice %add3A_83 {offsets = [0, 256], sizes = [2000, 128], strides = [1, 1]} : vector<2000x1024xf32> to vector<2000x128xf32>
    %mul3A_92 = arith.mulf %slice3A_90, %slice3A_91 : vector<2000x128xf32>
    %add3A_93 = arith.addf %add3A_89, %mul3A_92 : vector<2000x128xf32>
    %slice3A_94 = vector.extract_strided_slice %add3A_75 {offsets = [0, 384], sizes = [2000, 128], strides = [1, 1]} : vector<2000x1024xf32> to vector<2000x128xf32>
    %slice3A_95 = vector.extract_strided_slice %add3A_83 {offsets = [0, 384], sizes = [2000, 128], strides = [1, 1]} : vector<2000x1024xf32> to vector<2000x128xf32>
    %mul3A_96 = arith.mulf %slice3A_94, %slice3A_95 : vector<2000x128xf32>
    %add3A_97 = arith.addf %add3A_93, %mul3A_96 : vector<2000x128xf32>
    %slice3A_98 = vector.extract_strided_slice %add3A_75 {offsets = [0, 512], sizes = [2000, 128], strides = [1, 1]} : vector<2000x1024xf32> to vector<2000x128xf32>
    %slice3A_99 = vector.extract_strided_slice %add3A_83 {offsets = [0, 512], sizes = [2000, 128], strides = [1, 1]} : vector<2000x1024xf32> to vector<2000x128xf32>
    %mul3A_100 = arith.mulf %slice3A_98, %slice3A_99 : vector<2000x128xf32>
    %add3A_101 = arith.addf %add3A_97, %mul3A_100 : vector<2000x128xf32>
    %slice3A_102 = vector.extract_strided_slice %add3A_75 {offsets = [0, 640], sizes = [2000, 128], strides = [1, 1]} : vector<2000x1024xf32> to vector<2000x128xf32>
    %slice3A_103 = vector.extract_strided_slice %add3A_83 {offsets = [0, 640], sizes = [2000, 128], strides = [1, 1]} : vector<2000x1024xf32> to vector<2000x128xf32>
    %mul3A_104 = arith.mulf %slice3A_102, %slice3A_103 : vector<2000x128xf32>
    %add3A_105 = arith.addf %add3A_101, %mul3A_104 : vector<2000x128xf32>
    %slice3A_106 = vector.extract_strided_slice %add3A_75 {offsets = [0, 768], sizes = [2000, 128], strides = [1, 1]} : vector<2000x1024xf32> to vector<2000x128xf32>
    %slice3A_107 = vector.extract_strided_slice %add3A_83 {offsets = [0, 768], sizes = [2000, 128], strides = [1, 1]} : vector<2000x1024xf32> to vector<2000x128xf32>
    %mul3A_108 = arith.mulf %slice3A_106, %slice3A_107 : vector<2000x128xf32>
    %add3A_109 = arith.addf %add3A_105, %mul3A_108 : vector<2000x128xf32>
    %slice3A_110 = vector.extract_strided_slice %add3A_75 {offsets = [0, 896], sizes = [2000, 128], strides = [1, 1]} : vector<2000x1024xf32> to vector<2000x128xf32>
    %slice3A_111 = vector.extract_strided_slice %add3A_83 {offsets = [0, 896], sizes = [2000, 128], strides = [1, 1]} : vector<2000x1024xf32> to vector<2000x128xf32>
    %mul3A_112 = arith.mulf %slice3A_110, %slice3A_111 : vector<2000x128xf32>
    %add3A_113 = arith.addf %add3A_109, %mul3A_112 : vector<2000x128xf32>
    %get3A_114 = arith.constant 0 : index
    %get3A_115 = arith.constant 0 : index
    %get3A_116 = vector.load %arg11[%get3A_114, %get3A_115] : memref<128x128xf32, #tpu.memory_space<vmem>>, vector<128x128xf32>
    %dot_general3A_117 = arith.constant dense<0.000000e+00> : vector<2000x128xf32>
    %dot_general3A_118 = tpu.matmul %add3A_113, %get3A_116, %dot_general3A_117 {dimension_numbers = #tpu.dot_dimension_numbers<[1], [0], [0], [1], [0, 0, 1, 1], [], []>, transpose_lhs_hint = false} : vector<2000x128xf32>, vector<128x128xf32>, vector<2000x128xf32> -> vector<2000x128xf32>
    %get3A_119 = arith.constant 0 : index
    %get3A_120 = arith.constant 0 : index
    %get3A_121 = vector.load %arg12[%get3A_119, %get3A_120] : memref<128x128xf32, #tpu.memory_space<vmem>>, vector<128x128xf32>
    %dot_general3A_122 = arith.constant dense<0.000000e+00> : vector<2000x128xf32>
    %dot_general3A_123 = tpu.matmul %div3A_42, %get3A_121, %dot_general3A_122 {dimension_numbers = #tpu.dot_dimension_numbers<[1], [0], [0], [1], [0, 0, 1, 1], [], []>, transpose_lhs_hint = false} : vector<2000x128xf32>, vector<128x128xf32>, vector<2000x128xf32> -> vector<2000x128xf32>
    %add3A_124 = arith.addf %dot_general3A_118, %dot_general3A_123 : vector<2000x128xf32>
    %slice3A_125 = vector.extract_strided_slice %get3A_4 {offsets = [2, 0], sizes = [1, 128], strides = [1, 1]} : vector<4x128xf32> to vector<1x128xf32>
    %add3A_126 = vector.broadcast %slice3A_125 : vector<1x128xf32> to vector<2000x128xf32>
    %add3A_127 = arith.addf %add3A_124, %add3A_126 : vector<2000x128xf32>
    %mul3A_128 = arith.mulf %add3A_127, %add3A_127 : vector<2000x128xf32>
    %get3A_129 = arith.constant 0 : index
    %get3A_130 = arith.constant 0 : index
    %get3A_131 = vector.load %arg13[%get3A_129, %get3A_130] : memref<128x16xf32, #tpu.memory_space<vmem>>, vector<128x16xf32>
    %dot_general3A_132 = arith.constant dense<0.000000e+00> : vector<2000x16xf32>
    %dot_general3A_133 = tpu.matmul %mul3A_128, %get3A_131, %dot_general3A_132 {dimension_numbers = #tpu.dot_dimension_numbers<[1], [0], [0], [1], [0, 0, 1, 1], [], []>, transpose_lhs_hint = false} : vector<2000x128xf32>, vector<128x16xf32>, vector<2000x16xf32> -> vector<2000x16xf32>
    %add3A_134 = arith.constant 9.99999993E-9 : f32
    %add3A_135 = vector.broadcast %add3A_134 : f32 to vector<2000x16xf32>
    %add3A_136 = arith.addf %dot_general3A_133, %add3A_135 : vector<2000x16xf32>
    %sqrt3A_137 = math.sqrt %add3A_136 : vector<2000x16xf32>
    %reduce_sum3A = arith.constant dense<0.000000e+00> : vector<2000xf32>
    %reduce_sum3A_138 = vector.multi_reduction <add>, %sqrt3A_137, %reduce_sum3A [1] : vector<2000x16xf32> to vector<2000xf32>
    %broadcast_in_dim3A = vector.shape_cast %reduce_sum3A_138 : vector<2000xf32> to vector<2000x1xf32>
    %mul3A_139 = arith.constant 6.250000e-02 : f32
    %mul3A_140 = vector.broadcast %mul3A_139 : f32 to vector<2000x1xf32>
    %mul3A_141 = arith.mulf %broadcast_in_dim3A, %mul3A_140 : vector<2000x1xf32>
    %add3A_142 = arith.constant 9.99999997E-7 : f32
    %add3A_143 = vector.broadcast %add3A_142 : f32 to vector<2000x1xf32>
    %add3A_144 = arith.addf %mul3A_141, %add3A_143 : vector<2000x1xf32>
    %slice3A_145 = vector.extract_strided_slice %get3A_4 {offsets = [3, 0], sizes = [1, 128], strides = [1, 1]} : vector<4x128xf32> to vector<1x128xf32>
    %mul3A_146 = vector.broadcast %slice3A_145 : vector<1x128xf32> to vector<2000x128xf32>
    %mul3A_147 = arith.mulf %mul3A_146, %add3A_127 : vector<2000x128xf32>
    %div3A_148 = vector.broadcast %add3A_144 : vector<2000x1xf32> to vector<2000x128xf32>
    %div3A_149 = arith.divf %mul3A_147, %div3A_148 : vector<2000x128xf32>
    %get3A_150 = arith.constant 0 : index
    %get3A_151 = arith.constant 0 : index
    %get3A_152 = vector.load %arg2[%get3A_150, %get3A_151] : memref<2000x128xf32, #tpu.memory_space<vmem>>, vector<2000x128xf32>
    %add3A_153 = arith.addf %div3A_149, %get3A_152 : vector<2000x128xf32>
    %swap3A_154 = arith.constant 0 : index
    %swap3A_155 = arith.constant 0 : index
    %swap3A_156 = vector.load %arg17[%swap3A_154, %swap3A_155] : memref<2000x128xf32, #tpu.memory_space<vmem>>, vector<2000x128xf32>
    tpu.vector_store %arg17[%swap3A_154, %swap3A_155], %add3A_153 {strides = array<i32>} : memref<2000x128xf32, #tpu.memory_space<vmem>>, vector<2000x128xf32>,
    return
  }
  func.func @transform_0(%arg0: i32) -> (i32, i32) {
    %c0_i32 = arith.constant 0 : i32
    %c0_i32_0 = arith.constant 0 : i32
    return %arg0, %c0_i32 : i32, i32
  }
  func.func @transform_1(%arg0: i32) -> (i32, i32) {
    %c0_i32 = arith.constant 0 : i32
    %c0_i32_0 = arith.constant 0 : i32
    return %arg0, %c0_i32 : i32, i32
  }
  func.func @transform_2(%arg0: i32) -> (i32, i32, i32) {
    %c0_i32 = arith.constant 0 : i32
    %c0_i32_0 = arith.constant 0 : i32
    %c0_i32_1 = arith.constant 0 : i32
    return %c0_i32, %arg0, %c0_i32_0 : i32, i32, i32
  }
  func.func @transform_3(%arg0: i32) -> (i32, i32, i32) {
    %c0_i32 = arith.constant 0 : i32
    %c0_i32_0 = arith.constant 0 : i32
    %c0_i32_1 = arith.constant 0 : i32
    return %c0_i32, %arg0, %c0_i32_0 : i32, i32, i32
  }
  func.func @transform_4(%arg0: i32) -> (i32, i32, i32) {
    %c0_i32 = arith.constant 0 : i32
    %c0_i32_0 = arith.constant 0 : i32
    %c0_i32_1 = arith.constant 0 : i32
    return %c0_i32, %arg0, %c0_i32_0 : i32, i32, i32
  }
  func.func @transform_5(%arg0: i32) -> (i32, i32) {
    %c0_i32 = arith.constant 0 : i32
    %c0_i32_0 = arith.constant 0 : i32
    %c0_i32_1 = arith.constant 0 : i32
    return %c0_i32, %c0_i32_0 : i32, i32
  }
  func.func @transform_6(%arg0: i32) -> (i32, i32) {
    %c0_i32 = arith.constant 0 : i32
    %c0_i32_0 = arith.constant 0 : i32
    %c0_i32_1 = arith.constant 0 : i32
    return %c0_i32, %c0_i32_0 : i32, i32
  }
  func.func @transform_7(%arg0: i32) -> (i32, i32) {
    %c0_i32 = arith.constant 0 : i32
    %c0_i32_0 = arith.constant 0 : i32
    %c0_i32_1 = arith.constant 0 : i32
    return %c0_i32, %c0_i32_0 : i32, i32
  }
  func.func @transform_8(%arg0: i32) -> (i32, i32) {
    %c0_i32 = arith.constant 0 : i32
    %c0_i32_0 = arith.constant 0 : i32
    %c0_i32_1 = arith.constant 0 : i32
    return %c0_i32, %c0_i32_0 : i32, i32
  }
  func.func @transform_9(%arg0: i32) -> (i32, i32) {
    %c0_i32 = arith.constant 0 : i32
    %c0_i32_0 = arith.constant 0 : i32
    %c0_i32_1 = arith.constant 0 : i32
    return %c0_i32, %c0_i32_0 : i32, i32
  }
  func.func @transform_10(%arg0: i32) -> (i32, i32) {
    %c0_i32 = arith.constant 0 : i32
    %c0_i32_0 = arith.constant 0 : i32
    %c0_i32_1 = arith.constant 0 : i32
    return %c0_i32, %c0_i32_0 : i32, i32
  }
  func.func @transform_11(%arg0: i32) -> (i32, i32) {
    %c0_i32 = arith.constant 0 : i32
    %c0_i32_0 = arith.constant 0 : i32
    %c0_i32_1 = arith.constant 0 : i32
    return %c0_i32, %c0_i32_0 : i32, i32
  }
  func.func @transform_12(%arg0: i32) -> (i32, i32) {
    %c0_i32 = arith.constant 0 : i32
    %c0_i32_0 = arith.constant 0 : i32
    %c0_i32_1 = arith.constant 0 : i32
    return %c0_i32, %c0_i32_0 : i32, i32
  }
  func.func @transform_13(%arg0: i32) -> (i32, i32) {
    %c0_i32 = arith.constant 0 : i32
    %c0_i32_0 = arith.constant 0 : i32
    %c0_i32_1 = arith.constant 0 : i32
    return %c0_i32, %c0_i32_0 : i32, i32
  }
  func.func @transform_14(%arg0: i32) -> (i32, i32) {
    %c0_i32 = arith.constant 0 : i32
    %c0_i32_0 = arith.constant 0 : i32
    %c0_i32_1 = arith.constant 0 : i32
    return %c0_i32, %c0_i32_0 : i32, i32
  }
  func.func @transform_15(%arg0: i32) -> (i32, i32) {
    %c0_i32 = arith.constant 0 : i32
    %c0_i32_0 = arith.constant 0 : i32
    return %arg0, %c0_i32 : i32, i32
  }
  func.func @transform_16(%arg0: i32) -> (i32, i32) {
    %c0_i32 = arith.constant 0 : i32
    %c0_i32_0 = arith.constant 0 : i32
    return %arg0, %c0_i32 : i32, i32
  }
}

</mosaic_0001>

<sc_bundles>
// kernel: kernel.10.cloned.1.call-start
scs
__scs_entry_jumppad:
0x0: {  	(pc) =	sbr.rel $0x88, $3  }
0x1: {  	(tag) =	ssettag $0x0;
	lr =	simm.s32 $0x1  }
0x2: {  	[smem:$0x3F88] =	sst lr;
	_ =	strace $0xD0000000  }
0x3: {  	_ = 	snop  }
0x4: {  	_ = 	snop  }
0x5: {  	_ = 	snop  }
0x6: {  	_ = 	snop  }
0x7: {  	_ = 	snop  }
__scs_overlays_trampoline_lowered:
0x8: {  	[smem:$0x3F97] =	sst s0  }
0x9: {  	[smem:$0x3F98] =	sst s1  }
0xa: {  	[smem:$0x3F99] =	sst s2  }
0xb: {  	[smem:$0x3F9A] =	sst s3  }
0xc: {  	[smem:$0x3F9B] =	sst s4  }
0xd: {  	[smem:$0x3F9C] =	sst s5  }
0xe: {  	[smem:$0x3F9D] =	sst s6  }
0xf: {  	[smem:$0x3F9E] =	sst s7  }
0x10: {  	[smem:$0x3F9F] =	sst s8  }
0x11: {  	[smem:$0x3FA0] =	sst s9;
	s0 =	simm.s32 @!p0 $0x0  }
0x12: {  	s1 =	sld [smem:$0x3F86];
	s0 =	simm.s32 @p0 $0x1  }
0x13: {  	[smem:$0x3FA1] =	sst s0;
	s0 =	simm.s32 @!p1 $0x0  }
0x14: {  	s2 =	sld [smem:$0x3F85];
	s0 =	simm.s32 @p1 $0x1  }
0x15: {  	[smem:$0x3FA2] =	sst s0;
	s0 =	simm.s32 @!p2 $0x0  }
0x16: {  	s3 =	sld [smem:$0x3FDB];
	s0 =	simm.s32 @p2 $0x1  }
0x17: {  	s4 =	simm.s32 $0x1BF5;
	[smem:$0x3FA4] =	sst s0  }
0x18: {  	s0 =	sld [smem:$0x3F87];
	_ =	swait.ge [sflag:s4], $0x0  }
0x19: {  	s7 =	sld [smem:$0x3F88]  }
0x1a: {  	s8 =	sadd.s32 $0xFFFFE003, lr  }
0x1b: {  	s9 =	sadd.s32 $0xFFFFFEF7, lr;
	s5 =	simm.s32 $0xFFFFFFFF;
	p2 =	slt.u32 s8, $0xFFFFF086  }
0x1c: {  	p1 =	slt.u32 s9, $0xF7A;
	s5 =	simm.s32 @!p2 $0x0  }
0x1d: {  	s5 =	simm.s32 @p1 $0x1;
	p0 =	seq.s32 s7, s2  }
0x1e: {  	s7 =	smul.u32 @!p0 $0xF7A, s2;
	p2 =	seq.s32 @!p0 s5, $0x0  }
0x1f: {  	s9 =	smul.u32 $0xF7A, s1;
	s8 =	simm.s32 @!p0 $0x1BF5;
	p2 =	por !p2, p0  }
0x20: {  	[sflag:s8] =	ssyncset.s32 @!p0 $0xFFFFF086;
	s6 =	sadd.s32 @!p0 s3, s7;
	s7 =	simm.s32 @!p0 $0x108  }
0x21: {  	s3 =	sadd.s32 s3, s9;
	s6 =	sadd.s32 @!p0 $0x88, s6;
	s7 =	simm.s32 @p2 $0x1082  }
0x22: {  	[simem:s7], [sflag:s8] =	dma.local @!p0 [hbm:s6], $0xF7A  }
0x23: {  	s9 =	sor.u32 $0xD0000000, s2;
	s6 =	simm.s32 $0x108;
	_ =	swait.ge @!p0 [sflag:s8], $0x0  }
0x24: {  	s3 =	sadd.s32 $0x88, s3;
	s6 =	simm.s32 @!p1 $0x1082;
	[sflag:s4] =	ssyncset.s32 $0xFFFFF086  }
0x25: {  	[simem:s6], [sflag:s4] =	dma.local [hbm:s3], $0xF7A  }
0x26: {  	[smem:$0x3F88] =	sst s1;
	(tag) =	ssettag s2;
	_ =	strace s9  }
0x27: {  	s1 =	sld [smem:$0x3F98]  }
0x28: {  	s2 =	sld [smem:$0x3F99]  }
0x29: {  	s4 =	sld [smem:$0x3F9B]  }
0x2a: {  	p0 =	seq.s32 s5, $0x0;
	s5 =	sld [smem:$0x3F9C]  }
0x2b: {  	s6 =	sld [smem:$0x3F9D]  }
0x2c: {  	s7 =	sld [smem:$0x3F9E]  }
0x2d: {  	s3 =	simm.s32 $0x108;
	s8 =	sld [smem:$0x3F9F]  }
0x2e: {  	s3 =	simm.s32 @!p0 $0x1082;
	s9 =	sld [smem:$0x3FA0]  }
0x2f: {  	lr =	sadd.s32 s0, s3;
	s0 =	sld [smem:$0x3F97]  }
0x30: {  	s3 =	sld [smem:$0x3F9A]  }
0x31: {  	[smem:$0x3FA3] =	sst s10  }
0x32: {  	s10 =	sld [smem:$0x3FA1];
	_ =	sdelay $0x3  }
0x33: {  	p0 =	seq.s32 s10, $0x1;
	s10 =	sld [smem:$0x3FA3];
	_ =	sdelay $0x3  }
0x34: {  	[smem:$0x3FA3] =	sst s10  }
0x35: {  	s10 =	sld [smem:$0x3FA2];
	_ =	sdelay $0x3  }
0x36: {  	p1 =	seq.s32 s10, $0x1;
	s10 =	sld [smem:$0x3FA3];
	_ =	sdelay $0x3  }
0x37: {  	[smem:$0x3FA3] =	sst s10  }
0x38: {  	s10 =	sld [smem:$0x3FA4]  }
0x39: {  	_ = 	snop;
	(pc) =	sbr.ind lr, $3  }
0x3a: {  	_ = 	snop  }
0x3b: {  	_ = 	snop  }
0x3c: {  	p2 =	seq.s32 s10, $0x1;
	s10 =	sld [smem:$0x3FA3]  }
0x3d: {  	_ =	shalt  }
0x3e: {  	_ =	shalt  }
0x3f: {  	_ =	shalt  }
0x40: {  	_ =	shalt  }
0x41: {  	_ =	shalt  }
0x42: {  	_ =	shalt  }
0x43: {  	_ =	shalt  }
0x44: {  	_ =	shalt  }
0x45: {  	_ =	shalt  }
0x46: {  	_ =	shalt  }
0x47: {  	_ =	shalt  }
0x48: {  	_ =	shalt  }
0x49: {  	_ =	shalt  }
0x4a: {  	_ =	shalt  }
0x4b: {  	_ =	shalt  }
0x4c: {  	_ =	shalt  }
0x4d: {  	_ =	shalt  }
0x4e: {  	_ =	shalt  }
0x4f: {  	_ =	shalt  }
0x50: {  	_ =	shalt  }
0x51: {  	_ =	shalt  }
0x52: {  	_ =	shalt  }
0x53: {  	_ =	shalt  }
0x54: {  	_ =	shalt  }
0x55: {  	_ =	shalt  }
0x56: {  	_ =	shalt  }
0x57: {  	_ =	shalt  }
0x58: {  	_ =	shalt  }
0x59: {  	_ =	shalt  }
0x5a: {  	_ =	shalt  }
0x5b: {  	_ =	shalt  }
0x5c: {  	_ =	shalt  }
0x5d: {  	_ =	shalt  }
0x5e: {  	_ =	shalt  }
0x5f: {  	_ =	shalt  }
0x60: {  	_ =	shalt  }
0x61: {  	_ =	shalt  }
0x62: {  	_ =	shalt  }
0x63: {  	_ =	shalt  }
0x64: {  	_ =	shalt  }
0x65: {  	_ =	shalt  }
0x66: {  	_ =	shalt  }
0x67: {  	_ =	shalt  }
0x68: {  	_ =	shalt  }
0x69: {  	_ =	shalt  }
0x6a: {  	_ =	shalt  }
0x6b: {  	_ =	shalt  }
0x6c: {  	_ =	shalt  }
0x6d: {  	_ =	shalt  }
0x6e: {  	_ =	shalt  }
0x6f: {  	_ =	shalt  }
0x70: {  	_ =	shalt  }
0x71: {  	_ =	shalt  }
0x72: {  	_ =	shalt  }
0x73: {  	_ =	shalt  }
0x74: {  	_ =	shalt  }
0x75: {  	_ =	shalt  }
0x76: {  	_ =	shalt  }
0x77: {  	_ =	shalt  }
0x78: {  	_ =	shalt  }
0x79: {  	_ =	shalt  }
0x7a: {  	_ =	shalt  }
0x7b: {  	_ =	shalt  }
0x7c: {  	_ =	shalt  }
0x7d: {  	_ =	shalt  }
0x7e: {  	_ =	shalt  }
0x7f: {  	_ =	shalt  }
0x80: {  	_ =	shalt  }
0x81: {  	_ =	shalt  }
0x82: {  	_ =	shalt  }
0x83: {  	_ =	shalt  }
0x84: {  	_ =	shalt  }
0x85: {  	_ =	shalt  }
0x86: {  	_ =	shalt  }
0x87: {  	_ =	shalt  }
.Lfunc_end0:
.L_simem_size_0:
called_computation.1_lowered:
.L_overlay_start_0:
0x88: {  	s2 =	sld [smem:$0x3FD9]  }
0x89: {  	s3 =	sld [smem:$0x3FFE];
	_ =	sdelay $0x1  }
0x8a: {  	s1 =	srdreg.scid  }
0x8b: {  	s0 =	sand.u32 $0x1, s1  }
0x8c: {  	s14 =	sshll.u32 s0, $0xA;
	s2 =	sadd.s32 s3, s2  }
0x8d: {  	s2 =	sadd.s32 s2, s14  }
0x8e: {  	[smem:$0x3FAF] =	sst s2  }
0x8f: {  	_ = 	snop  }
0x90: {  	s2 =	sld [smem:$0x3FD0];
	_ =	sdelay $0x2  }
0x91: {  	s15 =	simm.s32 $0xA;
	s4 =	simm.s32 $0x10  }
0x92: {  	[smem:s4], [sflag:s15] =	dma.local [hbm:s2], $0x1  }
0x93: {  	_ =	swait.eq [sflag:s15], $0x1  }
0x94: {  	[sflag:s15] =	ssyncset.done $0x0  }
0x95: {  	[sflag:s15] =	ssyncadd.s32 $0xFFFFFFFF  }
0x96: {  	s16 =	sld [smem:$0x11];
	(tm) =	ssettm $0x1  }
0x97: {  	s17 =	sld [smem:$0x3FFB];
	_ =	sdelay $0x3  }
0x98: {  	_ =	strace s17  }
0x99: {  	s3 =	sld [smem:$0x3FFC];
	_ =	sdelay $0x3  }
0x9a: {  	_ =	strace s3  }
0x9b: {  	s3 =	sld [smem:$0x3FFD];
	_ =	sdelay $0x3  }
0x9c: {  	_ =	strace s3  }
0x9d: {  	_ =	strace $0x8FFFFFFF  }
0x9e: {  	s18 =	sld [smem:$0x3FDB];
	_ =	sdelay $0x1  }
0x9f: {  	s19 =	simm.s32 $_scs_section_size  }
0xa0: {  	s5 =	simm.s32 $_size__tile_overlayer_lowered;
	s6 =	simm.s32 $_tile_overlayer_lowered  }
0xa1: {  	s22 =	simm.s32 $0x1BFF;
	s21 =	sshll.u32 s6, $0x1;
	s3 =	sadd.s32 s19, s18  }
0xa2: {  	s7 =	simm.s32 $0x0;
	s20 =	sshll.u32 s5, $0x1;
	s5 =	sadd.s32 s21, s3  }
0xa3: {  	[timem:s7], [sflag:s22] =	dma.local [hbm:s5], s20  }
0xa4: {  	_ =	swait.ge [sflag:s22], s20  }
0xa5: {  	s4 =	ssub.s32 $0x0, s20;
	[sflag:s22] =	ssyncset.done $0x0  }
0xa6: {  	[sflag:s22] =	ssyncadd.s32 s4;
	_ =	sdelay $0x1  }
0xa7: {  	s23 =	simm.s32 $0x1B8B  }
0xa8: {  	_ =	swait.ge [sflag:s23], $0x1  }
0xa9: {  	[sflag:s23] =	ssyncset.done $0x0  }
0xaa: {  	s25 =	simm.s32 $0x1B8E;
	s24 =	sld [smem:$0x3FFE];
	[sflag:s23] =	ssyncadd.s32 $0xFFFFFFFF  }
0xab: {  	s26 =	simm.s32 $execute0_lowered;
	[smem:$0x3FD2] =	sst s25  }
0xac: {  	s5 =	sshll.u32 s26, $0x1;
	_ =	strace $0x80000049;
	[dreg:$0x1] =	wrdreg $0xFFFFFFFF  }
0xad: {  	s28 =	simm.s32 $_size_execute0_lowered;
	s3 =	sadd.s32 s3, s5;
	[dreg:$0x0] =	wrdreg $0x0  }
0xae: {  	s5 =	sshll.u32 s28, $0x1;
	[dreg:$0x2] =	wrdreg s3  }
0xaf: {  	[dreg:$0x3] =	wrdreg s5  }
0xb0: {  	[dreg:$0x4] =	wrdreg $0xC0  }
0xb1: {  	_ =	task [dreg:s7], $0x5FFFF  }
0xb2: {  	[dreg:$0x1] =	wrdreg $0xFFFFFFFF  }
0xb3: {  	[dreg:$0x0] =	wrdreg $0x60  }
0xb4: {  	[dreg:$0x2] =	wrdreg s24  }
0xb5: {  	[dreg:$0x3] =	wrdreg s16  }
0xb6: {  	[dreg:$0x4] =	wrdreg $0x0  }
0xb7: {  	[dreg:$0x5] =	wrdreg $0x9  }
0xb8: {  	_ =	task.clear_ibuf [dreg:s7], $0x6FFFF;
	_ =	strace $0x90000049  }
0xb9: {  	s29 =	simm.s32 $0x9;
	_ =	strace $0x8000004B  }
0xba: {  	_ =	swait.ge [sflag:s29], $0x1  }
0xbb: {  	[sflag:s29] =	ssyncadd.s32 $0xFFFFFFFF  }
0xbc: {  	_ =	strace $0x9000004B  }
0xbd: {  	_ =	sfence  }
0xbe: {  	s30 =	sld [smem:$0x0];
	_ =	sdelay $0x2  }
0xbf: {  	s31 =	sshll.u32 s1, $0xD;
	s1 =	sshrl.u32 s1, $0x2  }
0xc0: {  	s3 =	sand.u32 $0x4000, s31;
	s1 =	sadd.s32 s1, s30  }
0xc1: {  	s0 =	sor.u32 s3, s0;
	s1 =	sshll.u32 s1, $0x11  }
0xc2: {  	s0 =	sor.u32 s1, s0  }
0xc3: {  	s0 =	sadd.s32 $0x8F2B, s0  }
0xc4: {  	[sflag:s0] =	ssyncadd.remote.s32 $0x1  }
0xc5: {  	_ =	sfence.sel $0xFFFF  }
0xc6: {  	[dreg:$0x0] =	wrdreg $0xFFFFFFFF;
	(pc) =	sbr.abs _section_cstart, $3  }
0xc7: {  	[dreg:$0x1] =	wrdreg $0xFFFFFFFF  }
0xc8: {  	_ =	task.clear_ibuf [dreg:s7], $0x2FFFF;
	_ =	strace $0x9FFFFFFF  }
0xc9: {  	(tm) =	ssettm $0x7FFFFFFF  }
tec
execute0_lowered:
.L_overlay_start_1:
0x0: {  	(tag) =	ssettag $0x1  }
0x1: {  	s0 =	rddreg [dreg:$0x0]  }
0x2: {  	s1 =	rddreg [dreg:$0x1]  }
0x3: {  	s2 =	rddreg [dreg:$0x2]  }
0x4: {  	s3 =	simm.s32 $0x0;
	s4 =	srdreg.scid;
	s18 =	stileid.u32  }
0x5: {  	s28 =	simm.s32 $0x1B100;
	s29 =	simm.s32 $0x13880;
	s30 =	simm.s32 $0x16080  }
0x6: {  	s31 =	simm.s32 $0x1;
	[smem:$0x7FF] =	sst s3;
	s7 =	sadd.s32 $0xA25A00, s0  }
0x7: {  	s4 =	sand.u32 $0x1, s4;
	s8 =	sadd.s32 $0xF07A00, s0;
	s9 =	sadd.s32 $0xA06200, s0  }
0x8: {  	s5 =	sshll.u32 s18, $0x1;
	s10 =	sadd.s32 $0xA15C00, s0;
	s11 =	smul.u32 $0x270, s18  }
0x9: {  	s6 =	sadd.s32 $0x7400, s0;
	s12 =	sadd.s32 $0x7A00, s0;
	s19 =	smul.u32 $0x4E000, s18  }
0xa: {  	s14 =	sadd.s32 $0x55C00, s0;
	s0 =	sadd.s32 $0xA3E00, s0;
	s22 =	smul.u32 $0xFA, s18  }
0xb: {  	p1 =	sne.s32 s18, $0xF;
	p0 =	sne.s32 s18, $0x0;
	s15 =	smul.u32 $0x2710, s4  }
0xc: {  	_ =	strace $0x8000004A;
	s5 =	sor.u32 s4, s5;
	s17 =	smul.u32 $0x138800, s4  }
0xd: {  	[dreg:$0x4] =	wrdreg s6;
	s25 =	ssub.s32 $0x2, s4;
	s24 =	smul.u32 $0x7D, s4  }
0xe: {  	p2 =	sne.s32 @p1 s18, $0x0;
	s5 =	smul.u32 $0x7D, s5;
	s16 =	sshrl.u32 s25, $0x1  }
0xf: {  	p2 =	por p2, !p1;
	s20 =	ssub.s32 s25, s16;
	s11 =	sadd.s32 s11, s15  }
0x10: {  	s17 =	sshrl.u32 s17, $0x3;
	s25 =	smul.u32 $0x4E200, s18;
	s11 =	sshll.u32 s11, $0x4  }
0x11: {  	s5 =	sadd.s32 $0x7C, s5;
	s15 =	sadd.s32 $0x27000, s17;
	s21 =	sadd.s32 s12, s11  }
0x12: {  	s20 =	smax.u32 s20, $0x1;
	s12 =	sadd.s32 s12, s15;
	[dreg:$0x6] =	wrdreg s21  }
0x13: {  	s13 =	smul.u32 $0x500, s5;
	s23 =	sadd.s32 s14, s11;
	[dreg:$0x7] =	wrdreg s12  }
0x14: {  	s14 =	sadd.s32 s14, s15;
	s11 =	sadd.s32 s0, s11;
	[dreg:$0x8] =	wrdreg s23  }
0x15: {  	s0 =	sadd.s32 s0, s15;
	s15 =	smul.u32 $0x27100, s4;
	[dreg:$0x9] =	wrdreg s14  }
0x16: {  	s5 =	sshll.u32 s5, $0x4;
	s4 =	smul.u32 $0x7D0, s4;
	[dreg:$0xa] =	wrdreg s11  }
0x17: {  	s6 =	sadd.s32 s9, s5;
	[dreg:$0xb] =	wrdreg s0;
	s12 =	sadd.s32 s24, s22  }
0x18: {  	s0 =	sadd.s32 s25, s8;
	s23 =	sadd.s32 $0x138000, s2;
	s5 =	sadd.s32 s10, s5  }
0x19: {  	s26 =	sadd.s32 s7, s13;
	s17 =	sadd.s32 s8, s13;
	[dreg:$0xe] =	wrdreg s23  }
0x1a: {  	s7 =	sadd.s32 s25, s7;
	s22 =	sshll.u32 s12, $0x4;
	[dreg:$0xf] =	wrdreg s5  }
0x1b: {  	s5 =	simm.s32 $0x3;
	[dreg:$0x5] =	wrdreg s26;
	s26 =	sshrl.u32 s19, $0x2  }
0x1c: {  	[dreg:$0xd] =	wrdreg s17;
	s16 =	sadd.s32 s15, s7;
	s19 =	smul.u32 $0xFA0, s18  }
0x1d: {  	s17 =	sadd.s32 s15, s0;
	s24 =	sadd.s32 s9, s22;
	s0 =	simm.s32 $0x2  }
0x1e: {  	s7 =	simm.s32 $0x0;
	s11 =	sadd.s32 s26, s2;
	s22 =	sadd.s32 $0x10, s24  }
0x1f: {  	s24 =	simm.s32 $0x18880;
	s25 =	sadd.s32 s19, s9;
	s26 =	sadd.s32 s19, s10  }
0x20: {  	[dreg:$0xc] =	wrdreg s11;
	s21 =	sadd.s32 s4, s25;
	s23 =	sadd.s32 s4, s26  }
0x21: {  	s25 =	simm.s32 $0x4;
	s26 =	simm.s32 $0x1B080;
	s4 =	simm.s32 $0x50  }
.LBB2_1:
0x22: {  	s8 =	rddreg [dreg:$0x4]  }
0x23: {  	[tilespmem:s24], [sflag:$0x4] =	stream.linear.gather [hbm4b:s8+s3], $0x2800, $0x38;
	[tilespmem:$0x1B180] =	vst v63  }
0x24: {  	_ =	swait.ge [sflag:s25], $0x2800  }
0x25: {  	[sflag:s25] =	ssyncset.done $0x0  }
0x26: {  	s9 =	simm.s32 @!p0 $0x1C04;
	s8 =	sshrl.u32 @!p0 s2, $0x3;
	[sflag:s25] =	ssyncadd.s32 $0xFFFFD800  }
0x27: {  	[spmem:s8], [sflag:s9] =	dma.local @!p0 [hbm:s1], $0x27100  }
0x28: {  	s8 =	simm.s32 @!p0 $0x4  }
0x29: {  	_ =	swait.ge @!p0 [sflag:s8], $0x27100  }
0x2a: {  	[sflag:s8] =	ssyncset.done @!p0 $0x0  }
0x2b: {  	[sflag:s8] =	ssyncadd.s32 @!p0 $0xFFFD8F00  }
0x2c: {  	s15 =	sadd.s32 $0x0, s21;
	[bflag:$0x0] =	sbarrier.arrive $0xFFFF  }
0x2d: {  	[tilespmem:s26], [sflag:$0x1] =	stream.linear.gather [hbm4b:s15+s3], $0x80, $0x38;
	[tilespmem:$0x1B180] =	vst v63  }
0x2e: {  	s18 =	sadd.s32 $0x0, s22  }
0x2f: {  	[tilespmem:s28], [sflag:$0x1] =	stream.linear.gather [hbm4b:s18+s3], $0x80, $0x38;
	[tilespmem:$0x1B180] =	vst v63  }
0x30: {  	_ = 	snop  }
0x31: {  	[tilespmem:s29], [sflag:$0x2] =	stream.linear.gather [hbm4b:s16+s3], $0x2800, $0x38;
	[tilespmem:$0x1B180] =	vst v63  }
0x32: {  	s19 =	sadd.s32 $0x500, s16  }
0x33: {  	[tilespmem:s30], [sflag:$0x2] =	stream.linear.gather [hbm4b:s19+s3], $0x2800, $0x38;
	[tilespmem:$0x1B180] =	vst v63  }
0x34: {  	_ =	swait.ge [sflag:s31], $0x80  }
0x35: {  	[sflag:s31] =	ssyncset.done $0x0  }
0x36: {  	[sflag:s31] =	ssyncadd.s32 $0xFFFFFF80  }
0x37: {  	_ =	swait.ge [sflag:s0], $0x2800  }
0x38: {  	[sflag:s0] =	ssyncset.done $0x0  }
0x39: {  	[sflag:s0] =	ssyncadd.s32 $0xFFFFD800  }
0x3a: {  	[spmem:s2] =	stream.indirect.scatter.add.f32 [tilespmem:s29], [sflag:$0x3], $0x80, s26, s4, $0xb8;
	[tilespmem:$0x1B180] =	vst v63  }
0x3b: {  	_ =	swait.ge [sflag:s31], $0x80  }
0x3c: {  	[sflag:s31] =	ssyncset.done $0x0  }
0x3d: {  	[sflag:s31] =	ssyncadd.s32 $0xFFFFFF80  }
0x3e: {  	_ =	swait.ge [sflag:s0], $0x2800  }
0x3f: {  	[sflag:s0] =	ssyncset.done $0x0  }
0x40: {  	[sflag:s0] =	ssyncadd.s32 $0xFFFFD800  }
0x41: {  	[spmem:s2] =	stream.indirect.scatter.add.f32 [tilespmem:s30], [sflag:$0x3], $0x80, s28, s4, $0xb8;
	[tilespmem:$0x1B180] =	vst v63  }
0x42: {  	_ =	swait.ge [sflag:s5], $0x2800  }
0x43: {  	[sflag:s5] =	ssyncset.done $0x0  }
0x44: {  	[sflag:s5] =	ssyncadd.s32 $0xFFFFD800  }
0x45: {  	s10 =	simm.s32 $0x40;
	_ =	swait.ge [sflag:s5], $0x2800  }
0x46: {  	s9 =	sadd.s32 $0xA00, s16;
	s8 =	simm.s32 $0x20;
	[sflag:s5] =	ssyncset.done $0x0  }
.LBB2_2:
0x47: {  	s11 =	sadd.s32 s8, s21  }
0x48: {  	[sflag:s5] =	ssyncadd.s32 $0xFFFFD800;
	s12 =	smov.u32 s10;
	s13 =	sadd.s32 $0x20, s10  }
0x49: {  	[tilespmem:s26], [sflag:$0x1] =	stream.linear.gather [hbm4b:s11+s3], $0x80, $0x38;
	[tilespmem:$0x1B180] =	vst v63  }
0x4a: {  	p3 =	sne.s32 s10, $0x7A0;
	s10 =	sadd.s32 s8, s22;
	s8 =	smov.u32 s12  }
0x4b: {  	[tilespmem:s28], [sflag:$0x1] =	stream.linear.gather [hbm4b:s10+s3], $0x80, $0x38;
	[tilespmem:$0x1B180] =	vst v63  }
0x4c: {  	_ = 	snop  }
0x4d: {  	[tilespmem:s29], [sflag:$0x2] =	stream.linear.gather [hbm4b:s9+s3], $0x2800, $0x38;
	[tilespmem:$0x1B180] =	vst v63  }
0x4e: {  	s10 =	sadd.s32 $0x500, s9  }
0x4f: {  	[tilespmem:s30], [sflag:$0x2] =	stream.linear.gather [hbm4b:s10+s3], $0x2800, $0x38;
	[tilespmem:$0x1B180] =	vst v63  }
0x50: {  	_ =	swait.ge [sflag:s31], $0x80  }
0x51: {  	[sflag:s31] =	ssyncset.done $0x0  }
0x52: {  	[sflag:s31] =	ssyncadd.s32 $0xFFFFFF80  }
0x53: {  	_ =	swait.ge [sflag:s0], $0x2800  }
0x54: {  	[sflag:s0] =	ssyncset.done $0x0  }
0x55: {  	[sflag:s0] =	ssyncadd.s32 $0xFFFFD800  }
0x56: {  	[spmem:s2] =	stream.indirect.scatter.add.f32 [tilespmem:s29], [sflag:$0x3], $0x80, s26, s4, $0xb8;
	[tilespmem:$0x1B180] =	vst v63  }
0x57: {  	_ =	swait.ge [sflag:s31], $0x80  }
0x58: {  	[sflag:s31] =	ssyncset.done $0x0  }
0x59: {  	[sflag:s31] =	ssyncadd.s32 $0xFFFFFF80  }
0x5a: {  	_ =	swait.ge [sflag:s0], $0x2800  }
0x5b: {  	[sflag:s0] =	ssyncset.done $0x0  }
0x5c: {  	[sflag:s0] =	ssyncadd.s32 $0xFFFFD800  }
0x5d: {  	[spmem:s2] =	stream.indirect.scatter.add.f32 [tilespmem:s30], [sflag:$0x3], $0x80, s28, s4, $0xb8;
	[tilespmem:$0x1B180] =	vst v63  }
.Ltmp0:
0x5e: {  	_ =	swait.ge [sflag:s5], $0x2800;
	(pc) =	sbr.rel @p3 .LBB2_2-.Ltmp0, $4  }
0x5f: {  	[sflag:s5] =	ssyncset.done $0x0  }
0x60: {  	[sflag:s5] =	ssyncadd.s32 $0xFFFFD800  }
0x61: {  	_ =	swait.ge [sflag:s5], $0x2800  }
0x62: {  	s9 =	sadd.s32 $0xA00, s9;
	s10 =	smov.u32 s13;
	[sflag:s5] =	ssyncset.done $0x0  }
0x63: {  	s10 =	sadd.s32 s8, s21;
	[sflag:s5] =	ssyncadd.s32 $0xFFFFD800  }
0x64: {  	[tilespmem:s26], [sflag:$0x1] =	stream.linear.gather [hbm4b:s10+s3], $0x80, $0x38;
	[tilespmem:$0x1B180] =	vst v63  }
0x65: {  	s19 =	sadd.s32 s8, s22  }
0x66: {  	[tilespmem:s28], [sflag:$0x1] =	stream.linear.gather [hbm4b:s19+s3], $0x80, $0x38;
	[tilespmem:$0x1B180] =	vst v63  }
0x67: {  	_ = 	snop  }
0x68: {  	[tilespmem:s29], [sflag:$0x2] =	stream.linear.gather [hbm4b:s9+s3], $0x2800, $0x38;
	[tilespmem:$0x1B180] =	vst v63  }
0x69: {  	s10 =	sadd.s32 $0x500, s9  }
0x6a: {  	[tilespmem:s30], [sflag:$0x2] =	stream.linear.gather [hbm4b:s10+s3], $0x2800, $0x38;
	[tilespmem:$0x1B180] =	vst v63  }
0x6b: {  	_ =	swait.ge [sflag:s31], $0x80  }
0x6c: {  	[sflag:s31] =	ssyncset.done $0x0  }
0x6d: {  	[sflag:s31] =	ssyncadd.s32 $0xFFFFFF80  }
0x6e: {  	_ =	swait.ge [sflag:s0], $0x2800  }
0x6f: {  	[sflag:s0] =	ssyncset.done $0x0  }
0x70: {  	[sflag:s0] =	ssyncadd.s32 $0xFFFFD800  }
0x71: {  	[spmem:s2] =	stream.indirect.scatter.add.f32 [tilespmem:s29], [sflag:$0x3], $0x80, s26, s4, $0xb8;
	[tilespmem:$0x1B180] =	vst v63  }
0x72: {  	_ =	swait.ge [sflag:s31], $0x80  }
0x73: {  	[sflag:s31] =	ssyncset.done $0x0  }
0x74: {  	[sflag:s31] =	ssyncadd.s32 $0xFFFFFF80  }
0x75: {  	_ =	swait.ge [sflag:s0], $0x2800  }
0x76: {  	[sflag:s0] =	ssyncset.done $0x0  }
0x77: {  	[sflag:s0] =	ssyncadd.s32 $0xFFFFD800  }
0x78: {  	[spmem:s2] =	stream.indirect.scatter.add.f32 [tilespmem:s30], [sflag:$0x3], $0x80, s28, s4, $0xb8;
	[tilespmem:$0x1B180] =	vst v63  }
0x79: {  	_ =	swait.ge [sflag:s5], $0x2800  }
0x7a: {  	[sflag:s5] =	ssyncset.done $0x0  }
0x7b: {  	[sflag:s5] =	ssyncadd.s32 $0xFFFFD800  }
0x7c: {  	_ =	swait.ge [sflag:s5], $0x2800  }
0x7d: {  	[sflag:s5] =	ssyncset.done $0x0  }
0x7e: {  	[sflag:s5] =	ssyncadd.s32 $0xFFFFD800  }
0x7f: {  	[tilespmem:s26], [sflag:$0x4] =	stream.linear.gather [hbm4b:s6+s3], $0x80, $0x38;
	[tilespmem:$0x1B180] =	vst v63  }
0x80: {  	_ =	swait.ge [sflag:s25], $0x80  }
0x81: {  	[sflag:s25] =	ssyncset.done $0x0  }
0x82: {  	s11 =	rddreg [dreg:$0x5];
	[sflag:s25] =	ssyncadd.s32 $0xFFFFFF80  }
0x83: {  	[tilespmem:s29], [sflag:$0x4] =	stream.linear.gather [hbm4b:s11+s3], $0x2800, $0x38;
	[tilespmem:$0x1B180] =	vst v63  }
0x84: {  	_ =	swait.ge [sflag:s25], $0x2800  }
0x85: {  	[sflag:s25] =	ssyncset.done $0x0  }
0x86: {  	[sflag:s25] =	ssyncadd.s32 $0xFFFFD800  }
0x87: {  	[spmem:s2] =	stream.indirect.scatter.add.f32 [tilespmem:s29], [sflag:$0x4], $0x80, s26, s4, $0xb8;
	[tilespmem:$0x1B180] =	vst v63  }
0x88: {  	_ =	swait.ge [sflag:s25], $0x2800  }
0x89: {  	[sflag:s25] =	ssyncset.done $0x0  }
0x8a: {  	[sflag:s25] =	ssyncadd.s32 $0xFFFFD800  }
0x8b: {  	s12 =	stileid.u32;
	[bflag:$0x0] =	sbarrier.arrive $0xFFFF  }
0x8c: {  	s8 =	sshll.u32 s12, $0x6;
	s13 =	rddreg [dreg:$0xc]  }
0x8d: {  	s8 =	sor.u32 $0x1C04, s8;
	s14 =	rddreg [dreg:$0x6];
	s9 =	sshrl.u32 s13, $0x3  }
0x8e: {  	[hbm:s14], [sflag:s8] =	dma.local [spmem:s9], $0x2700  }
0x8f: {  	_ =	swait.ge [sflag:s25], $0x2700  }
0x90: {  	[sflag:s25] =	ssyncset.done $0x0  }
0x91: {  	[sflag:s25] =	ssyncadd.s32 $0xFFFFD900  }
0x92: {  	s10 =	simm.s32 @!p2 $0x4;
	s11 =	sshrl.u32 @!p2 s2, $0x3;
	[bflag:$0x0] =	sbarrier.arrive @p1 $0xFFFF  }
0x93: {  	[spmem:s11], [sflag:s8] =	dma.local @!p2 [hbm:s1], $0x27100  }
0x94: {  	_ =	swait.ge @!p2 [sflag:s10], $0x27100  }
0x95: {  	[sflag:s10] =	ssyncset.done @!p2 $0x0  }
0x96: {  	[sflag:s10] =	ssyncadd.s32 @!p2 $0xFFFD8F00;
	s10 =	rddreg [dreg:$0xe]  }
0x97: {  	s12 =	rddreg [dreg:$0x7];
	s10 =	sshrl.u32 @!p1 s10, $0x3  }
0x98: {  	[hbm:s12], [sflag:s8] =	dma.local @!p1 [spmem:s10], $0x100  }
0x99: {  	s12 =	simm.s32 @!p1 $0x4  }
0x9a: {  	_ =	swait.ge @!p1 [sflag:s12], $0x100  }
0x9b: {  	[sflag:s12] =	ssyncset.done @!p1 $0x0  }
0x9c: {  	[sflag:s12] =	ssyncadd.s32 @!p1 $0xFFFFFF00  }
0x9d: {  	[bflag:$0x0] =	sbarrier.arrive @!p1 $0xFFFF  }
0x9e: {  	s15 =	sadd.s32 $0x0, s21;
	[bflag:$0x0] =	sbarrier.arrive $0xFFFF  }
0x9f: {  	[tilespmem:s26], [sflag:$0x1] =	stream.linear.gather [hbm4b:s15+s3], $0x80, $0x38;
	[tilespmem:$0x1B180] =	vst v63  }
0xa0: {  	s18 =	sadd.s32 $0x0, s22  }
0xa1: {  	[tilespmem:s28], [sflag:$0x1] =	stream.linear.gather [hbm4b:s18+s3], $0x80, $0x38;
	[tilespmem:$0x1B180] =	vst v63  }
0xa2: {  	_ = 	snop  }
0xa3: {  	[tilespmem:s29], [sflag:$0x2] =	stream.linear.gather [hbm4b:s17+s3], $0x2800, $0x38;
	[tilespmem:$0x1B180] =	vst v63  }
0xa4: {  	s19 =	sadd.s32 $0x500, s17  }
0xa5: {  	[tilespmem:s30], [sflag:$0x2] =	stream.linear.gather [hbm4b:s19+s3], $0x2800, $0x38;
	[tilespmem:$0x1B180] =	vst v63  }
0xa6: {  	_ =	swait.ge [sflag:s31], $0x80  }
0xa7: {  	[sflag:s31] =	ssyncset.done $0x0  }
0xa8: {  	[sflag:s31] =	ssyncadd.s32 $0xFFFFFF80  }
0xa9: {  	_ =	swait.ge [sflag:s0], $0x2800  }
0xaa: {  	[sflag:s0] =	ssyncset.done $0x0  }
0xab: {  	[sflag:s0] =	ssyncadd.s32 $0xFFFFD800  }
0xac: {  	[spmem:s2] =	stream.indirect.scatter.add.f32 [tilespmem:s29], [sflag:$0x3], $0x80, s26, s4, $0xb8;
	[tilespmem:$0x1B180] =	vst v63  }
0xad: {  	_ =	swait.ge [sflag:s31], $0x80  }
0xae: {  	[sflag:s31] =	ssyncset.done $0x0  }
0xaf: {  	[sflag:s31] =	ssyncadd.s32 $0xFFFFFF80  }
0xb0: {  	_ =	swait.ge [sflag:s0], $0x2800  }
0xb1: {  	[sflag:s0] =	ssyncset.done $0x0  }
0xb2: {  	[sflag:s0] =	ssyncadd.s32 $0xFFFFD800  }
0xb3: {  	[spmem:s2] =	stream.indirect.scatter.add.f32 [tilespmem:s30], [sflag:$0x3], $0x80, s28, s4, $0xb8;
	[tilespmem:$0x1B180] =	vst v63  }
0xb4: {  	_ =	swait.ge [sflag:s5], $0x2800  }
0xb5: {  	[sflag:s5] =	ssyncset.done $0x0  }
0xb6: {  	[sflag:s5] =	ssyncadd.s32 $0xFFFFD800  }
0xb7: {  	s13 =	sadd.s32 $0xA00, s17;
	_ =	swait.ge [sflag:s5], $0x2800  }
0xb8: {  	s14 =	simm.s32 $0x40;
	s12 =	simm.s32 $0x20;
	[sflag:s5] =	ssyncset.done $0x0  }
.LBB2_4:
0xb9: {  	s15 =	sadd.s32 s12, s21  }
0xba: {  	[sflag:s5] =	ssyncadd.s32 $0xFFFFD800;
	s18 =	smov.u32 s14;
	s19 =	sadd.s32 $0x20, s14  }
0xbb: {  	[tilespmem:s26], [sflag:$0x1] =	stream.linear.gather [hbm4b:s15+s3], $0x80, $0x38;
	[tilespmem:$0x1B180] =	vst v63  }
0xbc: {  	p3 =	sne.s32 s14, $0x7A0;
	s14 =	sadd.s32 s12, s22;
	s12 =	smov.u32 s18  }
0xbd: {  	[tilespmem:s28], [sflag:$0x1] =	stream.linear.gather [hbm4b:s14+s3], $0x80, $0x38;
	[tilespmem:$0x1B180] =	vst v63  }
0xbe: {  	_ = 	snop  }
0xbf: {  	[tilespmem:s29], [sflag:$0x2] =	stream.linear.gather [hbm4b:s13+s3], $0x2800, $0x38;
	[tilespmem:$0x1B180] =	vst v63  }
0xc0: {  	s14 =	sadd.s32 $0x500, s13  }
0xc1: {  	[tilespmem:s30], [sflag:$0x2] =	stream.linear.gather [hbm4b:s14+s3], $0x2800, $0x38;
	[tilespmem:$0x1B180] =	vst v63  }
0xc2: {  	_ =	swait.ge [sflag:s31], $0x80  }
0xc3: {  	[sflag:s31] =	ssyncset.done $0x0  }
0xc4: {  	[sflag:s31] =	ssyncadd.s32 $0xFFFFFF80  }
0xc5: {  	_ =	swait.ge [sflag:s0], $0x2800  }
0xc6: {  	[sflag:s0] =	ssyncset.done $0x0  }
0xc7: {  	[sflag:s0] =	ssyncadd.s32 $0xFFFFD800  }
0xc8: {  	[spmem:s2] =	stream.indirect.scatter.add.f32 [tilespmem:s29], [sflag:$0x3], $0x80, s26, s4, $0xb8;
	[tilespmem:$0x1B180] =	vst v63  }
0xc9: {  	_ =	swait.ge [sflag:s31], $0x80  }
0xca: {  	[sflag:s31] =	ssyncset.done $0x0  }
0xcb: {  	[sflag:s31] =	ssyncadd.s32 $0xFFFFFF80  }
0xcc: {  	_ =	swait.ge [sflag:s0], $0x2800  }
0xcd: {  	[sflag:s0] =	ssyncset.done $0x0  }
0xce: {  	[sflag:s0] =	ssyncadd.s32 $0xFFFFD800  }
0xcf: {  	[spmem:s2] =	stream.indirect.scatter.add.f32 [tilespmem:s30], [sflag:$0x3], $0x80, s28, s4, $0xb8;
	[tilespmem:$0x1B180] =	vst v63  }
.Ltmp1:
0xd0: {  	_ =	swait.ge [sflag:s5], $0x2800;
	(pc) =	sbr.rel @p3 .LBB2_4-.Ltmp1, $4  }
0xd1: {  	[sflag:s5] =	ssyncset.done $0x0  }
0xd2: {  	[sflag:s5] =	ssyncadd.s32 $0xFFFFD800  }
0xd3: {  	_ =	swait.ge [sflag:s5], $0x2800  }
0xd4: {  	s13 =	sadd.s32 $0xA00, s13;
	s14 =	smov.u32 s19;
	[sflag:s5] =	ssyncset.done $0x0  }
0xd5: {  	s14 =	sadd.s32 s12, s21;
	[sflag:s5] =	ssyncadd.s32 $0xFFFFD800  }
0xd6: {  	[tilespmem:s26], [sflag:$0x1] =	stream.linear.gather [hbm4b:s14+s3], $0x80, $0x38;
	[tilespmem:$0x1B180] =	vst v63  }
0xd7: {  	s19 =	sadd.s32 s12, s22  }
0xd8: {  	[tilespmem:s28], [sflag:$0x1] =	stream.linear.gather [hbm4b:s19+s3], $0x80, $0x38;
	[tilespmem:$0x1B180] =	vst v63  }
0xd9: {  	_ = 	snop  }
0xda: {  	[tilespmem:s29], [sflag:$0x2] =	stream.linear.gather [hbm4b:s13+s3], $0x2800, $0x38;
	[tilespmem:$0x1B180] =	vst v63  }
0xdb: {  	s14 =	sadd.s32 $0x500, s13  }
0xdc: {  	[tilespmem:s30], [sflag:$0x2] =	stream.linear.gather [hbm4b:s14+s3], $0x2800, $0x38;
	[tilespmem:$0x1B180] =	vst v63  }
0xdd: {  	_ =	swait.ge [sflag:s31], $0x80  }
0xde: {  	[sflag:s31] =	ssyncset.done $0x0  }
0xdf: {  	[sflag:s31] =	ssyncadd.s32 $0xFFFFFF80  }
0xe0: {  	_ =	swait.ge [sflag:s0], $0x2800  }
0xe1: {  	[sflag:s0] =	ssyncset.done $0x0  }
0xe2: {  	[sflag:s0] =	ssyncadd.s32 $0xFFFFD800  }
0xe3: {  	[spmem:s2] =	stream.indirect.scatter.add.f32 [tilespmem:s29], [sflag:$0x3], $0x80, s26, s4, $0xb8;
	[tilespmem:$0x1B180] =	vst v63  }
0xe4: {  	_ =	swait.ge [sflag:s31], $0x80  }
0xe5: {  	[sflag:s31] =	ssyncset.done $0x0  }
0xe6: {  	[sflag:s31] =	ssyncadd.s32 $0xFFFFFF80  }
0xe7: {  	_ =	swait.ge [sflag:s0], $0x2800  }
0xe8: {  	[sflag:s0] =	ssyncset.done $0x0  }
0xe9: {  	[sflag:s0] =	ssyncadd.s32 $0xFFFFD800  }
0xea: {  	[spmem:s2] =	stream.indirect.scatter.add.f32 [tilespmem:s30], [sflag:$0x3], $0x80, s28, s4, $0xb8;
	[tilespmem:$0x1B180] =	vst v63  }
0xeb: {  	_ =	swait.ge [sflag:s5], $0x2800  }
0xec: {  	[sflag:s5] =	ssyncset.done $0x0  }
0xed: {  	[sflag:s5] =	ssyncadd.s32 $0xFFFFD800  }
0xee: {  	_ =	swait.ge [sflag:s5], $0x2800  }
0xef: {  	[sflag:s5] =	ssyncset.done $0x0  }
0xf0: {  	[sflag:s5] =	ssyncadd.s32 $0xFFFFD800  }
0xf1: {  	[tilespmem:s26], [sflag:$0x4] =	stream.linear.gather [hbm4b:s6+s3], $0x80, $0x38;
	[tilespmem:$0x1B180] =	vst v63  }
0xf2: {  	_ =	swait.ge [sflag:s25], $0x80  }
0xf3: {  	[sflag:s25] =	ssyncset.done $0x0  }
0xf4: {  	s15 =	rddreg [dreg:$0xd];
	[sflag:s25] =	ssyncadd.s32 $0xFFFFFF80  }
0xf5: {  	[tilespmem:s29], [sflag:$0x4] =	stream.linear.gather [hbm4b:s15+s3], $0x2800, $0x38;
	[tilespmem:$0x1B180] =	vst v63  }
0xf6: {  	_ =	swait.ge [sflag:s25], $0x2800  }
0xf7: {  	[sflag:s25] =	ssyncset.done $0x0  }
0xf8: {  	[sflag:s25] =	ssyncadd.s32 $0xFFFFD800  }
0xf9: {  	[spmem:s2] =	stream.indirect.scatter.add.f32 [tilespmem:s29], [sflag:$0x4], $0x80, s26, s4, $0xb8;
	[tilespmem:$0x1B180] =	vst v63  }
0xfa: {  	_ =	swait.ge [sflag:s25], $0x2800  }
0xfb: {  	[sflag:s25] =	ssyncset.done $0x0  }
0xfc: {  	[sflag:s25] =	ssyncadd.s32 $0xFFFFD800  }
0xfd: {  	[bflag:$0x0] =	sbarrier.arrive $0xFFFF  }
0xfe: {  	s18 =	rddreg [dreg:$0x8]  }
0xff: {  	[hbm:s18], [sflag:s8] =	dma.local [spmem:s9], $0x2700  }
0x100: {  	_ =	swait.ge [sflag:s25], $0x2700  }
0x101: {  	[sflag:s25] =	ssyncset.done $0x0  }
0x102: {  	[sflag:s25] =	ssyncadd.s32 $0xFFFFD900  }
0x103: {  	[bflag:$0x0] =	sbarrier.arrive @p1 $0xFFFF  }
0x104: {  	[spmem:s11], [sflag:s8] =	dma.local @!p2 [hbm:s1], $0x27100  }
0x105: {  	s11 =	simm.s32 @!p2 $0x4  }
0x106: {  	_ =	swait.ge @!p2 [sflag:s11], $0x27100  }
0x107: {  	[sflag:s11] =	ssyncset.done @!p2 $0x0  }
0x108: {  	[sflag:s11] =	ssyncadd.s32 @!p2 $0xFFFD8F00;
	s11 =	rddreg [dreg:$0x9]  }
0x109: {  	[hbm:s11], [sflag:s8] =	dma.local @!p1 [spmem:s10], $0x100  }
0x10a: {  	s11 =	simm.s32 @!p1 $0x4  }
0x10b: {  	_ =	swait.ge @!p1 [sflag:s11], $0x100  }
0x10c: {  	[sflag:s11] =	ssyncset.done @!p1 $0x0  }
0x10d: {  	[sflag:s11] =	ssyncadd.s32 @!p1 $0xFFFFFF00  }
0x10e: {  	[bflag:$0x0] =	sbarrier.arrive @!p1 $0xFFFF  }
0x10f: {  	s19 =	sadd.s32 $0x0, s23;
	[bflag:$0x0] =	sbarrier.arrive $0xFFFF  }
0x110: {  	[tilespmem:s26], [sflag:$0x1] =	stream.linear.gather [hbm4b:s19+s3], $0x80, $0x38;
	[tilespmem:$0x1B180] =	vst v63  }
0x111: {  	s11 =	sadd.s32 $0x10, s19  }
0x112: {  	[tilespmem:s28], [sflag:$0x1] =	stream.linear.gather [hbm4b:s11+s3], $0x80, $0x38;
	[tilespmem:$0x1B180] =	vst v63  }
0x113: {  	_ =	swait.ge [sflag:s31], $0x80  }
0x114: {  	[sflag:s31] =	ssyncset.done $0x0  }
0x115: {  	[sflag:s31] =	ssyncadd.s32 $0xFFFFFF80  }
0x116: {  	[spmem:s2] =	stream.indirect.scatter.add.f32 [tilespmem:s24], [sflag:$0x3], $0x80, s26, s4, $0xb8;
	[tilespmem:$0x1B180] =	vst v63  }
0x117: {  	_ =	swait.ge [sflag:s31], $0x80  }
0x118: {  	[sflag:s31] =	ssyncset.done $0x0  }
0x119: {  	[sflag:s31] =	ssyncadd.s32 $0xFFFFFF80  }
0x11a: {  	[spmem:s2] =	stream.indirect.scatter.add.f32 [tilespmem:s24], [sflag:$0x3], $0x80, s28, s4, $0xb8;
	[tilespmem:$0x1B180] =	vst v63  }
0x11b: {  	_ =	swait.ge [sflag:s5], $0x2800  }
0x11c: {  	[sflag:s5] =	ssyncset.done $0x0  }
0x11d: {  	[sflag:s5] =	ssyncadd.s32 $0xFFFFD800  }
0x11e: {  	_ =	swait.ge [sflag:s5], $0x2800  }
0x11f: {  	s12 =	simm.s32 $0x40;
	s11 =	simm.s32 $0x20;
	[sflag:s5] =	ssyncset.done $0x0  }
.LBB2_6:
0x120: {  	s13 =	sadd.s32 s11, s23  }
0x121: {  	[sflag:s5] =	ssyncadd.s32 $0xFFFFD800;
	s11 =	smov.u32 s12;
	s14 =	sadd.s32 $0x20, s12  }
0x122: {  	[tilespmem:s26], [sflag:$0x1] =	stream.linear.gather [hbm4b:s13+s3], $0x80, $0x38;
	[tilespmem:$0x1B180] =	vst v63  }
0x123: {  	p3 =	sne.s32 s12, $0x7A0;
	s12 =	sadd.s32 $0x10, s13  }
0x124: {  	[tilespmem:s28], [sflag:$0x1] =	stream.linear.gather [hbm4b:s12+s3], $0x80, $0x38;
	[tilespmem:$0x1B180] =	vst v63  }
0x125: {  	_ =	swait.ge [sflag:s31], $0x80  }
0x126: {  	[sflag:s31] =	ssyncset.done $0x0  }
0x127: {  	[sflag:s31] =	ssyncadd.s32 $0xFFFFFF80  }
0x128: {  	[spmem:s2] =	stream.indirect.scatter.add.f32 [tilespmem:s24], [sflag:$0x3], $0x80, s26, s4, $0xb8;
	[tilespmem:$0x1B180] =	vst v63  }
0x129: {  	_ =	swait.ge [sflag:s31], $0x80  }
0x12a: {  	[sflag:s31] =	ssyncset.done $0x0  }
0x12b: {  	[sflag:s31] =	ssyncadd.s32 $0xFFFFFF80  }
0x12c: {  	[spmem:s2] =	stream.indirect.scatter.add.f32 [tilespmem:s24], [sflag:$0x3], $0x80, s28, s4, $0xb8;
	[tilespmem:$0x1B180] =	vst v63  }
.Ltmp2:
0x12d: {  	_ =	swait.ge [sflag:s5], $0x2800;
	(pc) =	sbr.rel @p3 .LBB2_6-.Ltmp2, $4  }
0x12e: {  	[sflag:s5] =	ssyncset.done $0x0  }
0x12f: {  	[sflag:s5] =	ssyncadd.s32 $0xFFFFD800  }
0x130: {  	_ =	swait.ge [sflag:s5], $0x2800  }
0x131: {  	s12 =	smov.u32 s14;
	[sflag:s5] =	ssyncset.done $0x0  }
0x132: {  	s11 =	sadd.s32 s11, s23;
	[sflag:s5] =	ssyncadd.s32 $0xFFFFD800  }
0x133: {  	[tilespmem:s26], [sflag:$0x1] =	stream.linear.gather [hbm4b:s11+s3], $0x80, $0x38;
	[tilespmem:$0x1B180] =	vst v63  }
0x134: {  	s11 =	sadd.s32 $0x10, s11  }
0x135: {  	[tilespmem:s28], [sflag:$0x1] =	stream.linear.gather [hbm4b:s11+s3], $0x80, $0x38;
	[tilespmem:$0x1B180] =	vst v63  }
0x136: {  	_ =	swait.ge [sflag:s31], $0x80  }
0x137: {  	[sflag:s31] =	ssyncset.done $0x0  }
0x138: {  	[sflag:s31] =	ssyncadd.s32 $0xFFFFFF80  }
0x139: {  	[spmem:s2] =	stream.indirect.scatter.add.f32 [tilespmem:s24], [sflag:$0x3], $0x80, s26, s4, $0xb8;
	[tilespmem:$0x1B180] =	vst v63  }
0x13a: {  	_ =	swait.ge [sflag:s31], $0x80  }
0x13b: {  	[sflag:s31] =	ssyncset.done $0x0  }
0x13c: {  	[sflag:s31] =	ssyncadd.s32 $0xFFFFFF80  }
0x13d: {  	[spmem:s2] =	stream.indirect.scatter.add.f32 [tilespmem:s24], [sflag:$0x3], $0x80, s28, s4, $0xb8;
	[tilespmem:$0x1B180] =	vst v63  }
0x13e: {  	_ =	swait.ge [sflag:s5], $0x2800  }
0x13f: {  	[sflag:s5] =	ssyncset.done $0x0  }
0x140: {  	[sflag:s5] =	ssyncadd.s32 $0xFFFFD800  }
0x141: {  	_ =	swait.ge [sflag:s5], $0x2800  }
0x142: {  	[sflag:s5] =	ssyncset.done $0x0  }
0x143: {  	s18 =	rddreg [dreg:$0xf];
	[sflag:s5] =	ssyncadd.s32 $0xFFFFD800  }
0x144: {  	[tilespmem:s26], [sflag:$0x4] =	stream.linear.gather [hbm4b:s18+s3], $0x80, $0x38;
	[tilespmem:$0x1B180] =	vst v63  }
0x145: {  	_ =	swait.ge [sflag:s25], $0x80  }
0x146: {  	[sflag:s25] =	ssyncset.done $0x0  }
0x147: {  	[sflag:s25] =	ssyncadd.s32 $0xFFFFFF80  }
0x148: {  	[spmem:s2] =	stream.indirect.scatter.add.f32 [tilespmem:s24], [sflag:$0x4], $0x80, s26, s4, $0xb8;
	[tilespmem:$0x1B180] =	vst v63  }
0x149: {  	_ =	swait.ge [sflag:s25], $0x2800  }
0x14a: {  	[sflag:s25] =	ssyncset.done $0x0  }
0x14b: {  	[sflag:s25] =	ssyncadd.s32 $0xFFFFD800  }
0x14c: {  	[bflag:$0x0] =	sbarrier.arrive $0xFFFF  }
0x14d: {  	s19 =	rddreg [dreg:$0xa]  }
0x14e: {  	[hbm:s19], [sflag:s8] =	dma.local [spmem:s9], $0x2700  }
0x14f: {  	_ =	swait.ge [sflag:s25], $0x2700  }
0x150: {  	s7 =	sadd.s32 $0x1, s7;
	[sflag:s25] =	ssyncset.done $0x0  }
0x151: {  	p3 =	sne.s32 s7, s20;
	s9 =	rddreg [dreg:$0xb];
	[sflag:s25] =	ssyncadd.s32 $0xFFFFD900  }
0x152: {  	[hbm:s9], [sflag:s8] =	dma.local @!p1 [spmem:s10], $0x100  }
.Ltmp3:
0x153: {  	_ = 	snop;
	(pc) =	sbr.rel @p3 .LBB2_1-.Ltmp3, $4  }
0x154: {  	s8 =	simm.s32 @!p1 $0x4  }
0x155: {  	_ =	swait.ge @!p1 [sflag:s8], $0x100  }
0x156: {  	[sflag:s8] =	ssyncset.done @!p1 $0x0  }
0x157: {  	[sflag:s8] =	ssyncadd.s32 @!p1 $0xFFFFFF00  }
0x158: {  	_ =	sfence.sel $0x180000  }
0x159: {  	[bflag:$0x0] =	sbarrier.arrive $0xFFFF  }
0x15a: {  	_ =	strace $0x9000004A  }
0x15b: {  	[bflag:$0x2] =	sbarrier.arrive $0xFFFF  }
0x15c: {  	s0 =	rddreg [dreg:$0x3]  }
0x15d: {  	s0 =	sadd.s32 @!p0 $0x100000, s0  }
0x15e: {  	[sflag:s0] =	ssyncadd.tile.s32 @!p0 $0x1;
	_ =	shalt  }
.Lfunc_end2:
_tile_overlayer_lowered:
.L_overlay_start_2:
0x15f: {  	(tag) =	ssettag $0x2  }
0x160: {  	s0 =	rddreg [dreg:$0x0];
	s2 =	stileid.u32  }
0x161: {  	s1 =	rddreg [dreg:$0x1];
	p0 =	sne.s32 s2, $0x0  }
0x162: {  	s3 =	rddreg [dreg:$0x2];
	[bflag:$0x3] =	sbarrier.arrive $0xFFFF;
	s2 =	simm.s32 @!p0 $0x1C04  }
0x163: {  	[timem:s3], [sflag:s2] =	dma.local @!p0 [hbm:s0], s1  }
0x164: {  	s0 =	simm.s32 @!p0 $0x4  }
0x165: {  	_ =	swait.ge @!p0 [sflag:s0], s1  }
0x166: {  	s1 =	ssub.s32 @!p0 $0x0, s1;
	[sflag:s0] =	ssyncset.done @!p0 $0x0  }
0x167: {  	[sflag:s0] =	ssyncadd.s32 @!p0 s1  }
0x168: {  	[bflag:$0x3] =	sbarrier.arrive $0xFFFF  }
0x169: {  	_ =	shalt  }

// kernel: kernel.7.cloned.1.call-start
scs
__scs_entry_jumppad:
0x0: {  	(pc) =	sbr.rel $0x88, $3  }
0x1: {  	(tag) =	ssettag $0x0;
	lr =	simm.s32 $0x1  }
0x2: {  	[smem:$0x3F88] =	sst lr;
	_ =	strace $0xD0000000  }
0x3: {  	_ = 	snop  }
0x4: {  	_ = 	snop  }
0x5: {  	_ = 	snop  }
0x6: {  	_ = 	snop  }
0x7: {  	_ = 	snop  }
__scs_overlays_trampoline_lowered:
0x8: {  	[smem:$0x3F97] =	sst s0  }
0x9: {  	[smem:$0x3F98] =	sst s1  }
0xa: {  	[smem:$0x3F99] =	sst s2  }
0xb: {  	[smem:$0x3F9A] =	sst s3  }
0xc: {  	[smem:$0x3F9B] =	sst s4  }
0xd: {  	[smem:$0x3F9C] =	sst s5  }
0xe: {  	[smem:$0x3F9D] =	sst s6  }
0xf: {  	[smem:$0x3F9E] =	sst s7  }
0x10: {  	[smem:$0x3F9F] =	sst s8  }
0x11: {  	[smem:$0x3FA0] =	sst s9;
	s0 =	simm.s32 @!p0 $0x0  }
0x12: {  	s1 =	sld [smem:$0x3F86];
	s0 =	simm.s32 @p0 $0x1  }
0x13: {  	[smem:$0x3FA1] =	sst s0;
	s0 =	simm.s32 @!p1 $0x0  }
0x14: {  	s2 =	sld [smem:$0x3F85];
	s0 =	simm.s32 @p1 $0x1  }
0x15: {  	[smem:$0x3FA2] =	sst s0;
	s0 =	simm.s32 @!p2 $0x0  }
0x16: {  	s3 =	sld [smem:$0x3FDB];
	s0 =	simm.s32 @p2 $0x1  }
0x17: {  	s4 =	simm.s32 $0x1BF5;
	[smem:$0x3FA4] =	sst s0  }
0x18: {  	s0 =	sld [smem:$0x3F87];
	_ =	swait.ge [sflag:s4], $0x0  }
0x19: {  	s7 =	sld [smem:$0x3F88]  }
0x1a: {  	s8 =	sadd.s32 $0xFFFFE003, lr  }
0x1b: {  	s9 =	sadd.s32 $0xFFFFFEF7, lr;
	s5 =	simm.s32 $0xFFFFFFFF;
	p2 =	slt.u32 s8, $0xFFFFF086  }
0x1c: {  	p1 =	slt.u32 s9, $0xF7A;
	s5 =	simm.s32 @!p2 $0x0  }
0x1d: {  	s5 =	simm.s32 @p1 $0x1;
	p0 =	seq.s32 s7, s2  }
0x1e: {  	s7 =	smul.u32 @!p0 $0xF7A, s2;
	p2 =	seq.s32 @!p0 s5, $0x0  }
0x1f: {  	s9 =	smul.u32 $0xF7A, s1;
	s8 =	simm.s32 @!p0 $0x1BF5;
	p2 =	por !p2, p0  }
0x20: {  	[sflag:s8] =	ssyncset.s32 @!p0 $0xFFFFF086;
	s6 =	sadd.s32 @!p0 s3, s7;
	s7 =	simm.s32 @!p0 $0x108  }
0x21: {  	s3 =	sadd.s32 s3, s9;
	s6 =	sadd.s32 @!p0 $0x88, s6;
	s7 =	simm.s32 @p2 $0x1082  }
0x22: {  	[simem:s7], [sflag:s8] =	dma.local @!p0 [hbm:s6], $0xF7A  }
0x23: {  	s9 =	sor.u32 $0xD0000000, s2;
	s6 =	simm.s32 $0x108;
	_ =	swait.ge @!p0 [sflag:s8], $0x0  }
0x24: {  	s3 =	sadd.s32 $0x88, s3;
	s6 =	simm.s32 @!p1 $0x1082;
	[sflag:s4] =	ssyncset.s32 $0xFFFFF086  }
0x25: {  	[simem:s6], [sflag:s4] =	dma.local [hbm:s3], $0xF7A  }
0x26: {  	[smem:$0x3F88] =	sst s1;
	(tag) =	ssettag s2;
	_ =	strace s9  }
0x27: {  	s1 =	sld [smem:$0x3F98]  }
0x28: {  	s2 =	sld [smem:$0x3F99]  }
0x29: {  	s4 =	sld [smem:$0x3F9B]  }
0x2a: {  	p0 =	seq.s32 s5, $0x0;
	s5 =	sld [smem:$0x3F9C]  }
0x2b: {  	s6 =	sld [smem:$0x3F9D]  }
0x2c: {  	s7 =	sld [smem:$0x3F9E]  }
0x2d: {  	s3 =	simm.s32 $0x108;
	s8 =	sld [smem:$0x3F9F]  }
0x2e: {  	s3 =	simm.s32 @!p0 $0x1082;
	s9 =	sld [smem:$0x3FA0]  }
0x2f: {  	lr =	sadd.s32 s0, s3;
	s0 =	sld [smem:$0x3F97]  }
0x30: {  	s3 =	sld [smem:$0x3F9A]  }
0x31: {  	[smem:$0x3FA3] =	sst s10  }
0x32: {  	s10 =	sld [smem:$0x3FA1];
	_ =	sdelay $0x3  }
0x33: {  	p0 =	seq.s32 s10, $0x1;
	s10 =	sld [smem:$0x3FA3];
	_ =	sdelay $0x3  }
0x34: {  	[smem:$0x3FA3] =	sst s10  }
0x35: {  	s10 =	sld [smem:$0x3FA2];
	_ =	sdelay $0x3  }
0x36: {  	p1 =	seq.s32 s10, $0x1;
	s10 =	sld [smem:$0x3FA3];
	_ =	sdelay $0x3  }
0x37: {  	[smem:$0x3FA3] =	sst s10  }
0x38: {  	s10 =	sld [smem:$0x3FA4]  }
0x39: {  	_ = 	snop;
	(pc) =	sbr.ind lr, $3  }
0x3a: {  	_ = 	snop  }
0x3b: {  	_ = 	snop  }
0x3c: {  	p2 =	seq.s32 s10, $0x1;
	s10 =	sld [smem:$0x3FA3]  }
0x3d: {  	_ =	shalt  }
0x3e: {  	_ =	shalt  }
0x3f: {  	_ =	shalt  }
0x40: {  	_ =	shalt  }
0x41: {  	_ =	shalt  }
0x42: {  	_ =	shalt  }
0x43: {  	_ =	shalt  }
0x44: {  	_ =	shalt  }
0x45: {  	_ =	shalt  }
0x46: {  	_ =	shalt  }
0x47: {  	_ =	shalt  }
0x48: {  	_ =	shalt  }
0x49: {  	_ =	shalt  }
0x4a: {  	_ =	shalt  }
0x4b: {  	_ =	shalt  }
0x4c: {  	_ =	shalt  }
0x4d: {  	_ =	shalt  }
0x4e: {  	_ =	shalt  }
0x4f: {  	_ =	shalt  }
0x50: {  	_ =	shalt  }
0x51: {  	_ =	shalt  }
0x52: {  	_ =	shalt  }
0x53: {  	_ =	shalt  }
0x54: {  	_ =	shalt  }
0x55: {  	_ =	shalt  }
0x56: {  	_ =	shalt  }
0x57: {  	_ =	shalt  }
0x58: {  	_ =	shalt  }
0x59: {  	_ =	shalt  }
0x5a: {  	_ =	shalt  }
0x5b: {  	_ =	shalt  }
0x5c: {  	_ =	shalt  }
0x5d: {  	_ =	shalt  }
0x5e: {  	_ =	shalt  }
0x5f: {  	_ =	shalt  }
0x60: {  	_ =	shalt  }
0x61: {  	_ =	shalt  }
0x62: {  	_ =	shalt  }
0x63: {  	_ =	shalt  }
0x64: {  	_ =	shalt  }
0x65: {  	_ =	shalt  }
0x66: {  	_ =	shalt  }
0x67: {  	_ =	shalt  }
0x68: {  	_ =	shalt  }
0x69: {  	_ =	shalt  }
0x6a: {  	_ =	shalt  }
0x6b: {  	_ =	shalt  }
0x6c: {  	_ =	shalt  }
0x6d: {  	_ =	shalt  }
0x6e: {  	_ =	shalt  }
0x6f: {  	_ =	shalt  }
0x70: {  	_ =	shalt  }
0x71: {  	_ =	shalt  }
0x72: {  	_ =	shalt  }
0x73: {  	_ =	shalt  }
0x74: {  	_ =	shalt  }
0x75: {  	_ =	shalt  }
0x76: {  	_ =	shalt  }
0x77: {  	_ =	shalt  }
0x78: {  	_ =	shalt  }
0x79: {  	_ =	shalt  }
0x7a: {  	_ =	shalt  }
0x7b: {  	_ =	shalt  }
0x7c: {  	_ =	shalt  }
0x7d: {  	_ =	shalt  }
0x7e: {  	_ =	shalt  }
0x7f: {  	_ =	shalt  }
0x80: {  	_ =	shalt  }
0x81: {  	_ =	shalt  }
0x82: {  	_ =	shalt  }
0x83: {  	_ =	shalt  }
0x84: {  	_ =	shalt  }
0x85: {  	_ =	shalt  }
0x86: {  	_ =	shalt  }
0x87: {  	_ =	shalt  }
.Lfunc_end0:
.L_simem_size_0:
called_computation_lowered:
.L_overlay_start_0:
0x88: {  	s2 =	sld [smem:$0x3FD9]  }
0x89: {  	s3 =	sld [smem:$0x3FFE];
	_ =	sdelay $0x1  }
0x8a: {  	s1 =	srdreg.scid  }
0x8b: {  	s0 =	sand.u32 $0x1, s1  }
0x8c: {  	s14 =	sshll.u32 s0, $0xA;
	s2 =	sadd.s32 s3, s2  }
0x8d: {  	s2 =	sadd.s32 s2, s14  }
0x8e: {  	[smem:$0x3FAF] =	sst s2  }
0x8f: {  	_ = 	snop  }
0x90: {  	s2 =	sld [smem:$0x3FD0];
	_ =	sdelay $0x2  }
0x91: {  	s15 =	simm.s32 $0xA;
	s4 =	simm.s32 $0x10  }
0x92: {  	[smem:s4], [sflag:s15] =	dma.local [hbm:s2], $0x1  }
0x93: {  	_ =	swait.eq [sflag:s15], $0x1  }
0x94: {  	[sflag:s15] =	ssyncset.done $0x0  }
0x95: {  	[sflag:s15] =	ssyncadd.s32 $0xFFFFFFFF  }
0x96: {  	s16 =	sld [smem:$0x11];
	(tm) =	ssettm $0x1  }
0x97: {  	s17 =	sld [smem:$0x3FFB];
	_ =	sdelay $0x3  }
0x98: {  	_ =	strace s17  }
0x99: {  	s3 =	sld [smem:$0x3FFC];
	_ =	sdelay $0x3  }
0x9a: {  	_ =	strace s3  }
0x9b: {  	s3 =	sld [smem:$0x3FFD];
	_ =	sdelay $0x3  }
0x9c: {  	_ =	strace s3  }
0x9d: {  	_ =	strace $0x8FFFFFFF  }
0x9e: {  	s18 =	sld [smem:$0x3FDB];
	_ =	sdelay $0x1  }
0x9f: {  	s19 =	simm.s32 $_scs_section_size  }
0xa0: {  	s5 =	simm.s32 $_size__tile_overlayer_lowered;
	s6 =	simm.s32 $_tile_overlayer_lowered  }
0xa1: {  	s22 =	simm.s32 $0x1BFF;
	s21 =	sshll.u32 s6, $0x1;
	s3 =	sadd.s32 s19, s18  }
0xa2: {  	s7 =	simm.s32 $0x0;
	s20 =	sshll.u32 s5, $0x1;
	s5 =	sadd.s32 s21, s3  }
0xa3: {  	[timem:s7], [sflag:s22] =	dma.local [hbm:s5], s20  }
0xa4: {  	_ =	swait.ge [sflag:s22], s20  }
0xa5: {  	s4 =	ssub.s32 $0x0, s20;
	[sflag:s22] =	ssyncset.done $0x0  }
0xa6: {  	[sflag:s22] =	ssyncadd.s32 s4;
	_ =	sdelay $0x1  }
0xa7: {  	s23 =	simm.s32 $0x1B8B  }
0xa8: {  	_ =	swait.ge [sflag:s23], $0x1  }
0xa9: {  	[sflag:s23] =	ssyncset.done $0x0  }
0xaa: {  	s25 =	simm.s32 $0x1B8E;
	s24 =	sld [smem:$0x3FFE];
	[sflag:s23] =	ssyncadd.s32 $0xFFFFFFFF  }
0xab: {  	s26 =	simm.s32 $execute0_lowered;
	[smem:$0x3FD2] =	sst s25  }
0xac: {  	s5 =	sshll.u32 s26, $0x1;
	_ =	strace $0x80000046;
	[dreg:$0x1] =	wrdreg $0xFFFFFFFF  }
0xad: {  	s28 =	simm.s32 $_size_execute0_lowered;
	s3 =	sadd.s32 s3, s5;
	[dreg:$0x0] =	wrdreg $0x0  }
0xae: {  	s5 =	sshll.u32 s28, $0x1;
	[dreg:$0x2] =	wrdreg s3  }
0xaf: {  	[dreg:$0x3] =	wrdreg s5  }
0xb0: {  	[dreg:$0x4] =	wrdreg $0xC0  }
0xb1: {  	_ =	task [dreg:s7], $0x5FFFF  }
0xb2: {  	[dreg:$0x1] =	wrdreg $0xFFFFFFFF  }
0xb3: {  	[dreg:$0x0] =	wrdreg $0x60  }
0xb4: {  	[dreg:$0x2] =	wrdreg s16  }
0xb5: {  	[dreg:$0x3] =	wrdreg s24  }
0xb6: {  	[dreg:$0x4] =	wrdreg $0x9  }
0xb7: {  	_ =	task.clear_ibuf [dreg:s7], $0x5FFFF;
	_ =	strace $0x90000046  }
0xb8: {  	s29 =	simm.s32 $0x9;
	_ =	strace $0x80000048  }
0xb9: {  	_ =	swait.ge [sflag:s29], $0x1  }
0xba: {  	[sflag:s29] =	ssyncadd.s32 $0xFFFFFFFF  }
0xbb: {  	_ =	strace $0x90000048  }
0xbc: {  	_ =	sfence  }
0xbd: {  	s30 =	sld [smem:$0x0];
	_ =	sdelay $0x2  }
0xbe: {  	s31 =	sshll.u32 s1, $0xD;
	s1 =	sshrl.u32 s1, $0x2  }
0xbf: {  	s3 =	sand.u32 $0x4000, s31;
	s1 =	sadd.s32 s1, s30  }
0xc0: {  	s0 =	sor.u32 s3, s0;
	s1 =	sshll.u32 s1, $0x11  }
0xc1: {  	s0 =	sor.u32 s1, s0  }
0xc2: {  	s0 =	sadd.s32 $0x8F2B, s0  }
0xc3: {  	[sflag:s0] =	ssyncadd.remote.s32 $0x1  }
0xc4: {  	_ =	sfence.sel $0xFFFF  }
0xc5: {  	[dreg:$0x0] =	wrdreg $0xFFFFFFFF;
	(pc) =	sbr.abs _section_cstart, $3  }
0xc6: {  	[dreg:$0x1] =	wrdreg $0xFFFFFFFF  }
0xc7: {  	_ =	task.clear_ibuf [dreg:s7], $0x2FFFF;
	_ =	strace $0x9FFFFFFF  }
0xc8: {  	(tm) =	ssettm $0x7FFFFFFF  }
0xc9: {  	_ =	shalt  }
tec
execute0_lowered:
.L_overlay_start_1:
0x0: {  	(tag) =	ssettag $0x1  }
0x1: {  	s2 =	rddreg [dreg:$0x0];
	s1 =	srdreg.scid  }
0x2: {  	s0 =	stileid.u32;
	s5 =	rddreg [dreg:$0x1]  }
0x3: {  	s3 =	simm.s32 $0x0;
	s15 =	simm.s32 $0x4F00;
	s16 =	simm.s32 $0x7700  }
0x4: {  	s17 =	simm.s32 $0x9F00;
	s18 =	simm.s32 $0xC700;
	s19 =	simm.s32 $0x1  }
0x5: {  	s20 =	simm.s32 $0x2;
	s21 =	simm.s32 $0x26C0;
	s22 =	simm.s32 $0x4E40  }
0x6: {  	s23 =	simm.s32 $0x0;
	s8 =	sand.u32 $0x1, s1;
	s1 =	rddreg [dreg:$0x2]  }
0x7: {  	s4 =	sshll.u32 s0, $0x1;
	[smem:$0x7FF] =	sst s3;
	s13 =	smul.u32 $0x4E200, s0  }
0x8: {  	s10 =	sadd.s32 $0x42200, s5;
	s6 =	sor.u32 s8, s4;
	s14 =	smul.u32 $0x27100, s8  }
0x9: {  	s12 =	sadd.s32 $0x524200, s5;
	s9 =	ssub.s32 $0x2, s8;
	s7 =	smul.u32 $0x2710, s6  }
0xa: {  	_ =	strace $0x80000047;
	s6 =	smul.u32 $0x138800, s6;
	s11 =	sshrl.u32 s9, $0x1  }
0xb: {  	s4 =	sadd.s32 $0x1B000, s5;
	s31 =	sadd.s32 s13, s12;
	s9 =	ssub.s32 s9, s11  }
0xc: {  	s11 =	sadd.s32 s14, s31;
	s7 =	sshrl.u32 s7, $0x3;
	s6 =	sshrl.u32 s6, $0x3  }
0xd: {  	s9 =	smax.u32 s9, $0x1;
	s7 =	sadd.s32 s7, s5;
	s30 =	sadd.s32 $0x26C00, s6  }
0xe: {  	s5 =	sadd.s32 $0x11200, s7;
	s6 =	sadd.s32 $0x7400, s7;
	s7 =	sadd.s32 s10, s30  }
0xf: {  	s8 =	sadd.s32 s12, s30;
	s10 =	sadd.s32 s13, s10;
	s12 =	simm.s32 $0x3  }
0x10: {  	s13 =	simm.s32 $0x2780;
	s10 =	sadd.s32 s14, s10;
	s14 =	simm.s32 $0x50  }
.LBB2_1:
0x11: {  	[tilespmem:s3], [sflag:$0x3] =	stream.linear.gather [hbm4b:s5+s3], $0x2710, $0x38;
	[tilespmem:$0xEF00] =	vst v63  }
0x12: {  	_ =	swait.ge [sflag:s12], $0x2710  }
0x13: {  	[sflag:s12] =	ssyncset.done $0x0  }
0x14: {  	[sflag:s12] =	ssyncadd.s32 $0xFFFFD8F0  }
0x15: {  	[tilespmem:s13], [sflag:$0x3] =	stream.linear.gather [hbm4b:s6+s3], $0x2710, $0x38;
	[tilespmem:$0xEF00] =	vst v63  }
0x16: {  	_ =	swait.ge [sflag:s12], $0x2710  }
0x17: {  	[sflag:s12] =	ssyncset.done $0x0  }
0x18: {  	s24 =	simm.s32 $0x0;
	[sflag:s12] =	ssyncadd.s32 $0xFFFFD8F0  }
0x19: {  	[tilespmem:s15], [sflag:$0x1] =	stream.indirect.gather [hbm4b:s2+s14], $0x80, s24, s14, $0xb8;
	[tilespmem:$0xEF00] =	vst v63  }
0x1a: {  	s25 =	simm.s32 $0x2780  }
0x1b: {  	[tilespmem:s16], [sflag:$0x1] =	stream.indirect.gather [hbm4b:s4+s14], $0x80, s25, s14, $0xb8;
	[tilespmem:$0xEF00] =	vst v63  }
0x1c: {  	s26 =	simm.s32 $0x50  }
0x1d: {  	[tilespmem:s17], [sflag:$0x1] =	stream.indirect.gather [hbm4b:s2+s14], $0x80, s26, s14, $0xb8;
	[tilespmem:$0xEF00] =	vst v63  }
0x1e: {  	s28 =	simm.s32 $0x27D0  }
0x1f: {  	[tilespmem:s18], [sflag:$0x1] =	stream.indirect.gather [hbm4b:s4+s14], $0x80, s28, s14, $0xb8;
	[tilespmem:$0xEF00] =	vst v63  }
0x20: {  	_ =	swait.ge [sflag:s19], $0x2800  }
0x21: {  	[sflag:s19] =	ssyncset.done $0x0  }
0x22: {  	[sflag:s19] =	ssyncadd.s32 $0xFFFFD800  }
0x23: {  	_ =	swait.ge [sflag:s19], $0x2800  }
0x24: {  	[sflag:s19] =	ssyncset.done $0x0  }
0x25: {  	[sflag:s19] =	ssyncadd.s32 $0xFFFFD800  }
0x26: {  	[hbm4b:s10+s3] =	stream.linear.scatter [tilespmem:s15], [sflag:$0x2], $0x2800, $0x38;
	[tilespmem:$0xEF00] =	vst v63  }
0x27: {  	_ = 	snop  }
0x28: {  	[hbm4b:s11+s3] =	stream.linear.scatter [tilespmem:s16], [sflag:$0x2], $0x2800, $0x38;
	[tilespmem:$0xEF00] =	vst v63  }
0x29: {  	_ =	swait.ge [sflag:s19], $0x2800  }
0x2a: {  	[sflag:s19] =	ssyncset.done $0x0  }
0x2b: {  	[sflag:s19] =	ssyncadd.s32 $0xFFFFD800  }
0x2c: {  	_ =	swait.ge [sflag:s19], $0x2800  }
0x2d: {  	[sflag:s19] =	ssyncset.done $0x0  }
0x2e: {  	s30 =	sadd.s32 $0x500, s10;
	[sflag:s19] =	ssyncadd.s32 $0xFFFFD800  }
0x2f: {  	[hbm4b:s30+s3] =	stream.linear.scatter [tilespmem:s17], [sflag:$0x2], $0x2800, $0x38;
	[tilespmem:$0xEF00] =	vst v63  }
0x30: {  	s31 =	sadd.s32 $0x500, s11  }
0x31: {  	[hbm4b:s31+s3] =	stream.linear.scatter [tilespmem:s18], [sflag:$0x2], $0x2800, $0x38;
	[tilespmem:$0xEF00] =	vst v63  }
0x32: {  	_ =	swait.ge [sflag:s20], $0x2800  }
0x33: {  	[sflag:s20] =	ssyncset.done $0x0  }
0x34: {  	[sflag:s20] =	ssyncadd.s32 $0xFFFFD800  }
0x35: {  	_ =	swait.ge [sflag:s20], $0x2800  }
0x36: {  	[sflag:s20] =	ssyncset.done $0x0  }
0x37: {  	[sflag:s20] =	ssyncadd.s32 $0xFFFFD800  }
0x38: {  	_ =	swait.ge [sflag:s20], $0x2800  }
0x39: {  	[sflag:s20] =	ssyncset.done $0x0  }
0x3a: {  	[sflag:s20] =	ssyncadd.s32 $0xFFFFD800  }
0x3b: {  	s29 =	simm.s32 $0x500;
	s24 =	sadd.s32 $0xA00, s11;
	_ =	swait.ge [sflag:s20], $0x2800  }
0x3c: {  	s25 =	sadd.s32 $0xA00, s10;
	s26 =	simm.s32 $0x280;
	[sflag:s20] =	ssyncset.done $0x0  }
.LBB2_2:
0x3d: {  	s30 =	sshra.s32 s26, $0x2  }
0x3e: {  	[sflag:s20] =	ssyncadd.s32 $0xFFFFD800;
	s26 =	smov.u32 s29;
	s28 =	sadd.s32 $0x280, s29  }
0x3f: {  	[tilespmem:s15], [sflag:$0x1] =	stream.indirect.gather [hbm4b:s2+s14], $0x80, s30, s14, $0xb8;
	[tilespmem:$0xEF00] =	vst v63  }
0x40: {  	p0 =	sne.s32 s29, $0x9880;
	s29 =	sadd.s32 $0x2780, s30  }
0x41: {  	[tilespmem:s16], [sflag:$0x1] =	stream.indirect.gather [hbm4b:s4+s14], $0x80, s29, s14, $0xb8;
	[tilespmem:$0xEF00] =	vst v63  }
0x42: {  	s29 =	sadd.s32 $0x50, s30  }
0x43: {  	[tilespmem:s17], [sflag:$0x1] =	stream.indirect.gather [hbm4b:s2+s14], $0x80, s29, s14, $0xb8;
	[tilespmem:$0xEF00] =	vst v63  }
0x44: {  	s29 =	sadd.s32 $0x27D0, s30  }
0x45: {  	[tilespmem:s18], [sflag:$0x1] =	stream.indirect.gather [hbm4b:s4+s14], $0x80, s29, s14, $0xb8;
	[tilespmem:$0xEF00] =	vst v63  }
0x46: {  	_ =	swait.ge [sflag:s19], $0x2800  }
0x47: {  	[sflag:s19] =	ssyncset.done $0x0  }
0x48: {  	[sflag:s19] =	ssyncadd.s32 $0xFFFFD800  }
0x49: {  	_ =	swait.ge [sflag:s19], $0x2800  }
0x4a: {  	[sflag:s19] =	ssyncset.done $0x0  }
0x4b: {  	[sflag:s19] =	ssyncadd.s32 $0xFFFFD800  }
0x4c: {  	[hbm4b:s25+s3] =	stream.linear.scatter [tilespmem:s15], [sflag:$0x2], $0x2800, $0x38;
	[tilespmem:$0xEF00] =	vst v63  }
0x4d: {  	_ = 	snop  }
0x4e: {  	[hbm4b:s24+s3] =	stream.linear.scatter [tilespmem:s16], [sflag:$0x2], $0x2800, $0x38;
	[tilespmem:$0xEF00] =	vst v63  }
0x4f: {  	_ =	swait.ge [sflag:s19], $0x2800  }
0x50: {  	[sflag:s19] =	ssyncset.done $0x0  }
0x51: {  	[sflag:s19] =	ssyncadd.s32 $0xFFFFD800  }
0x52: {  	_ =	swait.ge [sflag:s19], $0x2800  }
0x53: {  	[sflag:s19] =	ssyncset.done $0x0  }
0x54: {  	s29 =	sadd.s32 $0x500, s25;
	[sflag:s19] =	ssyncadd.s32 $0xFFFFD800  }
0x55: {  	[hbm4b:s29+s3] =	stream.linear.scatter [tilespmem:s17], [sflag:$0x2], $0x2800, $0x38;
	[tilespmem:$0xEF00] =	vst v63  }
0x56: {  	s29 =	sadd.s32 $0x500, s24  }
0x57: {  	[hbm4b:s29+s3] =	stream.linear.scatter [tilespmem:s18], [sflag:$0x2], $0x2800, $0x38;
	[tilespmem:$0xEF00] =	vst v63  }
0x58: {  	_ =	swait.ge [sflag:s20], $0x2800  }
0x59: {  	[sflag:s20] =	ssyncset.done $0x0  }
0x5a: {  	[sflag:s20] =	ssyncadd.s32 $0xFFFFD800  }
0x5b: {  	_ =	swait.ge [sflag:s20], $0x2800  }
0x5c: {  	[sflag:s20] =	ssyncset.done $0x0  }
0x5d: {  	[sflag:s20] =	ssyncadd.s32 $0xFFFFD800  }
.Ltmp0:
0x5e: {  	_ =	swait.ge [sflag:s20], $0x2800;
	(pc) =	sbr.rel @p0 .LBB2_2-.Ltmp0, $4  }
0x5f: {  	[sflag:s20] =	ssyncset.done $0x0  }
0x60: {  	[sflag:s20] =	ssyncadd.s32 $0xFFFFD800  }
0x61: {  	s25 =	sadd.s32 $0xA00, s25;
	_ =	swait.ge [sflag:s20], $0x2800  }
0x62: {  	s24 =	sadd.s32 $0xA00, s24;
	s29 =	smov.u32 s28;
	[sflag:s20] =	ssyncset.done $0x0  }
0x63: {  	s26 =	sshra.s32 s26, $0x2;
	[sflag:s20] =	ssyncadd.s32 $0xFFFFD800  }
0x64: {  	[tilespmem:s15], [sflag:$0x1] =	stream.indirect.gather [hbm4b:s2+s14], $0x80, s26, s14, $0xb8;
	[tilespmem:$0xEF00] =	vst v63  }
0x65: {  	s28 =	sadd.s32 $0x2780, s26  }
0x66: {  	[tilespmem:s16], [sflag:$0x1] =	stream.indirect.gather [hbm4b:s4+s14], $0x80, s28, s14, $0xb8;
	[tilespmem:$0xEF00] =	vst v63  }
0x67: {  	s29 =	sadd.s32 $0x50, s26  }
0x68: {  	[tilespmem:s17], [sflag:$0x1] =	stream.indirect.gather [hbm4b:s2+s14], $0x80, s29, s14, $0xb8;
	[tilespmem:$0xEF00] =	vst v63  }
0x69: {  	s26 =	sadd.s32 $0x27D0, s26  }
0x6a: {  	[tilespmem:s18], [sflag:$0x1] =	stream.indirect.gather [hbm4b:s4+s14], $0x80, s26, s14, $0xb8;
	[tilespmem:$0xEF00] =	vst v63  }
0x6b: {  	_ =	swait.ge [sflag:s19], $0x2800  }
0x6c: {  	[sflag:s19] =	ssyncset.done $0x0  }
0x6d: {  	[sflag:s19] =	ssyncadd.s32 $0xFFFFD800  }
0x6e: {  	_ =	swait.ge [sflag:s19], $0x2800  }
0x6f: {  	[sflag:s19] =	ssyncset.done $0x0  }
0x70: {  	[sflag:s19] =	ssyncadd.s32 $0xFFFFD800  }
0x71: {  	[hbm4b:s25+s3] =	stream.linear.scatter [tilespmem:s15], [sflag:$0x2], $0x2800, $0x38;
	[tilespmem:$0xEF00] =	vst v63  }
0x72: {  	_ = 	snop  }
0x73: {  	[hbm4b:s24+s3] =	stream.linear.scatter [tilespmem:s16], [sflag:$0x2], $0x2800, $0x38;
	[tilespmem:$0xEF00] =	vst v63  }
0x74: {  	_ =	swait.ge [sflag:s19], $0x2800  }
0x75: {  	[sflag:s19] =	ssyncset.done $0x0  }
0x76: {  	[sflag:s19] =	ssyncadd.s32 $0xFFFFD800  }
0x77: {  	_ =	swait.ge [sflag:s19], $0x2800  }
0x78: {  	[sflag:s19] =	ssyncset.done $0x0  }
0x79: {  	s30 =	sadd.s32 $0x500, s25;
	[sflag:s19] =	ssyncadd.s32 $0xFFFFD800  }
0x7a: {  	[hbm4b:s30+s3] =	stream.linear.scatter [tilespmem:s17], [sflag:$0x2], $0x2800, $0x38;
	[tilespmem:$0xEF00] =	vst v63  }
0x7b: {  	s31 =	sadd.s32 $0x500, s24  }
0x7c: {  	[hbm4b:s31+s3] =	stream.linear.scatter [tilespmem:s18], [sflag:$0x2], $0x2800, $0x38;
	[tilespmem:$0xEF00] =	vst v63  }
0x7d: {  	_ =	swait.ge [sflag:s20], $0x2800  }
0x7e: {  	[sflag:s20] =	ssyncset.done $0x0  }
0x7f: {  	[sflag:s20] =	ssyncadd.s32 $0xFFFFD800  }
0x80: {  	_ =	swait.ge [sflag:s20], $0x2800  }
0x81: {  	[sflag:s20] =	ssyncset.done $0x0  }
0x82: {  	[sflag:s20] =	ssyncadd.s32 $0xFFFFD800  }
0x83: {  	_ =	swait.ge [sflag:s20], $0x2800  }
0x84: {  	[sflag:s20] =	ssyncset.done $0x0  }
0x85: {  	[sflag:s20] =	ssyncadd.s32 $0xFFFFD800  }
0x86: {  	_ =	swait.ge [sflag:s20], $0x2800  }
0x87: {  	[sflag:s20] =	ssyncset.done $0x0  }
0x88: {  	[sflag:s20] =	ssyncadd.s32 $0xFFFFD800  }
0x89: {  	[tilespmem:s15], [sflag:$0x1] =	stream.indirect.gather [hbm4b:s2+s14], $0x80, s21, s14, $0xb8;
	[tilespmem:$0xEF00] =	vst v63  }
0x8a: {  	_ = 	snop  }
0x8b: {  	[tilespmem:s16], [sflag:$0x1] =	stream.indirect.gather [hbm4b:s4+s14], $0x80, s22, s14, $0xb8;
	[tilespmem:$0xEF00] =	vst v63  }
0x8c: {  	_ =	swait.ge [sflag:s19], $0x2800  }
0x8d: {  	[sflag:s19] =	ssyncset.done $0x0  }
0x8e: {  	[sflag:s19] =	ssyncadd.s32 $0xFFFFD800  }
0x8f: {  	_ =	swait.ge [sflag:s19], $0x2800  }
0x90: {  	[sflag:s19] =	ssyncset.done $0x0  }
0x91: {  	[sflag:s19] =	ssyncadd.s32 $0xFFFFD800  }
0x92: {  	[hbm4b:s7+s3] =	stream.linear.scatter [tilespmem:s15], [sflag:$0x3], $0x2800, $0x38;
	[tilespmem:$0xEF00] =	vst v63  }
0x93: {  	s23 =	sadd.s32 $0x1, s23;
	_ =	swait.ge [sflag:s12], $0x2800  }
0x94: {  	p0 =	sne.s32 s23, s9;
	[sflag:s12] =	ssyncset.done $0x0  }
.Ltmp1:
0x95: {  	[sflag:s12] =	ssyncadd.s32 $0xFFFFD800;
	(pc) =	sbr.rel @p0 .LBB2_1-.Ltmp1, $4  }
0x96: {  	[hbm4b:s8+s3] =	stream.linear.scatter [tilespmem:s16], [sflag:$0x3], $0x2800, $0x38;
	[tilespmem:$0xEF00] =	vst v63  }
0x97: {  	_ =	swait.ge [sflag:s12], $0x2800  }
0x98: {  	[sflag:s12] =	ssyncset.done $0x0  }
0x99: {  	[sflag:s12] =	ssyncadd.s32 $0xFFFFD800  }
0x9a: {  	_ =	sfence.sel $0x180000  }
0x9b: {  	[bflag:$0x0] =	sbarrier.arrive $0xFFFF  }
0x9c: {  	p0 =	sne.s32 s0, $0x0;
	_ =	strace $0x90000047  }
0x9d: {  	s0 =	sadd.s32 @!p0 $0x100000, s1;
	[bflag:$0x2] =	sbarrier.arrive $0xFFFF  }
0x9e: {  	[sflag:s0] =	ssyncadd.tile.s32 @!p0 $0x1;
	_ =	shalt  }
.Lfunc_end2:
_tile_overlayer_lowered:
.L_overlay_start_2:
0x9f: {  	(tag) =	ssettag $0x2  }
0xa0: {  	s0 =	rddreg [dreg:$0x0];
	s2 =	stileid.u32  }
0xa1: {  	s1 =	rddreg [dreg:$0x1];
	p0 =	sne.s32 s2, $0x0  }
0xa2: {  	s3 =	rddreg [dreg:$0x2];
	[bflag:$0x3] =	sbarrier.arrive $0xFFFF;
	s2 =	simm.s32 @!p0 $0x1C03  }
0xa3: {  	[timem:s3], [sflag:s2] =	dma.local @!p0 [hbm:s0], s1  }
0xa4: {  	s0 =	simm.s32 @!p0 $0x3  }
0xa5: {  	_ =	swait.ge @!p0 [sflag:s0], s1  }
0xa6: {  	s1 =	ssub.s32 @!p0 $0x0, s1;
	[sflag:s0] =	ssyncset.done @!p0 $0x0  }
0xa7: {  	[sflag:s0] =	ssyncadd.s32 @!p0 s1  }
0xa8: {  	[bflag:$0x3] =	sbarrier.arrive $0xFFFF  }
0xa9: {  	_ =	shalt  }

</sc_bundles>
